<compile_context>
chip_gen: v7x
topology: tpu7x:2x2x1
jax: 0.10.2.dev20260603
libtpu: 0.0.44.dev20260713+nightly
codegen_flags: <defaults>
</compile_context>

<pallas_src>
import functools

import jax
import jax.numpy as jnp
from jax import lax
from jax.experimental import pallas as pl
from jax.experimental.pallas import tpu as pltpu
from jax.experimental.pallas import tpu_sc as plsc

_E = 320000
_D = 128
_DB = 16
_NN = 10000
_DOUT = 2 * _D + _DB

_CPT = 8
_BE = 640
_NBLK = _E // _BE
_BT = _BE // 128
_ETC = _E // 128
_BINT = 4
_NBCH = _ETC // _BINT


def _build():
    mesh = plsc.VectorSubcoreMesh(core_axis_name="c", subcore_axis_name="s")

    @functools.partial(
        pl.kernel,
        out_type=jax.ShapeDtypeStruct((_DOUT // 8, _ETC * 8, 128),
                                      jnp.float32),
        mesh=mesh,
        scratch_types=[
            pltpu.VMEM((_NN, _CPT), jnp.float32),
            pltpu.VMEM((_BE, _CPT), jnp.int32),
            pltpu.VMEM((_BE, _CPT), jnp.int32),
            pltpu.VMEM((1, _BT * 8, 130), jnp.float32),
            pltpu.VMEM((1, _BT * 8, 130), jnp.float32),
            pltpu.VMEM((_DB // 2, _BINT * 128), jnp.float32),
            pltpu.VMEM((1, _BINT * 8, 128), jnp.float32),
            pltpu.SemaphoreType.DMA,
            pltpu.SemaphoreType.DMA,
            pltpu.SemaphoreType.DMA,
            pltpu.SemaphoreType.DMA,
        ],
        compiler_params=pltpu.CompilerParams(
            use_tc_tiling_on_sc=False, needs_layout_passes=False),
    )
    def sc_join(unary, binary_t, idx1, idx2, out,
                table_v, idx_v0, idx_v1, out3_v0, out3_v1,
                bin_v, bin3_v, sem_i0, sem_i1, sem_o0, sem_o1):
        c = lax.axis_index("c")
        s = lax.axis_index("s")
        col = s * _CPT

        pltpu.sync_copy(unary.at[pl.ds(0, _NN), pl.ds(col, _CPT)], table_v)

        iota = lax.iota(jnp.int32, 16)
        c_vec = lax.bitwise_and(iota, 7)
        e_vec0 = lax.shift_right_logical(iota, 3)
        zero_vec = jnp.zeros((16,), jnp.int32)

        idx_bufs = (idx_v0, idx_v1)
        out3_bufs = (out3_v0, out3_v1)
        sem_i = (sem_i0, sem_i1)
        sem_o = (sem_o0, sem_o1)

        def repack(src_v, dst_v, nrows, ntiles):
            for r in range(nrows):
                @plsc.parallel_loop(0, ntiles * 8, unroll=8)
                def rep(k):
                    val = src_v[r, pl.ds(16 * k, 16)]
                    row_vec = zero_vec + 8 * (k // 8) + r
                    col_vec = iota + (k % 8) * 16
                    plsc.store_scatter(dst_v, [zero_vec, row_vec, col_vec],
                                       val)

        def gather_half(idx_hbm, tr0):
            tr = tr0 + s

            def idx_src(b):
                return idx_hbm.at[pl.ds(b * _BE, _BE), pl.ds(col, _CPT)]

            def out_dst(b):
                return out.at[pl.ds(tr, 1),
                              pl.ds(pl.multiple_of(b * (_BT * 8), 8),
                                    _BT * 8),
                              pl.ds(0, 128)]

            def out3_src(p):
                return out3_bufs[p].at[pl.ds(0, 1), pl.ds(0, _BT * 8),
                                       pl.ds(0, 128)]

            pltpu.async_copy(idx_src(0), idx_bufs[0], sem_i[0])

            def pair(b2, _):
                for p in range(2):
                    b = 2 * b2 + p
                    pltpu.make_async_copy(
                        idx_src(b), idx_bufs[p], sem_i[p]).wait()

                    @pl.when(b + 1 < _NBLK)
                    def _():
                        pltpu.async_copy(
                            idx_src(b + 1), idx_bufs[1 - p], sem_i[1 - p])

                    @pl.when(b2 > 0)
                    def _():
                        pltpu.make_async_copy(
                            out3_src(p), out_dst(b - 2), sem_o[p]).wait()

                    @plsc.parallel_loop(0, _BE * _CPT // 16, unroll=16)
                    def grp(k):
                        e_vec = e_vec0 + 2 * k
                        tcb = k // 64
                        r = plsc.load_gather(idx_bufs[p], [e_vec, c_vec])
                        val = plsc.load_gather(table_v, [r, c_vec])
                        plsc.store_scatter(
                            out3_bufs[p],
                            [zero_vec, 8 * tcb + c_vec, e_vec - 128 * tcb],
                            val)

                    pltpu.async_copy(out3_src(p), out_dst(b), sem_o[p])
                return 0

            lax.fori_loop(0, _NBLK // 2, pair, 0)

            for p in range(2):
                pltpu.make_async_copy(
                    out3_src(p), out_dst(_NBLK - 2 + p), sem_o[p]).wait()

        @pl.when(c == 0)
        def _():
            gather_half(idx1, 0)

        @pl.when(c == 1)
        def _():
            gather_half(idx2, 16)

        def bloop(m, _):
            ch = m * 16 + s

            @pl.when(ch < _NBCH)
            def _():
                e0 = ch * (_BINT * 128)
                pltpu.sync_copy(
                    binary_t.at[pl.ds(c * 8, 8), pl.ds(e0, _BINT * 128)],
                    bin_v)
                repack(bin_v, bin3_v, 8, _BINT)
                pltpu.sync_copy(
                    bin3_v,
                    out.at[pl.ds(32 + c, 1),
                           pl.ds(pl.multiple_of(ch * (_BINT * 8), 8),
                                 _BINT * 8),
                           pl.ds(0, 128)])
            return 0

        lax.fori_loop(0, (_NBCH + 15) // 16, bloop, 0)

    return sc_join


_kernel_fn = _build()


def kernel(unary, binary, index1, index2):
    index1 = jnp.squeeze(index1)
    index2 = jnp.squeeze(index2)
    out3 = _kernel_fn(unary, binary.T, index1, index2)
    out4 = out3.reshape(_DOUT // 8, _ETC, 8, 128)
    out_t = out4.transpose(0, 2, 1, 3).reshape(_DOUT, _E)
    return out_t.T

# --- scband reference (transcript-rebuilt; emitter-appended) ---
"""Pipeline reference for scband-join-16217796510108 (READ-ONLY COPY).

The authoritative reference and input builder live on the scoring server;
editing this copy changes nothing except your own understanding.
"""

import jax, jax.numpy as jnp
import numpy as np

N_NODES = 10000
N_EDGES = 320000
D_FEAT = 128
D_EDGE = 16


def setup_inputs(seed: int = 0) -> dict:
    key = jax.random.key(seed)
    k1, k2, k3, k4 = jax.random.split(key, 4)
    unary = jax.random.normal(k1, (N_NODES, D_FEAT), dtype=jnp.float32)
    binary = jax.random.normal(k2, (N_EDGES, D_EDGE), dtype=jnp.float32)
    index1 = jax.random.randint(k3, (N_EDGES, D_FEAT), 0, N_NODES, dtype=jnp.int64 if jax.config.jax_enable_x64 else jnp.int32).astype(jnp.int32)
    index2 = jax.random.randint(k4, (N_EDGES, D_FEAT), 0, N_NODES, dtype=jnp.int64 if jax.config.jax_enable_x64 else jnp.int32).astype(jnp.int32)
    return {"unary": unary, "binary": binary, "index1": index1, "index2": index2}


def reference(unary, binary, index1, index2):
    # torch.squeeze: remove size-1 dims (no-op here since shapes are [E, d])
    index1 = jnp.squeeze(index1)
    index2 = jnp.squeeze(index2)
    if index1.ndim == 0 and index2.ndim == 0:
        index1 = index1[None]
        index2 = index2[None]
    # torch.gather(unary, 0, index) -> out[e, j] = unary[index[e, j], j]
    g1 = jnp.take_along_axis(unary, index1, axis=0)
    g2 = jnp.take_along_axis(unary, index2, axis=0)
    return jnp.concatenate([g1, g2, binary], axis=1)

if __name__ == "__main__":
    import jax
    _d = setup_inputs()
    print(jax.jit(kernel)(*tuple(_d.values())))

</pallas_src>

<mosaic_0001>
#map = affine_map<(d0, d1) -> (0, 0)>
#map1 = affine_map<(d0, d1) -> (0, 0, 0)>
module attributes {stable_mosaic.version = 14 : i64} {
  func.func @sc_join(%arg0: i32, %arg1: i32, %arg2: memref<10000x128xf32, #tpu.memory_space<hbm>>, %arg3: memref<16x320000xf32, #tpu.memory_space<hbm>>, %arg4: memref<320000x128xi32, #tpu.memory_space<hbm>>, %arg5: memref<320000x128xi32, #tpu.memory_space<hbm>>, %arg6: memref<34x20000x128xf32, #tpu.memory_space<hbm>>, %arg7: memref<10000x8xf32, #tpu.memory_space<vmem>>, %arg8: memref<640x8xi32, #tpu.memory_space<vmem>>, %arg9: memref<640x8xi32, #tpu.memory_space<vmem>>, %arg10: memref<1x40x130xf32, #tpu.memory_space<vmem>>, %arg11: memref<1x40x130xf32, #tpu.memory_space<vmem>>, %arg12: memref<8x512xf32, #tpu.memory_space<vmem>>, %arg13: memref<1x32x128xf32, #tpu.memory_space<vmem>>, %arg14: memref<!tpu.dma_semaphore, #tpu.memory_space<semaphore_mem>>, %arg15: memref<!tpu.dma_semaphore, #tpu.memory_space<semaphore_mem>>, %arg16: memref<!tpu.dma_semaphore, #tpu.memory_space<semaphore_mem>>, %arg17: memref<!tpu.dma_semaphore, #tpu.memory_space<semaphore_mem>>) attributes {dimension_semantics = [#tpu.dimension_semantics<core_parallel>, #tpu.dimension_semantics<subcore_parallel>], iteration_bounds = array<i64: 2, 16>, scalar_prefetch = 0 : i64, scratch_operands = 11 : i64, tpu.core_type = #tpu.core_type<sc_vector_subcore>, window_params = [{transform_indices = #map}, {transform_indices = #map}, {transform_indices = #map}, {transform_indices = #map}, {transform_indices = #map1}]} {
    %mul3A = arith.constant 8 : i32
    %mul3A_0 = arith.muli %arg1, %mul3A : i32
    "tpu.region"() ({
      %run_scoped3A = tpu.sem_alloc : memref<!tpu.dma_semaphore, #tpu.memory_space<semaphore_mem>>
      %dma_start3A = arith.constant 0 : i32
      %dma_start3A_19 = tpu.memref_slice %arg2[%dma_start3A, %mul3A_0] : memref<10000x128xf32, #tpu.memory_space<hbm>> -> memref<10000x8xf32, #tpu.memory_space<hbm>>
      %dma_start3A_20 = arith.constant 0 : i32
      %dma_start3A_21 = tpu.memref_slice %arg2[%dma_start3A_20, %mul3A_0] : memref<10000x128xf32, #tpu.memory_space<hbm>> -> memref<10000x8xf32, #tpu.memory_space<hbm>>
      tpu.enqueue_dma source(%dma_start3A_21 : memref<10000x8xf32, #tpu.memory_space<hbm>>) target(%arg7 : memref<10000x8xf32, #tpu.memory_space<vmem>>) target_semaphore(%run_scoped3A : memref<!tpu.dma_semaphore, #tpu.memory_space<semaphore_mem>>)
      %dma_wait3A = arith.constant 0 : i32
      %dma_wait3A_22 = tpu.memref_slice %arg2[%dma_wait3A, %mul3A_0] : memref<10000x128xf32, #tpu.memory_space<hbm>> -> memref<10000x8xf32, #tpu.memory_space<hbm>>
      %dma_wait3A_23 = arith.constant 0 : i32
      %dma_wait3A_24 = tpu.memref_slice %arg2[%dma_wait3A_23, %mul3A_0] : memref<10000x128xf32, #tpu.memory_space<hbm>> -> memref<10000x8xf32, #tpu.memory_space<hbm>>
      tpu.wait_dma2 semaphore(%run_scoped3A : memref<!tpu.dma_semaphore, #tpu.memory_space<semaphore_mem>>) src(%dma_wait3A_24 : memref<10000x8xf32, #tpu.memory_space<hbm>>) dst(%arg7 : memref<10000x8xf32, #tpu.memory_space<vmem>>)
      tpu.yield
    }) : () -> ()
    %iota3A = tpu.iota {dimensions = array<i32: 0>} : vector<16xi32>
    %and3A = arith.constant 7 : i32
    %and3A_1 = vector.broadcast %and3A : i32 to vector<16xi32>
    %and3A_2 = arith.andi %iota3A, %and3A_1 : vector<16xi32>
    %shift_right_logical3A = arith.constant 3 : i32
    %shift_right_logical3A_3 = vector.broadcast %shift_right_logical3A : i32 to vector<16xi32>
    %shift_right_logical3A_4 = arith.shrui %iota3A, %shift_right_logical3A_3 : vector<16xi32>
    %broadcast_in_dim3A = arith.constant 0 : i32
    %broadcast_in_dim3A_5 = vector.broadcast %broadcast_in_dim3A : i32 to vector<16xi32>
    %eq3A = arith.constant 0 : i32
    %eq3A_6 = arith.cmpi eq, %arg0, %eq3A : i32
    %convert_element_type3A = arith.extui %eq3A_6 : i1 to i32
    %cond3A = arith.constant 0 : i32
    %cond3A_7 = arith.cmpi ne, %convert_element_type3A, %cond3A : i32
    scf.if %cond3A_7 {
      %add3A = arith.constant 0 : i32
      %add3A_19 = arith.addi %add3A, %arg1 : i32
      %dma_start3A = arith.constant 0 : i32
      %dma_start3A_20 = tpu.memref_slice %arg4[%dma_start3A, %mul3A_0] : memref<320000x128xi32, #tpu.memory_space<hbm>> -> memref<640x8xi32, #tpu.memory_space<hbm>>
      %dma_start3A_21 = arith.constant 0 : i32
      %dma_start3A_22 = tpu.memref_slice %arg4[%dma_start3A_21, %mul3A_0] : memref<320000x128xi32, #tpu.memory_space<hbm>> -> memref<640x8xi32, #tpu.memory_space<hbm>>
      tpu.enqueue_dma source(%dma_start3A_22 : memref<640x8xi32, #tpu.memory_space<hbm>>) target(%arg8 : memref<640x8xi32, #tpu.memory_space<vmem>>) target_semaphore(%arg14 : memref<!tpu.dma_semaphore, #tpu.memory_space<semaphore_mem>>)
      %scan3A_23 = arith.constant 0 : i32
      %scan3A_24 = arith.constant 0 : i32
      %scan3A_25 = arith.constant 250 : i32
      %scan3A_26 = arith.addi %scan3A_24, %scan3A_25 : i32
      %scan3A_27 = arith.constant 1 : i32
      %scan3A_28 = scf.for %scan3A_56 = %scan3A_24 to %scan3A_26 step %scan3A_27 iter_args(%scan3A_57 = %scan3A_23) -> (i32)  : i32 {
        %mul3A_58 = arith.constant 2 : i32
        %mul3A_59 = arith.muli %mul3A_58, %scan3A_56 : i32
        %add3A_60 = arith.constant 0 : i32
        %add3A_61 = arith.addi %mul3A_59, %add3A_60 : i32
        %mul3A_62 = arith.constant 640 : i32
        %mul3A_63 = arith.muli %add3A_61, %mul3A_62 : i32
        %dma_wait3A_64 = tpu.memref_slice %arg4[%mul3A_63, %mul3A_0] : memref<320000x128xi32, #tpu.memory_space<hbm>> -> memref<640x8xi32, #tpu.memory_space<hbm>>
        %dma_wait3A_65 = tpu.memref_slice %arg4[%mul3A_63, %mul3A_0] : memref<320000x128xi32, #tpu.memory_space<hbm>> -> memref<640x8xi32, #tpu.memory_space<hbm>>
        tpu.wait_dma2 semaphore(%arg14 : memref<!tpu.dma_semaphore, #tpu.memory_space<semaphore_mem>>) src(%dma_wait3A_65 : memref<640x8xi32, #tpu.memory_space<hbm>>) dst(%arg8 : memref<640x8xi32, #tpu.memory_space<vmem>>)
        %add3A_66 = arith.constant 1 : i32
        %add3A_67 = arith.addi %add3A_61, %add3A_66 : i32
        %lt3A = arith.constant 500 : i32
        %lt3A_68 = arith.cmpi slt, %add3A_67, %lt3A : i32
        %convert_element_type3A_69 = arith.extui %lt3A_68 : i1 to i32
        %cond3A_70 = arith.constant 0 : i32
        %cond3A_71 = arith.cmpi ne, %convert_element_type3A_69, %cond3A_70 : i32
        scf.if %cond3A_71 {
          %add3A_132 = arith.constant 1 : i32
          %add3A_133 = arith.addi %add3A_61, %add3A_132 : i32
          %mul3A_134 = arith.constant 640 : i32
          %mul3A_135 = arith.muli %add3A_133, %mul3A_134 : i32
          %dma_start3A_136 = tpu.memref_slice %arg4[%mul3A_135, %mul3A_0] : memref<320000x128xi32, #tpu.memory_space<hbm>> -> memref<640x8xi32, #tpu.memory_space<hbm>>
          %dma_start3A_137 = tpu.memref_slice %arg4[%mul3A_135, %mul3A_0] : memref<320000x128xi32, #tpu.memory_space<hbm>> -> memref<640x8xi32, #tpu.memory_space<hbm>>
          tpu.enqueue_dma source(%dma_start3A_137 : memref<640x8xi32, #tpu.memory_space<hbm>>) target(%arg9 : memref<640x8xi32, #tpu.memory_space<vmem>>) target_semaphore(%arg15 : memref<!tpu.dma_semaphore, #tpu.memory_space<semaphore_mem>>)
        } else {
        }
        %gt3A = arith.constant 0 : i32
        %gt3A_72 = arith.cmpi sgt, %scan3A_56, %gt3A : i32
        %convert_element_type3A_73 = arith.extui %gt3A_72 : i1 to i32
        %cond3A_74 = arith.constant 0 : i32
        %cond3A_75 = arith.cmpi ne, %convert_element_type3A_73, %cond3A_74 : i32
        scf.if %cond3A_75 {
          %sub3A = arith.constant 2 : i32
          %sub3A_132 = arith.subi %add3A_61, %sub3A : i32
          %mul3A_133 = arith.constant 40 : i32
          %mul3A_134 = arith.muli %sub3A_132, %mul3A_133 : i32
          %multiple_of3A_135 = tpu.assume_multiple %mul3A_134, 8 : i32
          %dma_wait3A_136 = arith.constant 0 : i32
          %dma_wait3A_137 = arith.constant 0 : i32
          %dma_wait3A_138 = arith.constant 0 : i32
          %dma_wait3A_139 = tpu.memref_slice %arg10[%dma_wait3A_136, %dma_wait3A_137, %dma_wait3A_138] : memref<1x40x130xf32, #tpu.memory_space<vmem>> -> memref<1x40x128xf32, #tpu.memory_space<vmem>>
          %dma_wait3A_140 = arith.constant 0 : i32
          %dma_wait3A_141 = tpu.memref_slice %arg6[%add3A_19, %multiple_of3A_135, %dma_wait3A_140] : memref<34x20000x128xf32, #tpu.memory_space<hbm>> -> memref<1x40x128xf32, #tpu.memory_space<hbm>>
          %dma_wait3A_142 = arith.constant 0 : i32
          %dma_wait3A_143 = tpu.memref_slice %arg6[%add3A_19, %multiple_of3A_135, %dma_wait3A_142] : memref<34x20000x128xf32, #tpu.memory_space<hbm>> -> memref<1x40x128xf32, #tpu.memory_space<hbm>>
          %dma_wait3A_144 = arith.constant 0 : i32
          %dma_wait3A_145 = arith.constant 0 : i32
          %dma_wait3A_146 = arith.constant 0 : i32
          %dma_wait3A_147 = tpu.memref_slice %arg10[%dma_wait3A_144, %dma_wait3A_145, %dma_wait3A_146] : memref<1x40x130xf32, #tpu.memory_space<vmem>> -> memref<1x40x128xf32, #tpu.memory_space<vmem>>
          tpu.wait_dma2 semaphore(%arg16 : memref<!tpu.dma_semaphore, #tpu.memory_space<semaphore_mem>>) src(%dma_wait3A_147 : memref<1x40x128xf32, #tpu.memory_space<vmem>>) dst(%dma_wait3A_143 : memref<1x40x128xf32, #tpu.memory_space<hbm>>)
        } else {
        }
        %parallel_loop3A = arith.constant 0 : i32
        %parallel_loop3A_76 = arith.constant 320 : i32
        %parallel_loop3A_77 = arith.constant 1 : i32
        scf.for %parallel_loop3A_132 = %parallel_loop3A to %parallel_loop3A_76 step %parallel_loop3A_77  : i32 {
          %parallel_loop3A_133 = arith.constant 2 : i32
          %parallel_loop3A_134 = arith.muli %parallel_loop3A_133, %parallel_loop3A_132 : i32
          %parallel_loop3A_135 = vector.broadcast %parallel_loop3A_134 : i32 to vector<16xi32>
          %parallel_loop3A_136 = arith.addi %shift_right_logical3A_4, %parallel_loop3A_135 : vector<16xi32>
          %parallel_loop3A_137 = arith.constant 64 : i32
          %parallel_loop3A_138 = arith.divsi %parallel_loop3A_132, %parallel_loop3A_137 : i32
          %parallel_loop3A_139 = arith.constant 0 : i32
          %parallel_loop3A_140 = arith.cmpi sgt, %parallel_loop3A_132, %parallel_loop3A_139 : i32
          %parallel_loop3A_141 = arith.extui %parallel_loop3A_140 : i1 to i32
          %parallel_loop3A_142 = arith.constant 0 : i32
          %parallel_loop3A_143 = arith.cmpi slt, %parallel_loop3A_132, %parallel_loop3A_142 : i32
          %parallel_loop3A_144 = arith.extui %parallel_loop3A_143 : i1 to i32
          %parallel_loop3A_145 = arith.subi %parallel_loop3A_141, %parallel_loop3A_144 : i32
          %parallel_loop3A_146 = arith.constant 0 : i32
          %parallel_loop3A_147 = arith.cmpi sgt, %parallel_loop3A_137, %parallel_loop3A_146 : i32
          %parallel_loop3A_148 = arith.extui %parallel_loop3A_147 : i1 to i32
          %parallel_loop3A_149 = arith.constant 0 : i32
          %parallel_loop3A_150 = arith.cmpi slt, %parallel_loop3A_137, %parallel_loop3A_149 : i32
          %parallel_loop3A_151 = arith.extui %parallel_loop3A_150 : i1 to i32
          %parallel_loop3A_152 = arith.subi %parallel_loop3A_148, %parallel_loop3A_151 : i32
          %parallel_loop3A_153 = arith.cmpi ne, %parallel_loop3A_145, %parallel_loop3A_152 : i32
          %parallel_loop3A_154 = arith.remsi %parallel_loop3A_132, %parallel_loop3A_137 : i32
          %parallel_loop3A_155 = arith.constant 0 : i32
          %parallel_loop3A_156 = arith.cmpi ne, %parallel_loop3A_154, %parallel_loop3A_155 : i32
          %parallel_loop3A_157 = arith.andi %parallel_loop3A_153, %parallel_loop3A_156 : i1
          %parallel_loop3A_158 = arith.constant 1 : i32
          %parallel_loop3A_159 = arith.subi %parallel_loop3A_138, %parallel_loop3A_158 : i32
          %parallel_loop3A_160 = arith.select %parallel_loop3A_157, %parallel_loop3A_159, %parallel_loop3A_138 : i32
          %parallel_loop3A_161 = tpu.vector_load_idx %arg8[%parallel_loop3A_136, %and3A_2] : memref<640x8xi32, #tpu.memory_space<vmem>>[vector<16xi32>, vector<16xi32>], vector<16xi32>,
          %parallel_loop3A_162 = tpu.vector_load_idx %arg7[%parallel_loop3A_161, %and3A_2] : memref<10000x8xf32, #tpu.memory_space<vmem>>[vector<16xi32>, vector<16xi32>], vector<16xf32>,
          %parallel_loop3A_163 = arith.constant 8 : i32
          %parallel_loop3A_164 = arith.muli %parallel_loop3A_163, %parallel_loop3A_160 : i32
          %parallel_loop3A_165 = vector.broadcast %parallel_loop3A_164 : i32 to vector<16xi32>
          %parallel_loop3A_166 = arith.addi %parallel_loop3A_165, %and3A_2 : vector<16xi32>
          %parallel_loop3A_167 = arith.constant 128 : i32
          %parallel_loop3A_168 = arith.muli %parallel_loop3A_167, %parallel_loop3A_160 : i32
          %parallel_loop3A_169 = vector.broadcast %parallel_loop3A_168 : i32 to vector<16xi32>
          %parallel_loop3A_170 = arith.subi %parallel_loop3A_136, %parallel_loop3A_169 : vector<16xi32>
          tpu.vector_store_idx %arg10[%broadcast_in_dim3A_5, %parallel_loop3A_166, %parallel_loop3A_170], %parallel_loop3A_162 : memref<1x40x130xf32, #tpu.memory_space<vmem>>[vector<16xi32>, vector<16xi32>, vector<16xi32>], vector<16xf32>,
        } {sc.loop_unroll_factor = 16 : i64, sc.parallel_access}
        %mul3A_78 = arith.constant 40 : i32
        %mul3A_79 = arith.muli %add3A_61, %mul3A_78 : i32
        %multiple_of3A_80 = tpu.assume_multiple %mul3A_79, 8 : i32
        %dma_start3A_81 = arith.constant 0 : i32
        %dma_start3A_82 = arith.constant 0 : i32
        %dma_start3A_83 = arith.constant 0 : i32
        %dma_start3A_84 = tpu.memref_slice %arg10[%dma_start3A_81, %dma_start3A_82, %dma_start3A_83] : memref<1x40x130xf32, #tpu.memory_space<vmem>> -> memref<1x40x128xf32, #tpu.memory_space<vmem>>
        %dma_start3A_85 = arith.constant 0 : i32
        %dma_start3A_86 = tpu.memref_slice %arg6[%add3A_19, %multiple_of3A_80, %dma_start3A_85] : memref<34x20000x128xf32, #tpu.memory_space<hbm>> -> memref<1x40x128xf32, #tpu.memory_space<hbm>>
        %dma_start3A_87 = arith.constant 0 : i32
        %dma_start3A_88 = tpu.memref_slice %arg6[%add3A_19, %multiple_of3A_80, %dma_start3A_87] : memref<34x20000x128xf32, #tpu.memory_space<hbm>> -> memref<1x40x128xf32, #tpu.memory_space<hbm>>
        %dma_start3A_89 = arith.constant 0 : i32
        %dma_start3A_90 = arith.constant 0 : i32
        %dma_start3A_91 = arith.constant 0 : i32
        %dma_start3A_92 = tpu.memref_slice %arg10[%dma_start3A_89, %dma_start3A_90, %dma_start3A_91] : memref<1x40x130xf32, #tpu.memory_space<vmem>> -> memref<1x40x128xf32, #tpu.memory_space<vmem>>
        tpu.enqueue_dma source(%dma_start3A_92 : memref<1x40x128xf32, #tpu.memory_space<vmem>>) target(%dma_start3A_88 : memref<1x40x128xf32, #tpu.memory_space<hbm>>) target_semaphore(%arg16 : memref<!tpu.dma_semaphore, #tpu.memory_space<semaphore_mem>>)
        %mul3A_93 = arith.constant 2 : i32
        %mul3A_94 = arith.muli %mul3A_93, %scan3A_56 : i32
        %add3A_95 = arith.constant 1 : i32
        %add3A_96 = arith.addi %mul3A_94, %add3A_95 : i32
        %mul3A_97 = arith.constant 640 : i32
        %mul3A_98 = arith.muli %add3A_96, %mul3A_97 : i32
        %dma_wait3A_99 = tpu.memref_slice %arg4[%mul3A_98, %mul3A_0] : memref<320000x128xi32, #tpu.memory_space<hbm>> -> memref<640x8xi32, #tpu.memory_space<hbm>>
        %dma_wait3A_100 = tpu.memref_slice %arg4[%mul3A_98, %mul3A_0] : memref<320000x128xi32, #tpu.memory_space<hbm>> -> memref<640x8xi32, #tpu.memory_space<hbm>>
        tpu.wait_dma2 semaphore(%arg15 : memref<!tpu.dma_semaphore, #tpu.memory_space<semaphore_mem>>) src(%dma_wait3A_100 : memref<640x8xi32, #tpu.memory_space<hbm>>) dst(%arg9 : memref<640x8xi32, #tpu.memory_space<vmem>>)
        %add3A_101 = arith.constant 1 : i32
        %add3A_102 = arith.addi %add3A_96, %add3A_101 : i32
        %lt3A_103 = arith.constant 500 : i32
        %lt3A_104 = arith.cmpi slt, %add3A_102, %lt3A_103 : i32
        %convert_element_type3A_105 = arith.extui %lt3A_104 : i1 to i32
        %cond3A_106 = arith.constant 0 : i32
        %cond3A_107 = arith.cmpi ne, %convert_element_type3A_105, %cond3A_106 : i32
        scf.if %cond3A_107 {
          %add3A_132 = arith.constant 1 : i32
          %add3A_133 = arith.addi %add3A_96, %add3A_132 : i32
          %mul3A_134 = arith.constant 640 : i32
          %mul3A_135 = arith.muli %add3A_133, %mul3A_134 : i32
          %dma_start3A_136 = tpu.memref_slice %arg4[%mul3A_135, %mul3A_0] : memref<320000x128xi32, #tpu.memory_space<hbm>> -> memref<640x8xi32, #tpu.memory_space<hbm>>
          %dma_start3A_137 = tpu.memref_slice %arg4[%mul3A_135, %mul3A_0] : memref<320000x128xi32, #tpu.memory_space<hbm>> -> memref<640x8xi32, #tpu.memory_space<hbm>>
          tpu.enqueue_dma source(%dma_start3A_137 : memref<640x8xi32, #tpu.memory_space<hbm>>) target(%arg8 : memref<640x8xi32, #tpu.memory_space<vmem>>) target_semaphore(%arg14 : memref<!tpu.dma_semaphore, #tpu.memory_space<semaphore_mem>>)
        } else {
        }
        %gt3A_108 = arith.constant 0 : i32
        %gt3A_109 = arith.cmpi sgt, %scan3A_56, %gt3A_108 : i32
        %convert_element_type3A_110 = arith.extui %gt3A_109 : i1 to i32
        %cond3A_111 = arith.constant 0 : i32
        %cond3A_112 = arith.cmpi ne, %convert_element_type3A_110, %cond3A_111 : i32
        scf.if %cond3A_112 {
          %sub3A = arith.constant 2 : i32
          %sub3A_132 = arith.subi %add3A_96, %sub3A : i32
          %mul3A_133 = arith.constant 40 : i32
          %mul3A_134 = arith.muli %sub3A_132, %mul3A_133 : i32
          %multiple_of3A_135 = tpu.assume_multiple %mul3A_134, 8 : i32
          %dma_wait3A_136 = arith.constant 0 : i32
          %dma_wait3A_137 = arith.constant 0 : i32
          %dma_wait3A_138 = arith.constant 0 : i32
          %dma_wait3A_139 = tpu.memref_slice %arg11[%dma_wait3A_136, %dma_wait3A_137, %dma_wait3A_138] : memref<1x40x130xf32, #tpu.memory_space<vmem>> -> memref<1x40x128xf32, #tpu.memory_space<vmem>>
          %dma_wait3A_140 = arith.constant 0 : i32
          %dma_wait3A_141 = tpu.memref_slice %arg6[%add3A_19, %multiple_of3A_135, %dma_wait3A_140] : memref<34x20000x128xf32, #tpu.memory_space<hbm>> -> memref<1x40x128xf32, #tpu.memory_space<hbm>>
          %dma_wait3A_142 = arith.constant 0 : i32
          %dma_wait3A_143 = tpu.memref_slice %arg6[%add3A_19, %multiple_of3A_135, %dma_wait3A_142] : memref<34x20000x128xf32, #tpu.memory_space<hbm>> -> memref<1x40x128xf32, #tpu.memory_space<hbm>>
          %dma_wait3A_144 = arith.constant 0 : i32
          %dma_wait3A_145 = arith.constant 0 : i32
          %dma_wait3A_146 = arith.constant 0 : i32
          %dma_wait3A_147 = tpu.memref_slice %arg11[%dma_wait3A_144, %dma_wait3A_145, %dma_wait3A_146] : memref<1x40x130xf32, #tpu.memory_space<vmem>> -> memref<1x40x128xf32, #tpu.memory_space<vmem>>
          tpu.wait_dma2 semaphore(%arg17 : memref<!tpu.dma_semaphore, #tpu.memory_space<semaphore_mem>>) src(%dma_wait3A_147 : memref<1x40x128xf32, #tpu.memory_space<vmem>>) dst(%dma_wait3A_143 : memref<1x40x128xf32, #tpu.memory_space<hbm>>)
        } else {
        }
        %parallel_loop3A_113 = arith.constant 0 : i32
        %parallel_loop3A_114 = arith.constant 320 : i32
        %parallel_loop3A_115 = arith.constant 1 : i32
        scf.for %parallel_loop3A_132 = %parallel_loop3A_113 to %parallel_loop3A_114 step %parallel_loop3A_115  : i32 {
          %parallel_loop3A_133 = arith.constant 2 : i32
          %parallel_loop3A_134 = arith.muli %parallel_loop3A_133, %parallel_loop3A_132 : i32
          %parallel_loop3A_135 = vector.broadcast %parallel_loop3A_134 : i32 to vector<16xi32>
          %parallel_loop3A_136 = arith.addi %shift_right_logical3A_4, %parallel_loop3A_135 : vector<16xi32>
          %parallel_loop3A_137 = arith.constant 64 : i32
          %parallel_loop3A_138 = arith.divsi %parallel_loop3A_132, %parallel_loop3A_137 : i32
          %parallel_loop3A_139 = arith.constant 0 : i32
          %parallel_loop3A_140 = arith.cmpi sgt, %parallel_loop3A_132, %parallel_loop3A_139 : i32
          %parallel_loop3A_141 = arith.extui %parallel_loop3A_140 : i1 to i32
          %parallel_loop3A_142 = arith.constant 0 : i32
          %parallel_loop3A_143 = arith.cmpi slt, %parallel_loop3A_132, %parallel_loop3A_142 : i32
          %parallel_loop3A_144 = arith.extui %parallel_loop3A_143 : i1 to i32
          %parallel_loop3A_145 = arith.subi %parallel_loop3A_141, %parallel_loop3A_144 : i32
          %parallel_loop3A_146 = arith.constant 0 : i32
          %parallel_loop3A_147 = arith.cmpi sgt, %parallel_loop3A_137, %parallel_loop3A_146 : i32
          %parallel_loop3A_148 = arith.extui %parallel_loop3A_147 : i1 to i32
          %parallel_loop3A_149 = arith.constant 0 : i32
          %parallel_loop3A_150 = arith.cmpi slt, %parallel_loop3A_137, %parallel_loop3A_149 : i32
          %parallel_loop3A_151 = arith.extui %parallel_loop3A_150 : i1 to i32
          %parallel_loop3A_152 = arith.subi %parallel_loop3A_148, %parallel_loop3A_151 : i32
          %parallel_loop3A_153 = arith.cmpi ne, %parallel_loop3A_145, %parallel_loop3A_152 : i32
          %parallel_loop3A_154 = arith.remsi %parallel_loop3A_132, %parallel_loop3A_137 : i32
          %parallel_loop3A_155 = arith.constant 0 : i32
          %parallel_loop3A_156 = arith.cmpi ne, %parallel_loop3A_154, %parallel_loop3A_155 : i32
          %parallel_loop3A_157 = arith.andi %parallel_loop3A_153, %parallel_loop3A_156 : i1
          %parallel_loop3A_158 = arith.constant 1 : i32
          %parallel_loop3A_159 = arith.subi %parallel_loop3A_138, %parallel_loop3A_158 : i32
          %parallel_loop3A_160 = arith.select %parallel_loop3A_157, %parallel_loop3A_159, %parallel_loop3A_138 : i32
          %parallel_loop3A_161 = tpu.vector_load_idx %arg9[%parallel_loop3A_136, %and3A_2] : memref<640x8xi32, #tpu.memory_space<vmem>>[vector<16xi32>, vector<16xi32>], vector<16xi32>,
          %parallel_loop3A_162 = tpu.vector_load_idx %arg7[%parallel_loop3A_161, %and3A_2] : memref<10000x8xf32, #tpu.memory_space<vmem>>[vector<16xi32>, vector<16xi32>], vector<16xf32>,
          %parallel_loop3A_163 = arith.constant 8 : i32
          %parallel_loop3A_164 = arith.muli %parallel_loop3A_163, %parallel_loop3A_160 : i32
          %parallel_loop3A_165 = vector.broadcast %parallel_loop3A_164 : i32 to vector<16xi32>
          %parallel_loop3A_166 = arith.addi %parallel_loop3A_165, %and3A_2 : vector<16xi32>
          %parallel_loop3A_167 = arith.constant 128 : i32
          %parallel_loop3A_168 = arith.muli %parallel_loop3A_167, %parallel_loop3A_160 : i32
          %parallel_loop3A_169 = vector.broadcast %parallel_loop3A_168 : i32 to vector<16xi32>
          %parallel_loop3A_170 = arith.subi %parallel_loop3A_136, %parallel_loop3A_169 : vector<16xi32>
          tpu.vector_store_idx %arg11[%broadcast_in_dim3A_5, %parallel_loop3A_166, %parallel_loop3A_170], %parallel_loop3A_162 : memref<1x40x130xf32, #tpu.memory_space<vmem>>[vector<16xi32>, vector<16xi32>, vector<16xi32>], vector<16xf32>,
        } {sc.loop_unroll_factor = 16 : i64, sc.parallel_access}
        %mul3A_116 = arith.constant 40 : i32
        %mul3A_117 = arith.muli %add3A_96, %mul3A_116 : i32
        %multiple_of3A_118 = tpu.assume_multiple %mul3A_117, 8 : i32
        %dma_start3A_119 = arith.constant 0 : i32
        %dma_start3A_120 = arith.constant 0 : i32
        %dma_start3A_121 = arith.constant 0 : i32
        %dma_start3A_122 = tpu.memref_slice %arg11[%dma_start3A_119, %dma_start3A_120, %dma_start3A_121] : memref<1x40x130xf32, #tpu.memory_space<vmem>> -> memref<1x40x128xf32, #tpu.memory_space<vmem>>
        %dma_start3A_123 = arith.constant 0 : i32
        %dma_start3A_124 = tpu.memref_slice %arg6[%add3A_19, %multiple_of3A_118, %dma_start3A_123] : memref<34x20000x128xf32, #tpu.memory_space<hbm>> -> memref<1x40x128xf32, #tpu.memory_space<hbm>>
        %dma_start3A_125 = arith.constant 0 : i32
        %dma_start3A_126 = tpu.memref_slice %arg6[%add3A_19, %multiple_of3A_118, %dma_start3A_125] : memref<34x20000x128xf32, #tpu.memory_space<hbm>> -> memref<1x40x128xf32, #tpu.memory_space<hbm>>
        %dma_start3A_127 = arith.constant 0 : i32
        %dma_start3A_128 = arith.constant 0 : i32
        %dma_start3A_129 = arith.constant 0 : i32
        %dma_start3A_130 = tpu.memref_slice %arg11[%dma_start3A_127, %dma_start3A_128, %dma_start3A_129] : memref<1x40x130xf32, #tpu.memory_space<vmem>> -> memref<1x40x128xf32, #tpu.memory_space<vmem>>
        tpu.enqueue_dma source(%dma_start3A_130 : memref<1x40x128xf32, #tpu.memory_space<vmem>>) target(%dma_start3A_126 : memref<1x40x128xf32, #tpu.memory_space<hbm>>) target_semaphore(%arg17 : memref<!tpu.dma_semaphore, #tpu.memory_space<semaphore_mem>>)
        %scan3A_131 = arith.constant 0 : i32
        scf.yield %scan3A_131 : i32
      }
      %scan3A_29 = arith.constant 250 : i32
      %multiple_of3A = arith.constant 19920 : i32
      %multiple_of3A_30 = tpu.assume_multiple %multiple_of3A, 8 : i32
      %dma_wait3A = arith.constant 0 : i32
      %dma_wait3A_31 = arith.constant 0 : i32
      %dma_wait3A_32 = arith.constant 0 : i32
      %dma_wait3A_33 = tpu.memref_slice %arg10[%dma_wait3A, %dma_wait3A_31, %dma_wait3A_32] : memref<1x40x130xf32, #tpu.memory_space<vmem>> -> memref<1x40x128xf32, #tpu.memory_space<vmem>>
      %dma_wait3A_34 = arith.constant 0 : i32
      %dma_wait3A_35 = tpu.memref_slice %arg6[%add3A_19, %multiple_of3A_30, %dma_wait3A_34] : memref<34x20000x128xf32, #tpu.memory_space<hbm>> -> memref<1x40x128xf32, #tpu.memory_space<hbm>>
      %dma_wait3A_36 = arith.constant 0 : i32
      %dma_wait3A_37 = tpu.memref_slice %arg6[%add3A_19, %multiple_of3A_30, %dma_wait3A_36] : memref<34x20000x128xf32, #tpu.memory_space<hbm>> -> memref<1x40x128xf32, #tpu.memory_space<hbm>>
      %dma_wait3A_38 = arith.constant 0 : i32
      %dma_wait3A_39 = arith.constant 0 : i32
      %dma_wait3A_40 = arith.constant 0 : i32
      %dma_wait3A_41 = tpu.memref_slice %arg10[%dma_wait3A_38, %dma_wait3A_39, %dma_wait3A_40] : memref<1x40x130xf32, #tpu.memory_space<vmem>> -> memref<1x40x128xf32, #tpu.memory_space<vmem>>
      tpu.wait_dma2 semaphore(%arg16 : memref<!tpu.dma_semaphore, #tpu.memory_space<semaphore_mem>>) src(%dma_wait3A_41 : memref<1x40x128xf32, #tpu.memory_space<vmem>>) dst(%dma_wait3A_37 : memref<1x40x128xf32, #tpu.memory_space<hbm>>)
      %multiple_of3A_42 = arith.constant 19960 : i32
      %multiple_of3A_43 = tpu.assume_multiple %multiple_of3A_42, 8 : i32
      %dma_wait3A_44 = arith.constant 0 : i32
      %dma_wait3A_45 = arith.constant 0 : i32
      %dma_wait3A_46 = arith.constant 0 : i32
      %dma_wait3A_47 = tpu.memref_slice %arg11[%dma_wait3A_44, %dma_wait3A_45, %dma_wait3A_46] : memref<1x40x130xf32, #tpu.memory_space<vmem>> -> memref<1x40x128xf32, #tpu.memory_space<vmem>>
      %dma_wait3A_48 = arith.constant 0 : i32
      %dma_wait3A_49 = tpu.memref_slice %arg6[%add3A_19, %multiple_of3A_43, %dma_wait3A_48] : memref<34x20000x128xf32, #tpu.memory_space<hbm>> -> memref<1x40x128xf32, #tpu.memory_space<hbm>>
      %dma_wait3A_50 = arith.constant 0 : i32
      %dma_wait3A_51 = tpu.memref_slice %arg6[%add3A_19, %multiple_of3A_43, %dma_wait3A_50] : memref<34x20000x128xf32, #tpu.memory_space<hbm>> -> memref<1x40x128xf32, #tpu.memory_space<hbm>>
      %dma_wait3A_52 = arith.constant 0 : i32
      %dma_wait3A_53 = arith.constant 0 : i32
      %dma_wait3A_54 = arith.constant 0 : i32
      %dma_wait3A_55 = tpu.memref_slice %arg11[%dma_wait3A_52, %dma_wait3A_53, %dma_wait3A_54] : memref<1x40x130xf32, #tpu.memory_space<vmem>> -> memref<1x40x128xf32, #tpu.memory_space<vmem>>
      tpu.wait_dma2 semaphore(%arg17 : memref<!tpu.dma_semaphore, #tpu.memory_space<semaphore_mem>>) src(%dma_wait3A_55 : memref<1x40x128xf32, #tpu.memory_space<vmem>>) dst(%dma_wait3A_51 : memref<1x40x128xf32, #tpu.memory_space<hbm>>)
    } else {
    }
    %eq3A_8 = arith.constant 1 : i32
    %eq3A_9 = arith.cmpi eq, %arg0, %eq3A_8 : i32
    %convert_element_type3A_10 = arith.extui %eq3A_9 : i1 to i32
    %cond3A_11 = arith.constant 0 : i32
    %cond3A_12 = arith.cmpi ne, %convert_element_type3A_10, %cond3A_11 : i32
    scf.if %cond3A_12 {
      %add3A = arith.constant 16 : i32
      %add3A_19 = arith.addi %add3A, %arg1 : i32
      %dma_start3A = arith.constant 0 : i32
      %dma_start3A_20 = tpu.memref_slice %arg5[%dma_start3A, %mul3A_0] : memref<320000x128xi32, #tpu.memory_space<hbm>> -> memref<640x8xi32, #tpu.memory_space<hbm>>
      %dma_start3A_21 = arith.constant 0 : i32
      %dma_start3A_22 = tpu.memref_slice %arg5[%dma_start3A_21, %mul3A_0] : memref<320000x128xi32, #tpu.memory_space<hbm>> -> memref<640x8xi32, #tpu.memory_space<hbm>>
      tpu.enqueue_dma source(%dma_start3A_22 : memref<640x8xi32, #tpu.memory_space<hbm>>) target(%arg8 : memref<640x8xi32, #tpu.memory_space<vmem>>) target_semaphore(%arg14 : memref<!tpu.dma_semaphore, #tpu.memory_space<semaphore_mem>>)
      %scan3A_23 = arith.constant 0 : i32
      %scan3A_24 = arith.constant 0 : i32
      %scan3A_25 = arith.constant 250 : i32
      %scan3A_26 = arith.addi %scan3A_24, %scan3A_25 : i32
      %scan3A_27 = arith.constant 1 : i32
      %scan3A_28 = scf.for %scan3A_56 = %scan3A_24 to %scan3A_26 step %scan3A_27 iter_args(%scan3A_57 = %scan3A_23) -> (i32)  : i32 {
        %mul3A_58 = arith.constant 2 : i32
        %mul3A_59 = arith.muli %mul3A_58, %scan3A_56 : i32
        %add3A_60 = arith.constant 0 : i32
        %add3A_61 = arith.addi %mul3A_59, %add3A_60 : i32
        %mul3A_62 = arith.constant 640 : i32
        %mul3A_63 = arith.muli %add3A_61, %mul3A_62 : i32
        %dma_wait3A_64 = tpu.memref_slice %arg5[%mul3A_63, %mul3A_0] : memref<320000x128xi32, #tpu.memory_space<hbm>> -> memref<640x8xi32, #tpu.memory_space<hbm>>
        %dma_wait3A_65 = tpu.memref_slice %arg5[%mul3A_63, %mul3A_0] : memref<320000x128xi32, #tpu.memory_space<hbm>> -> memref<640x8xi32, #tpu.memory_space<hbm>>
        tpu.wait_dma2 semaphore(%arg14 : memref<!tpu.dma_semaphore, #tpu.memory_space<semaphore_mem>>) src(%dma_wait3A_65 : memref<640x8xi32, #tpu.memory_space<hbm>>) dst(%arg8 : memref<640x8xi32, #tpu.memory_space<vmem>>)
        %add3A_66 = arith.constant 1 : i32
        %add3A_67 = arith.addi %add3A_61, %add3A_66 : i32
        %lt3A = arith.constant 500 : i32
        %lt3A_68 = arith.cmpi slt, %add3A_67, %lt3A : i32
        %convert_element_type3A_69 = arith.extui %lt3A_68 : i1 to i32
        %cond3A_70 = arith.constant 0 : i32
        %cond3A_71 = arith.cmpi ne, %convert_element_type3A_69, %cond3A_70 : i32
        scf.if %cond3A_71 {
          %add3A_132 = arith.constant 1 : i32
          %add3A_133 = arith.addi %add3A_61, %add3A_132 : i32
          %mul3A_134 = arith.constant 640 : i32
          %mul3A_135 = arith.muli %add3A_133, %mul3A_134 : i32
          %dma_start3A_136 = tpu.memref_slice %arg5[%mul3A_135, %mul3A_0] : memref<320000x128xi32, #tpu.memory_space<hbm>> -> memref<640x8xi32, #tpu.memory_space<hbm>>
          %dma_start3A_137 = tpu.memref_slice %arg5[%mul3A_135, %mul3A_0] : memref<320000x128xi32, #tpu.memory_space<hbm>> -> memref<640x8xi32, #tpu.memory_space<hbm>>
          tpu.enqueue_dma source(%dma_start3A_137 : memref<640x8xi32, #tpu.memory_space<hbm>>) target(%arg9 : memref<640x8xi32, #tpu.memory_space<vmem>>) target_semaphore(%arg15 : memref<!tpu.dma_semaphore, #tpu.memory_space<semaphore_mem>>)
        } else {
        }
        %gt3A = arith.constant 0 : i32
        %gt3A_72 = arith.cmpi sgt, %scan3A_56, %gt3A : i32
        %convert_element_type3A_73 = arith.extui %gt3A_72 : i1 to i32
        %cond3A_74 = arith.constant 0 : i32
        %cond3A_75 = arith.cmpi ne, %convert_element_type3A_73, %cond3A_74 : i32
        scf.if %cond3A_75 {
          %sub3A = arith.constant 2 : i32
          %sub3A_132 = arith.subi %add3A_61, %sub3A : i32
          %mul3A_133 = arith.constant 40 : i32
          %mul3A_134 = arith.muli %sub3A_132, %mul3A_133 : i32
          %multiple_of3A_135 = tpu.assume_multiple %mul3A_134, 8 : i32
          %dma_wait3A_136 = arith.constant 0 : i32
          %dma_wait3A_137 = arith.constant 0 : i32
          %dma_wait3A_138 = arith.constant 0 : i32
          %dma_wait3A_139 = tpu.memref_slice %arg10[%dma_wait3A_136, %dma_wait3A_137, %dma_wait3A_138] : memref<1x40x130xf32, #tpu.memory_space<vmem>> -> memref<1x40x128xf32, #tpu.memory_space<vmem>>
          %dma_wait3A_140 = arith.constant 0 : i32
          %dma_wait3A_141 = tpu.memref_slice %arg6[%add3A_19, %multiple_of3A_135, %dma_wait3A_140] : memref<34x20000x128xf32, #tpu.memory_space<hbm>> -> memref<1x40x128xf32, #tpu.memory_space<hbm>>
          %dma_wait3A_142 = arith.constant 0 : i32
          %dma_wait3A_143 = tpu.memref_slice %arg6[%add3A_19, %multiple_of3A_135, %dma_wait3A_142] : memref<34x20000x128xf32, #tpu.memory_space<hbm>> -> memref<1x40x128xf32, #tpu.memory_space<hbm>>
          %dma_wait3A_144 = arith.constant 0 : i32
          %dma_wait3A_145 = arith.constant 0 : i32
          %dma_wait3A_146 = arith.constant 0 : i32
          %dma_wait3A_147 = tpu.memref_slice %arg10[%dma_wait3A_144, %dma_wait3A_145, %dma_wait3A_146] : memref<1x40x130xf32, #tpu.memory_space<vmem>> -> memref<1x40x128xf32, #tpu.memory_space<vmem>>
          tpu.wait_dma2 semaphore(%arg16 : memref<!tpu.dma_semaphore, #tpu.memory_space<semaphore_mem>>) src(%dma_wait3A_147 : memref<1x40x128xf32, #tpu.memory_space<vmem>>) dst(%dma_wait3A_143 : memref<1x40x128xf32, #tpu.memory_space<hbm>>)
        } else {
        }
        %parallel_loop3A = arith.constant 0 : i32
        %parallel_loop3A_76 = arith.constant 320 : i32
        %parallel_loop3A_77 = arith.constant 1 : i32
        scf.for %parallel_loop3A_132 = %parallel_loop3A to %parallel_loop3A_76 step %parallel_loop3A_77  : i32 {
          %parallel_loop3A_133 = arith.constant 2 : i32
          %parallel_loop3A_134 = arith.muli %parallel_loop3A_133, %parallel_loop3A_132 : i32
          %parallel_loop3A_135 = vector.broadcast %parallel_loop3A_134 : i32 to vector<16xi32>
          %parallel_loop3A_136 = arith.addi %shift_right_logical3A_4, %parallel_loop3A_135 : vector<16xi32>
          %parallel_loop3A_137 = arith.constant 64 : i32
          %parallel_loop3A_138 = arith.divsi %parallel_loop3A_132, %parallel_loop3A_137 : i32
          %parallel_loop3A_139 = arith.constant 0 : i32
          %parallel_loop3A_140 = arith.cmpi sgt, %parallel_loop3A_132, %parallel_loop3A_139 : i32
          %parallel_loop3A_141 = arith.extui %parallel_loop3A_140 : i1 to i32
          %parallel_loop3A_142 = arith.constant 0 : i32
          %parallel_loop3A_143 = arith.cmpi slt, %parallel_loop3A_132, %parallel_loop3A_142 : i32
          %parallel_loop3A_144 = arith.extui %parallel_loop3A_143 : i1 to i32
          %parallel_loop3A_145 = arith.subi %parallel_loop3A_141, %parallel_loop3A_144 : i32
          %parallel_loop3A_146 = arith.constant 0 : i32
          %parallel_loop3A_147 = arith.cmpi sgt, %parallel_loop3A_137, %parallel_loop3A_146 : i32
          %parallel_loop3A_148 = arith.extui %parallel_loop3A_147 : i1 to i32
          %parallel_loop3A_149 = arith.constant 0 : i32
          %parallel_loop3A_150 = arith.cmpi slt, %parallel_loop3A_137, %parallel_loop3A_149 : i32
          %parallel_loop3A_151 = arith.extui %parallel_loop3A_150 : i1 to i32
          %parallel_loop3A_152 = arith.subi %parallel_loop3A_148, %parallel_loop3A_151 : i32
          %parallel_loop3A_153 = arith.cmpi ne, %parallel_loop3A_145, %parallel_loop3A_152 : i32
          %parallel_loop3A_154 = arith.remsi %parallel_loop3A_132, %parallel_loop3A_137 : i32
          %parallel_loop3A_155 = arith.constant 0 : i32
          %parallel_loop3A_156 = arith.cmpi ne, %parallel_loop3A_154, %parallel_loop3A_155 : i32
          %parallel_loop3A_157 = arith.andi %parallel_loop3A_153, %parallel_loop3A_156 : i1
          %parallel_loop3A_158 = arith.constant 1 : i32
          %parallel_loop3A_159 = arith.subi %parallel_loop3A_138, %parallel_loop3A_158 : i32
          %parallel_loop3A_160 = arith.select %parallel_loop3A_157, %parallel_loop3A_159, %parallel_loop3A_138 : i32
          %parallel_loop3A_161 = tpu.vector_load_idx %arg8[%parallel_loop3A_136, %and3A_2] : memref<640x8xi32, #tpu.memory_space<vmem>>[vector<16xi32>, vector<16xi32>], vector<16xi32>,
          %parallel_loop3A_162 = tpu.vector_load_idx %arg7[%parallel_loop3A_161, %and3A_2] : memref<10000x8xf32, #tpu.memory_space<vmem>>[vector<16xi32>, vector<16xi32>], vector<16xf32>,
          %parallel_loop3A_163 = arith.constant 8 : i32
          %parallel_loop3A_164 = arith.muli %parallel_loop3A_163, %parallel_loop3A_160 : i32
          %parallel_loop3A_165 = vector.broadcast %parallel_loop3A_164 : i32 to vector<16xi32>
          %parallel_loop3A_166 = arith.addi %parallel_loop3A_165, %and3A_2 : vector<16xi32>
          %parallel_loop3A_167 = arith.constant 128 : i32
          %parallel_loop3A_168 = arith.muli %parallel_loop3A_167, %parallel_loop3A_160 : i32
          %parallel_loop3A_169 = vector.broadcast %parallel_loop3A_168 : i32 to vector<16xi32>
          %parallel_loop3A_170 = arith.subi %parallel_loop3A_136, %parallel_loop3A_169 : vector<16xi32>
          tpu.vector_store_idx %arg10[%broadcast_in_dim3A_5, %parallel_loop3A_166, %parallel_loop3A_170], %parallel_loop3A_162 : memref<1x40x130xf32, #tpu.memory_space<vmem>>[vector<16xi32>, vector<16xi32>, vector<16xi32>], vector<16xf32>,
        } {sc.loop_unroll_factor = 16 : i64, sc.parallel_access}
        %mul3A_78 = arith.constant 40 : i32
        %mul3A_79 = arith.muli %add3A_61, %mul3A_78 : i32
        %multiple_of3A_80 = tpu.assume_multiple %mul3A_79, 8 : i32
        %dma_start3A_81 = arith.constant 0 : i32
        %dma_start3A_82 = arith.constant 0 : i32
        %dma_start3A_83 = arith.constant 0 : i32
        %dma_start3A_84 = tpu.memref_slice %arg10[%dma_start3A_81, %dma_start3A_82, %dma_start3A_83] : memref<1x40x130xf32, #tpu.memory_space<vmem>> -> memref<1x40x128xf32, #tpu.memory_space<vmem>>
        %dma_start3A_85 = arith.constant 0 : i32
        %dma_start3A_86 = tpu.memref_slice %arg6[%add3A_19, %multiple_of3A_80, %dma_start3A_85] : memref<34x20000x128xf32, #tpu.memory_space<hbm>> -> memref<1x40x128xf32, #tpu.memory_space<hbm>>
        %dma_start3A_87 = arith.constant 0 : i32
        %dma_start3A_88 = tpu.memref_slice %arg6[%add3A_19, %multiple_of3A_80, %dma_start3A_87] : memref<34x20000x128xf32, #tpu.memory_space<hbm>> -> memref<1x40x128xf32, #tpu.memory_space<hbm>>
        %dma_start3A_89 = arith.constant 0 : i32
        %dma_start3A_90 = arith.constant 0 : i32
        %dma_start3A_91 = arith.constant 0 : i32
        %dma_start3A_92 = tpu.memref_slice %arg10[%dma_start3A_89, %dma_start3A_90, %dma_start3A_91] : memref<1x40x130xf32, #tpu.memory_space<vmem>> -> memref<1x40x128xf32, #tpu.memory_space<vmem>>
        tpu.enqueue_dma source(%dma_start3A_92 : memref<1x40x128xf32, #tpu.memory_space<vmem>>) target(%dma_start3A_88 : memref<1x40x128xf32, #tpu.memory_space<hbm>>) target_semaphore(%arg16 : memref<!tpu.dma_semaphore, #tpu.memory_space<semaphore_mem>>)
        %mul3A_93 = arith.constant 2 : i32
        %mul3A_94 = arith.muli %mul3A_93, %scan3A_56 : i32
        %add3A_95 = arith.constant 1 : i32
        %add3A_96 = arith.addi %mul3A_94, %add3A_95 : i32
        %mul3A_97 = arith.constant 640 : i32
        %mul3A_98 = arith.muli %add3A_96, %mul3A_97 : i32
        %dma_wait3A_99 = tpu.memref_slice %arg5[%mul3A_98, %mul3A_0] : memref<320000x128xi32, #tpu.memory_space<hbm>> -> memref<640x8xi32, #tpu.memory_space<hbm>>
        %dma_wait3A_100 = tpu.memref_slice %arg5[%mul3A_98, %mul3A_0] : memref<320000x128xi32, #tpu.memory_space<hbm>> -> memref<640x8xi32, #tpu.memory_space<hbm>>
        tpu.wait_dma2 semaphore(%arg15 : memref<!tpu.dma_semaphore, #tpu.memory_space<semaphore_mem>>) src(%dma_wait3A_100 : memref<640x8xi32, #tpu.memory_space<hbm>>) dst(%arg9 : memref<640x8xi32, #tpu.memory_space<vmem>>)
        %add3A_101 = arith.constant 1 : i32
        %add3A_102 = arith.addi %add3A_96, %add3A_101 : i32
        %lt3A_103 = arith.constant 500 : i32
        %lt3A_104 = arith.cmpi slt, %add3A_102, %lt3A_103 : i32
        %convert_element_type3A_105 = arith.extui %lt3A_104 : i1 to i32
        %cond3A_106 = arith.constant 0 : i32
        %cond3A_107 = arith.cmpi ne, %convert_element_type3A_105, %cond3A_106 : i32
        scf.if %cond3A_107 {
          %add3A_132 = arith.constant 1 : i32
          %add3A_133 = arith.addi %add3A_96, %add3A_132 : i32
          %mul3A_134 = arith.constant 640 : i32
          %mul3A_135 = arith.muli %add3A_133, %mul3A_134 : i32
          %dma_start3A_136 = tpu.memref_slice %arg5[%mul3A_135, %mul3A_0] : memref<320000x128xi32, #tpu.memory_space<hbm>> -> memref<640x8xi32, #tpu.memory_space<hbm>>
          %dma_start3A_137 = tpu.memref_slice %arg5[%mul3A_135, %mul3A_0] : memref<320000x128xi32, #tpu.memory_space<hbm>> -> memref<640x8xi32, #tpu.memory_space<hbm>>
          tpu.enqueue_dma source(%dma_start3A_137 : memref<640x8xi32, #tpu.memory_space<hbm>>) target(%arg8 : memref<640x8xi32, #tpu.memory_space<vmem>>) target_semaphore(%arg14 : memref<!tpu.dma_semaphore, #tpu.memory_space<semaphore_mem>>)
        } else {
        }
        %gt3A_108 = arith.constant 0 : i32
        %gt3A_109 = arith.cmpi sgt, %scan3A_56, %gt3A_108 : i32
        %convert_element_type3A_110 = arith.extui %gt3A_109 : i1 to i32
        %cond3A_111 = arith.constant 0 : i32
        %cond3A_112 = arith.cmpi ne, %convert_element_type3A_110, %cond3A_111 : i32
        scf.if %cond3A_112 {
          %sub3A = arith.constant 2 : i32
          %sub3A_132 = arith.subi %add3A_96, %sub3A : i32
          %mul3A_133 = arith.constant 40 : i32
          %mul3A_134 = arith.muli %sub3A_132, %mul3A_133 : i32
          %multiple_of3A_135 = tpu.assume_multiple %mul3A_134, 8 : i32
          %dma_wait3A_136 = arith.constant 0 : i32
          %dma_wait3A_137 = arith.constant 0 : i32
          %dma_wait3A_138 = arith.constant 0 : i32
          %dma_wait3A_139 = tpu.memref_slice %arg11[%dma_wait3A_136, %dma_wait3A_137, %dma_wait3A_138] : memref<1x40x130xf32, #tpu.memory_space<vmem>> -> memref<1x40x128xf32, #tpu.memory_space<vmem>>
          %dma_wait3A_140 = arith.constant 0 : i32
          %dma_wait3A_141 = tpu.memref_slice %arg6[%add3A_19, %multiple_of3A_135, %dma_wait3A_140] : memref<34x20000x128xf32, #tpu.memory_space<hbm>> -> memref<1x40x128xf32, #tpu.memory_space<hbm>>
          %dma_wait3A_142 = arith.constant 0 : i32
          %dma_wait3A_143 = tpu.memref_slice %arg6[%add3A_19, %multiple_of3A_135, %dma_wait3A_142] : memref<34x20000x128xf32, #tpu.memory_space<hbm>> -> memref<1x40x128xf32, #tpu.memory_space<hbm>>
          %dma_wait3A_144 = arith.constant 0 : i32
          %dma_wait3A_145 = arith.constant 0 : i32
          %dma_wait3A_146 = arith.constant 0 : i32
          %dma_wait3A_147 = tpu.memref_slice %arg11[%dma_wait3A_144, %dma_wait3A_145, %dma_wait3A_146] : memref<1x40x130xf32, #tpu.memory_space<vmem>> -> memref<1x40x128xf32, #tpu.memory_space<vmem>>
          tpu.wait_dma2 semaphore(%arg17 : memref<!tpu.dma_semaphore, #tpu.memory_space<semaphore_mem>>) src(%dma_wait3A_147 : memref<1x40x128xf32, #tpu.memory_space<vmem>>) dst(%dma_wait3A_143 : memref<1x40x128xf32, #tpu.memory_space<hbm>>)
        } else {
        }
        %parallel_loop3A_113 = arith.constant 0 : i32
        %parallel_loop3A_114 = arith.constant 320 : i32
        %parallel_loop3A_115 = arith.constant 1 : i32
        scf.for %parallel_loop3A_132 = %parallel_loop3A_113 to %parallel_loop3A_114 step %parallel_loop3A_115  : i32 {
          %parallel_loop3A_133 = arith.constant 2 : i32
          %parallel_loop3A_134 = arith.muli %parallel_loop3A_133, %parallel_loop3A_132 : i32
          %parallel_loop3A_135 = vector.broadcast %parallel_loop3A_134 : i32 to vector<16xi32>
          %parallel_loop3A_136 = arith.addi %shift_right_logical3A_4, %parallel_loop3A_135 : vector<16xi32>
          %parallel_loop3A_137 = arith.constant 64 : i32
          %parallel_loop3A_138 = arith.divsi %parallel_loop3A_132, %parallel_loop3A_137 : i32
          %parallel_loop3A_139 = arith.constant 0 : i32
          %parallel_loop3A_140 = arith.cmpi sgt, %parallel_loop3A_132, %parallel_loop3A_139 : i32
          %parallel_loop3A_141 = arith.extui %parallel_loop3A_140 : i1 to i32
          %parallel_loop3A_142 = arith.constant 0 : i32
          %parallel_loop3A_143 = arith.cmpi slt, %parallel_loop3A_132, %parallel_loop3A_142 : i32
          %parallel_loop3A_144 = arith.extui %parallel_loop3A_143 : i1 to i32
          %parallel_loop3A_145 = arith.subi %parallel_loop3A_141, %parallel_loop3A_144 : i32
          %parallel_loop3A_146 = arith.constant 0 : i32
          %parallel_loop3A_147 = arith.cmpi sgt, %parallel_loop3A_137, %parallel_loop3A_146 : i32
          %parallel_loop3A_148 = arith.extui %parallel_loop3A_147 : i1 to i32
          %parallel_loop3A_149 = arith.constant 0 : i32
          %parallel_loop3A_150 = arith.cmpi slt, %parallel_loop3A_137, %parallel_loop3A_149 : i32
          %parallel_loop3A_151 = arith.extui %parallel_loop3A_150 : i1 to i32
          %parallel_loop3A_152 = arith.subi %parallel_loop3A_148, %parallel_loop3A_151 : i32
          %parallel_loop3A_153 = arith.cmpi ne, %parallel_loop3A_145, %parallel_loop3A_152 : i32
          %parallel_loop3A_154 = arith.remsi %parallel_loop3A_132, %parallel_loop3A_137 : i32
          %parallel_loop3A_155 = arith.constant 0 : i32
          %parallel_loop3A_156 = arith.cmpi ne, %parallel_loop3A_154, %parallel_loop3A_155 : i32
          %parallel_loop3A_157 = arith.andi %parallel_loop3A_153, %parallel_loop3A_156 : i1
          %parallel_loop3A_158 = arith.constant 1 : i32
          %parallel_loop3A_159 = arith.subi %parallel_loop3A_138, %parallel_loop3A_158 : i32
          %parallel_loop3A_160 = arith.select %parallel_loop3A_157, %parallel_loop3A_159, %parallel_loop3A_138 : i32
          %parallel_loop3A_161 = tpu.vector_load_idx %arg9[%parallel_loop3A_136, %and3A_2] : memref<640x8xi32, #tpu.memory_space<vmem>>[vector<16xi32>, vector<16xi32>], vector<16xi32>,
          %parallel_loop3A_162 = tpu.vector_load_idx %arg7[%parallel_loop3A_161, %and3A_2] : memref<10000x8xf32, #tpu.memory_space<vmem>>[vector<16xi32>, vector<16xi32>], vector<16xf32>,
          %parallel_loop3A_163 = arith.constant 8 : i32
          %parallel_loop3A_164 = arith.muli %parallel_loop3A_163, %parallel_loop3A_160 : i32
          %parallel_loop3A_165 = vector.broadcast %parallel_loop3A_164 : i32 to vector<16xi32>
          %parallel_loop3A_166 = arith.addi %parallel_loop3A_165, %and3A_2 : vector<16xi32>
          %parallel_loop3A_167 = arith.constant 128 : i32
          %parallel_loop3A_168 = arith.muli %parallel_loop3A_167, %parallel_loop3A_160 : i32
          %parallel_loop3A_169 = vector.broadcast %parallel_loop3A_168 : i32 to vector<16xi32>
          %parallel_loop3A_170 = arith.subi %parallel_loop3A_136, %parallel_loop3A_169 : vector<16xi32>
          tpu.vector_store_idx %arg11[%broadcast_in_dim3A_5, %parallel_loop3A_166, %parallel_loop3A_170], %parallel_loop3A_162 : memref<1x40x130xf32, #tpu.memory_space<vmem>>[vector<16xi32>, vector<16xi32>, vector<16xi32>], vector<16xf32>,
        } {sc.loop_unroll_factor = 16 : i64, sc.parallel_access}
        %mul3A_116 = arith.constant 40 : i32
        %mul3A_117 = arith.muli %add3A_96, %mul3A_116 : i32
        %multiple_of3A_118 = tpu.assume_multiple %mul3A_117, 8 : i32
        %dma_start3A_119 = arith.constant 0 : i32
        %dma_start3A_120 = arith.constant 0 : i32
        %dma_start3A_121 = arith.constant 0 : i32
        %dma_start3A_122 = tpu.memref_slice %arg11[%dma_start3A_119, %dma_start3A_120, %dma_start3A_121] : memref<1x40x130xf32, #tpu.memory_space<vmem>> -> memref<1x40x128xf32, #tpu.memory_space<vmem>>
        %dma_start3A_123 = arith.constant 0 : i32
        %dma_start3A_124 = tpu.memref_slice %arg6[%add3A_19, %multiple_of3A_118, %dma_start3A_123] : memref<34x20000x128xf32, #tpu.memory_space<hbm>> -> memref<1x40x128xf32, #tpu.memory_space<hbm>>
        %dma_start3A_125 = arith.constant 0 : i32
        %dma_start3A_126 = tpu.memref_slice %arg6[%add3A_19, %multiple_of3A_118, %dma_start3A_125] : memref<34x20000x128xf32, #tpu.memory_space<hbm>> -> memref<1x40x128xf32, #tpu.memory_space<hbm>>
        %dma_start3A_127 = arith.constant 0 : i32
        %dma_start3A_128 = arith.constant 0 : i32
        %dma_start3A_129 = arith.constant 0 : i32
        %dma_start3A_130 = tpu.memref_slice %arg11[%dma_start3A_127, %dma_start3A_128, %dma_start3A_129] : memref<1x40x130xf32, #tpu.memory_space<vmem>> -> memref<1x40x128xf32, #tpu.memory_space<vmem>>
        tpu.enqueue_dma source(%dma_start3A_130 : memref<1x40x128xf32, #tpu.memory_space<vmem>>) target(%dma_start3A_126 : memref<1x40x128xf32, #tpu.memory_space<hbm>>) target_semaphore(%arg17 : memref<!tpu.dma_semaphore, #tpu.memory_space<semaphore_mem>>)
        %scan3A_131 = arith.constant 0 : i32
        scf.yield %scan3A_131 : i32
      }
      %scan3A_29 = arith.constant 250 : i32
      %multiple_of3A = arith.constant 19920 : i32
      %multiple_of3A_30 = tpu.assume_multiple %multiple_of3A, 8 : i32
      %dma_wait3A = arith.constant 0 : i32
      %dma_wait3A_31 = arith.constant 0 : i32
      %dma_wait3A_32 = arith.constant 0 : i32
      %dma_wait3A_33 = tpu.memref_slice %arg10[%dma_wait3A, %dma_wait3A_31, %dma_wait3A_32] : memref<1x40x130xf32, #tpu.memory_space<vmem>> -> memref<1x40x128xf32, #tpu.memory_space<vmem>>
      %dma_wait3A_34 = arith.constant 0 : i32
      %dma_wait3A_35 = tpu.memref_slice %arg6[%add3A_19, %multiple_of3A_30, %dma_wait3A_34] : memref<34x20000x128xf32, #tpu.memory_space<hbm>> -> memref<1x40x128xf32, #tpu.memory_space<hbm>>
      %dma_wait3A_36 = arith.constant 0 : i32
      %dma_wait3A_37 = tpu.memref_slice %arg6[%add3A_19, %multiple_of3A_30, %dma_wait3A_36] : memref<34x20000x128xf32, #tpu.memory_space<hbm>> -> memref<1x40x128xf32, #tpu.memory_space<hbm>>
      %dma_wait3A_38 = arith.constant 0 : i32
      %dma_wait3A_39 = arith.constant 0 : i32
      %dma_wait3A_40 = arith.constant 0 : i32
      %dma_wait3A_41 = tpu.memref_slice %arg10[%dma_wait3A_38, %dma_wait3A_39, %dma_wait3A_40] : memref<1x40x130xf32, #tpu.memory_space<vmem>> -> memref<1x40x128xf32, #tpu.memory_space<vmem>>
      tpu.wait_dma2 semaphore(%arg16 : memref<!tpu.dma_semaphore, #tpu.memory_space<semaphore_mem>>) src(%dma_wait3A_41 : memref<1x40x128xf32, #tpu.memory_space<vmem>>) dst(%dma_wait3A_37 : memref<1x40x128xf32, #tpu.memory_space<hbm>>)
      %multiple_of3A_42 = arith.constant 19960 : i32
      %multiple_of3A_43 = tpu.assume_multiple %multiple_of3A_42, 8 : i32
      %dma_wait3A_44 = arith.constant 0 : i32
      %dma_wait3A_45 = arith.constant 0 : i32
      %dma_wait3A_46 = arith.constant 0 : i32
      %dma_wait3A_47 = tpu.memref_slice %arg11[%dma_wait3A_44, %dma_wait3A_45, %dma_wait3A_46] : memref<1x40x130xf32, #tpu.memory_space<vmem>> -> memref<1x40x128xf32, #tpu.memory_space<vmem>>
      %dma_wait3A_48 = arith.constant 0 : i32
      %dma_wait3A_49 = tpu.memref_slice %arg6[%add3A_19, %multiple_of3A_43, %dma_wait3A_48] : memref<34x20000x128xf32, #tpu.memory_space<hbm>> -> memref<1x40x128xf32, #tpu.memory_space<hbm>>
      %dma_wait3A_50 = arith.constant 0 : i32
      %dma_wait3A_51 = tpu.memref_slice %arg6[%add3A_19, %multiple_of3A_43, %dma_wait3A_50] : memref<34x20000x128xf32, #tpu.memory_space<hbm>> -> memref<1x40x128xf32, #tpu.memory_space<hbm>>
      %dma_wait3A_52 = arith.constant 0 : i32
      %dma_wait3A_53 = arith.constant 0 : i32
      %dma_wait3A_54 = arith.constant 0 : i32
      %dma_wait3A_55 = tpu.memref_slice %arg11[%dma_wait3A_52, %dma_wait3A_53, %dma_wait3A_54] : memref<1x40x130xf32, #tpu.memory_space<vmem>> -> memref<1x40x128xf32, #tpu.memory_space<vmem>>
      tpu.wait_dma2 semaphore(%arg17 : memref<!tpu.dma_semaphore, #tpu.memory_space<semaphore_mem>>) src(%dma_wait3A_55 : memref<1x40x128xf32, #tpu.memory_space<vmem>>) dst(%dma_wait3A_51 : memref<1x40x128xf32, #tpu.memory_space<hbm>>)
    } else {
    }
    %scan3A = arith.constant 0 : i32
    %scan3A_13 = arith.constant 0 : i32
    %scan3A_14 = arith.constant 40 : i32
    %scan3A_15 = arith.addi %scan3A_13, %scan3A_14 : i32
    %scan3A_16 = arith.constant 1 : i32
    %scan3A_17 = scf.for %scan3A_19 = %scan3A_13 to %scan3A_15 step %scan3A_16 iter_args(%scan3A_20 = %scan3A) -> (i32)  : i32 {
      %mul3A_21 = arith.constant 16 : i32
      %mul3A_22 = arith.muli %scan3A_19, %mul3A_21 : i32
      %add3A = arith.addi %mul3A_22, %arg1 : i32
      %lt3A = arith.constant 625 : i32
      %lt3A_23 = arith.cmpi slt, %add3A, %lt3A : i32
      %convert_element_type3A_24 = arith.extui %lt3A_23 : i1 to i32
      %cond3A_25 = arith.constant 0 : i32
      %cond3A_26 = arith.cmpi ne, %convert_element_type3A_24, %cond3A_25 : i32
      scf.if %cond3A_26 {
        %mul3A_28 = arith.constant 512 : i32
        %mul3A_29 = arith.muli %add3A, %mul3A_28 : i32
        %mul3A_30 = arith.constant 8 : i32
        %mul3A_31 = arith.muli %arg0, %mul3A_30 : i32
        "tpu.region"() ({
          %run_scoped3A = tpu.sem_alloc : memref<!tpu.dma_semaphore, #tpu.memory_space<semaphore_mem>>
          %dma_start3A = tpu.memref_slice %arg3[%mul3A_31, %mul3A_29] : memref<16x320000xf32, #tpu.memory_space<hbm>> -> memref<8x512xf32, #tpu.memory_space<hbm>>
          %dma_start3A_59 = tpu.memref_slice %arg3[%mul3A_31, %mul3A_29] : memref<16x320000xf32, #tpu.memory_space<hbm>> -> memref<8x512xf32, #tpu.memory_space<hbm>>
          tpu.enqueue_dma source(%dma_start3A_59 : memref<8x512xf32, #tpu.memory_space<hbm>>) target(%arg12 : memref<8x512xf32, #tpu.memory_space<vmem>>) target_semaphore(%run_scoped3A : memref<!tpu.dma_semaphore, #tpu.memory_space<semaphore_mem>>)
          %dma_wait3A = tpu.memref_slice %arg3[%mul3A_31, %mul3A_29] : memref<16x320000xf32, #tpu.memory_space<hbm>> -> memref<8x512xf32, #tpu.memory_space<hbm>>
          %dma_wait3A_60 = tpu.memref_slice %arg3[%mul3A_31, %mul3A_29] : memref<16x320000xf32, #tpu.memory_space<hbm>> -> memref<8x512xf32, #tpu.memory_space<hbm>>
          tpu.wait_dma2 semaphore(%run_scoped3A : memref<!tpu.dma_semaphore, #tpu.memory_space<semaphore_mem>>) src(%dma_wait3A_60 : memref<8x512xf32, #tpu.memory_space<hbm>>) dst(%arg12 : memref<8x512xf32, #tpu.memory_space<vmem>>)
          tpu.yield
        }) : () -> ()
        %parallel_loop3A = arith.constant 0 : i32
        %parallel_loop3A_32 = arith.constant 32 : i32
        %parallel_loop3A_33 = arith.constant 1 : i32
        scf.for %parallel_loop3A_59 = %parallel_loop3A to %parallel_loop3A_32 step %parallel_loop3A_33  : i32 {
          %parallel_loop3A_60 = arith.constant 16 : i32
          %parallel_loop3A_61 = arith.muli %parallel_loop3A_60, %parallel_loop3A_59 : i32
          %parallel_loop3A_62 = arith.constant 0 : i32
          %parallel_loop3A_63 = arith.index_cast %parallel_loop3A_62 : i32 to index
          %parallel_loop3A_64 = arith.index_cast %parallel_loop3A_61 : i32 to index
          %parallel_loop3A_65 = tpu.vector_load %arg12[%parallel_loop3A_63, %parallel_loop3A_64] {strides = array<i32>} : memref<8x512xf32, #tpu.memory_space<vmem>>, vector<16xf32>,
          %parallel_loop3A_66 = arith.constant 8 : i32
          %parallel_loop3A_67 = arith.divsi %parallel_loop3A_59, %parallel_loop3A_66 : i32
          %parallel_loop3A_68 = arith.constant 0 : i32
          %parallel_loop3A_69 = arith.cmpi sgt, %parallel_loop3A_59, %parallel_loop3A_68 : i32
          %parallel_loop3A_70 = arith.extui %parallel_loop3A_69 : i1 to i32
          %parallel_loop3A_71 = arith.constant 0 : i32
          %parallel_loop3A_72 = arith.cmpi slt, %parallel_loop3A_59, %parallel_loop3A_71 : i32
          %parallel_loop3A_73 = arith.extui %parallel_loop3A_72 : i1 to i32
          %parallel_loop3A_74 = arith.subi %parallel_loop3A_70, %parallel_loop3A_73 : i32
          %parallel_loop3A_75 = arith.constant 0 : i32
          %parallel_loop3A_76 = arith.cmpi sgt, %parallel_loop3A_66, %parallel_loop3A_75 : i32
          %parallel_loop3A_77 = arith.extui %parallel_loop3A_76 : i1 to i32
          %parallel_loop3A_78 = arith.constant 0 : i32
          %parallel_loop3A_79 = arith.cmpi slt, %parallel_loop3A_66, %parallel_loop3A_78 : i32
          %parallel_loop3A_80 = arith.extui %parallel_loop3A_79 : i1 to i32
          %parallel_loop3A_81 = arith.subi %parallel_loop3A_77, %parallel_loop3A_80 : i32
          %parallel_loop3A_82 = arith.cmpi ne, %parallel_loop3A_74, %parallel_loop3A_81 : i32
          %parallel_loop3A_83 = arith.remsi %parallel_loop3A_59, %parallel_loop3A_66 : i32
          %parallel_loop3A_84 = arith.constant 0 : i32
          %parallel_loop3A_85 = arith.cmpi ne, %parallel_loop3A_83, %parallel_loop3A_84 : i32
          %parallel_loop3A_86 = arith.andi %parallel_loop3A_82, %parallel_loop3A_85 : i1
          %parallel_loop3A_87 = arith.constant 1 : i32
          %parallel_loop3A_88 = arith.subi %parallel_loop3A_67, %parallel_loop3A_87 : i32
          %parallel_loop3A_89 = arith.select %parallel_loop3A_86, %parallel_loop3A_88, %parallel_loop3A_67 : i32
          %parallel_loop3A_90 = arith.constant 8 : i32
          %parallel_loop3A_91 = arith.muli %parallel_loop3A_90, %parallel_loop3A_89 : i32
          %parallel_loop3A_92 = vector.broadcast %parallel_loop3A_91 : i32 to vector<16xi32>
          %parallel_loop3A_93 = arith.addi %broadcast_in_dim3A_5, %parallel_loop3A_92 : vector<16xi32>
          %parallel_loop3A_94 = arith.constant 0 : i32
          %parallel_loop3A_95 = vector.broadcast %parallel_loop3A_94 : i32 to vector<16xi32>
          %parallel_loop3A_96 = arith.addi %parallel_loop3A_93, %parallel_loop3A_95 : vector<16xi32>
          %parallel_loop3A_97 = arith.constant 8 : i32
          %parallel_loop3A_98 = arith.constant 0 : i32
          %parallel_loop3A_99 = arith.cmpi eq, %parallel_loop3A_97, %parallel_loop3A_98 : i32
          %parallel_loop3A_100 = arith.constant 1 : i32
          %parallel_loop3A_101 = arith.select %parallel_loop3A_99, %parallel_loop3A_100, %parallel_loop3A_97 : i32
          %parallel_loop3A_102 = arith.remsi %parallel_loop3A_59, %parallel_loop3A_101 : i32
          %parallel_loop3A_103 = arith.constant 0 : i32
          %parallel_loop3A_104 = arith.cmpi ne, %parallel_loop3A_102, %parallel_loop3A_103 : i32
          %parallel_loop3A_105 = arith.constant 0 : i32
          %parallel_loop3A_106 = arith.cmpi slt, %parallel_loop3A_102, %parallel_loop3A_105 : i32
          %parallel_loop3A_107 = arith.constant 0 : i32
          %parallel_loop3A_108 = arith.cmpi slt, %parallel_loop3A_101, %parallel_loop3A_107 : i32
          %parallel_loop3A_109 = arith.xori %parallel_loop3A_106, %parallel_loop3A_108 : i1
          %parallel_loop3A_110 = arith.andi %parallel_loop3A_109, %parallel_loop3A_104 : i1
          %parallel_loop3A_111 = arith.addi %parallel_loop3A_102, %parallel_loop3A_101 : i32
          %parallel_loop3A_112 = arith.select %parallel_loop3A_110, %parallel_loop3A_111, %parallel_loop3A_102 : i32
          %parallel_loop3A_113 = arith.constant 16 : i32
          %parallel_loop3A_114 = arith.muli %parallel_loop3A_112, %parallel_loop3A_113 : i32
          %parallel_loop3A_115 = vector.broadcast %parallel_loop3A_114 : i32 to vector<16xi32>
          %parallel_loop3A_116 = arith.addi %iota3A, %parallel_loop3A_115 : vector<16xi32>
          tpu.vector_store_idx %arg13[%broadcast_in_dim3A_5, %parallel_loop3A_96, %parallel_loop3A_116], %parallel_loop3A_65 : memref<1x32x128xf32, #tpu.memory_space<vmem>>[vector<16xi32>, vector<16xi32>, vector<16xi32>], vector<16xf32>,
        } {sc.loop_unroll_factor = 8 : i64, sc.parallel_access}
        %parallel_loop3A_34 = arith.constant 0 : i32
        %parallel_loop3A_35 = arith.constant 32 : i32
        %parallel_loop3A_36 = arith.constant 1 : i32
        scf.for %parallel_loop3A_59 = %parallel_loop3A_34 to %parallel_loop3A_35 step %parallel_loop3A_36  : i32 {
          %parallel_loop3A_60 = arith.constant 16 : i32
          %parallel_loop3A_61 = arith.muli %parallel_loop3A_60, %parallel_loop3A_59 : i32
          %parallel_loop3A_62 = arith.constant 1 : i32
          %parallel_loop3A_63 = arith.index_cast %parallel_loop3A_62 : i32 to index
          %parallel_loop3A_64 = arith.index_cast %parallel_loop3A_61 : i32 to index
          %parallel_loop3A_65 = tpu.vector_load %arg12[%parallel_loop3A_63, %parallel_loop3A_64] {strides = array<i32>} : memref<8x512xf32, #tpu.memory_space<vmem>>, vector<16xf32>,
          %parallel_loop3A_66 = arith.constant 8 : i32
          %parallel_loop3A_67 = arith.divsi %parallel_loop3A_59, %parallel_loop3A_66 : i32
          %parallel_loop3A_68 = arith.constant 0 : i32
          %parallel_loop3A_69 = arith.cmpi sgt, %parallel_loop3A_59, %parallel_loop3A_68 : i32
          %parallel_loop3A_70 = arith.extui %parallel_loop3A_69 : i1 to i32
          %parallel_loop3A_71 = arith.constant 0 : i32
          %parallel_loop3A_72 = arith.cmpi slt, %parallel_loop3A_59, %parallel_loop3A_71 : i32
          %parallel_loop3A_73 = arith.extui %parallel_loop3A_72 : i1 to i32
          %parallel_loop3A_74 = arith.subi %parallel_loop3A_70, %parallel_loop3A_73 : i32
          %parallel_loop3A_75 = arith.constant 0 : i32
          %parallel_loop3A_76 = arith.cmpi sgt, %parallel_loop3A_66, %parallel_loop3A_75 : i32
          %parallel_loop3A_77 = arith.extui %parallel_loop3A_76 : i1 to i32
          %parallel_loop3A_78 = arith.constant 0 : i32
          %parallel_loop3A_79 = arith.cmpi slt, %parallel_loop3A_66, %parallel_loop3A_78 : i32
          %parallel_loop3A_80 = arith.extui %parallel_loop3A_79 : i1 to i32
          %parallel_loop3A_81 = arith.subi %parallel_loop3A_77, %parallel_loop3A_80 : i32
          %parallel_loop3A_82 = arith.cmpi ne, %parallel_loop3A_74, %parallel_loop3A_81 : i32
          %parallel_loop3A_83 = arith.remsi %parallel_loop3A_59, %parallel_loop3A_66 : i32
          %parallel_loop3A_84 = arith.constant 0 : i32
          %parallel_loop3A_85 = arith.cmpi ne, %parallel_loop3A_83, %parallel_loop3A_84 : i32
          %parallel_loop3A_86 = arith.andi %parallel_loop3A_82, %parallel_loop3A_85 : i1
          %parallel_loop3A_87 = arith.constant 1 : i32
          %parallel_loop3A_88 = arith.subi %parallel_loop3A_67, %parallel_loop3A_87 : i32
          %parallel_loop3A_89 = arith.select %parallel_loop3A_86, %parallel_loop3A_88, %parallel_loop3A_67 : i32
          %parallel_loop3A_90 = arith.constant 8 : i32
          %parallel_loop3A_91 = arith.muli %parallel_loop3A_90, %parallel_loop3A_89 : i32
          %parallel_loop3A_92 = vector.broadcast %parallel_loop3A_91 : i32 to vector<16xi32>
          %parallel_loop3A_93 = arith.addi %broadcast_in_dim3A_5, %parallel_loop3A_92 : vector<16xi32>
          %parallel_loop3A_94 = arith.constant 1 : i32
          %parallel_loop3A_95 = vector.broadcast %parallel_loop3A_94 : i32 to vector<16xi32>
          %parallel_loop3A_96 = arith.addi %parallel_loop3A_93, %parallel_loop3A_95 : vector<16xi32>
          %parallel_loop3A_97 = arith.constant 8 : i32
          %parallel_loop3A_98 = arith.constant 0 : i32
          %parallel_loop3A_99 = arith.cmpi eq, %parallel_loop3A_97, %parallel_loop3A_98 : i32
          %parallel_loop3A_100 = arith.constant 1 : i32
          %parallel_loop3A_101 = arith.select %parallel_loop3A_99, %parallel_loop3A_100, %parallel_loop3A_97 : i32
          %parallel_loop3A_102 = arith.remsi %parallel_loop3A_59, %parallel_loop3A_101 : i32
          %parallel_loop3A_103 = arith.constant 0 : i32
          %parallel_loop3A_104 = arith.cmpi ne, %parallel_loop3A_102, %parallel_loop3A_103 : i32
          %parallel_loop3A_105 = arith.constant 0 : i32
          %parallel_loop3A_106 = arith.cmpi slt, %parallel_loop3A_102, %parallel_loop3A_105 : i32
          %parallel_loop3A_107 = arith.constant 0 : i32
          %parallel_loop3A_108 = arith.cmpi slt, %parallel_loop3A_101, %parallel_loop3A_107 : i32
          %parallel_loop3A_109 = arith.xori %parallel_loop3A_106, %parallel_loop3A_108 : i1
          %parallel_loop3A_110 = arith.andi %parallel_loop3A_109, %parallel_loop3A_104 : i1
          %parallel_loop3A_111 = arith.addi %parallel_loop3A_102, %parallel_loop3A_101 : i32
          %parallel_loop3A_112 = arith.select %parallel_loop3A_110, %parallel_loop3A_111, %parallel_loop3A_102 : i32
          %parallel_loop3A_113 = arith.constant 16 : i32
          %parallel_loop3A_114 = arith.muli %parallel_loop3A_112, %parallel_loop3A_113 : i32
          %parallel_loop3A_115 = vector.broadcast %parallel_loop3A_114 : i32 to vector<16xi32>
          %parallel_loop3A_116 = arith.addi %iota3A, %parallel_loop3A_115 : vector<16xi32>
          tpu.vector_store_idx %arg13[%broadcast_in_dim3A_5, %parallel_loop3A_96, %parallel_loop3A_116], %parallel_loop3A_65 : memref<1x32x128xf32, #tpu.memory_space<vmem>>[vector<16xi32>, vector<16xi32>, vector<16xi32>], vector<16xf32>,
        } {sc.loop_unroll_factor = 8 : i64, sc.parallel_access}
        %parallel_loop3A_37 = arith.constant 0 : i32
        %parallel_loop3A_38 = arith.constant 32 : i32
        %parallel_loop3A_39 = arith.constant 1 : i32
        scf.for %parallel_loop3A_59 = %parallel_loop3A_37 to %parallel_loop3A_38 step %parallel_loop3A_39  : i32 {
          %parallel_loop3A_60 = arith.constant 16 : i32
          %parallel_loop3A_61 = arith.muli %parallel_loop3A_60, %parallel_loop3A_59 : i32
          %parallel_loop3A_62 = arith.constant 2 : i32
          %parallel_loop3A_63 = arith.index_cast %parallel_loop3A_62 : i32 to index
          %parallel_loop3A_64 = arith.index_cast %parallel_loop3A_61 : i32 to index
          %parallel_loop3A_65 = tpu.vector_load %arg12[%parallel_loop3A_63, %parallel_loop3A_64] {strides = array<i32>} : memref<8x512xf32, #tpu.memory_space<vmem>>, vector<16xf32>,
          %parallel_loop3A_66 = arith.constant 8 : i32
          %parallel_loop3A_67 = arith.divsi %parallel_loop3A_59, %parallel_loop3A_66 : i32
          %parallel_loop3A_68 = arith.constant 0 : i32
          %parallel_loop3A_69 = arith.cmpi sgt, %parallel_loop3A_59, %parallel_loop3A_68 : i32
          %parallel_loop3A_70 = arith.extui %parallel_loop3A_69 : i1 to i32
          %parallel_loop3A_71 = arith.constant 0 : i32
          %parallel_loop3A_72 = arith.cmpi slt, %parallel_loop3A_59, %parallel_loop3A_71 : i32
          %parallel_loop3A_73 = arith.extui %parallel_loop3A_72 : i1 to i32
          %parallel_loop3A_74 = arith.subi %parallel_loop3A_70, %parallel_loop3A_73 : i32
          %parallel_loop3A_75 = arith.constant 0 : i32
          %parallel_loop3A_76 = arith.cmpi sgt, %parallel_loop3A_66, %parallel_loop3A_75 : i32
          %parallel_loop3A_77 = arith.extui %parallel_loop3A_76 : i1 to i32
          %parallel_loop3A_78 = arith.constant 0 : i32
          %parallel_loop3A_79 = arith.cmpi slt, %parallel_loop3A_66, %parallel_loop3A_78 : i32
          %parallel_loop3A_80 = arith.extui %parallel_loop3A_79 : i1 to i32
          %parallel_loop3A_81 = arith.subi %parallel_loop3A_77, %parallel_loop3A_80 : i32
          %parallel_loop3A_82 = arith.cmpi ne, %parallel_loop3A_74, %parallel_loop3A_81 : i32
          %parallel_loop3A_83 = arith.remsi %parallel_loop3A_59, %parallel_loop3A_66 : i32
          %parallel_loop3A_84 = arith.constant 0 : i32
          %parallel_loop3A_85 = arith.cmpi ne, %parallel_loop3A_83, %parallel_loop3A_84 : i32
          %parallel_loop3A_86 = arith.andi %parallel_loop3A_82, %parallel_loop3A_85 : i1
          %parallel_loop3A_87 = arith.constant 1 : i32
          %parallel_loop3A_88 = arith.subi %parallel_loop3A_67, %parallel_loop3A_87 : i32
          %parallel_loop3A_89 = arith.select %parallel_loop3A_86, %parallel_loop3A_88, %parallel_loop3A_67 : i32
          %parallel_loop3A_90 = arith.constant 8 : i32
          %parallel_loop3A_91 = arith.muli %parallel_loop3A_90, %parallel_loop3A_89 : i32
          %parallel_loop3A_92 = vector.broadcast %parallel_loop3A_91 : i32 to vector<16xi32>
          %parallel_loop3A_93 = arith.addi %broadcast_in_dim3A_5, %parallel_loop3A_92 : vector<16xi32>
          %parallel_loop3A_94 = arith.constant 2 : i32
          %parallel_loop3A_95 = vector.broadcast %parallel_loop3A_94 : i32 to vector<16xi32>
          %parallel_loop3A_96 = arith.addi %parallel_loop3A_93, %parallel_loop3A_95 : vector<16xi32>
          %parallel_loop3A_97 = arith.constant 8 : i32
          %parallel_loop3A_98 = arith.constant 0 : i32
          %parallel_loop3A_99 = arith.cmpi eq, %parallel_loop3A_97, %parallel_loop3A_98 : i32
          %parallel_loop3A_100 = arith.constant 1 : i32
          %parallel_loop3A_101 = arith.select %parallel_loop3A_99, %parallel_loop3A_100, %parallel_loop3A_97 : i32
          %parallel_loop3A_102 = arith.remsi %parallel_loop3A_59, %parallel_loop3A_101 : i32
          %parallel_loop3A_103 = arith.constant 0 : i32
          %parallel_loop3A_104 = arith.cmpi ne, %parallel_loop3A_102, %parallel_loop3A_103 : i32
          %parallel_loop3A_105 = arith.constant 0 : i32
          %parallel_loop3A_106 = arith.cmpi slt, %parallel_loop3A_102, %parallel_loop3A_105 : i32
          %parallel_loop3A_107 = arith.constant 0 : i32
          %parallel_loop3A_108 = arith.cmpi slt, %parallel_loop3A_101, %parallel_loop3A_107 : i32
          %parallel_loop3A_109 = arith.xori %parallel_loop3A_106, %parallel_loop3A_108 : i1
          %parallel_loop3A_110 = arith.andi %parallel_loop3A_109, %parallel_loop3A_104 : i1
          %parallel_loop3A_111 = arith.addi %parallel_loop3A_102, %parallel_loop3A_101 : i32
          %parallel_loop3A_112 = arith.select %parallel_loop3A_110, %parallel_loop3A_111, %parallel_loop3A_102 : i32
          %parallel_loop3A_113 = arith.constant 16 : i32
          %parallel_loop3A_114 = arith.muli %parallel_loop3A_112, %parallel_loop3A_113 : i32
          %parallel_loop3A_115 = vector.broadcast %parallel_loop3A_114 : i32 to vector<16xi32>
          %parallel_loop3A_116 = arith.addi %iota3A, %parallel_loop3A_115 : vector<16xi32>
          tpu.vector_store_idx %arg13[%broadcast_in_dim3A_5, %parallel_loop3A_96, %parallel_loop3A_116], %parallel_loop3A_65 : memref<1x32x128xf32, #tpu.memory_space<vmem>>[vector<16xi32>, vector<16xi32>, vector<16xi32>], vector<16xf32>,
        } {sc.loop_unroll_factor = 8 : i64, sc.parallel_access}
        %parallel_loop3A_40 = arith.constant 0 : i32
        %parallel_loop3A_41 = arith.constant 32 : i32
        %parallel_loop3A_42 = arith.constant 1 : i32
        scf.for %parallel_loop3A_59 = %parallel_loop3A_40 to %parallel_loop3A_41 step %parallel_loop3A_42  : i32 {
          %parallel_loop3A_60 = arith.constant 16 : i32
          %parallel_loop3A_61 = arith.muli %parallel_loop3A_60, %parallel_loop3A_59 : i32
          %parallel_loop3A_62 = arith.constant 3 : i32
          %parallel_loop3A_63 = arith.index_cast %parallel_loop3A_62 : i32 to index
          %parallel_loop3A_64 = arith.index_cast %parallel_loop3A_61 : i32 to index
          %parallel_loop3A_65 = tpu.vector_load %arg12[%parallel_loop3A_63, %parallel_loop3A_64] {strides = array<i32>} : memref<8x512xf32, #tpu.memory_space<vmem>>, vector<16xf32>,
          %parallel_loop3A_66 = arith.constant 8 : i32
          %parallel_loop3A_67 = arith.divsi %parallel_loop3A_59, %parallel_loop3A_66 : i32
          %parallel_loop3A_68 = arith.constant 0 : i32
          %parallel_loop3A_69 = arith.cmpi sgt, %parallel_loop3A_59, %parallel_loop3A_68 : i32
          %parallel_loop3A_70 = arith.extui %parallel_loop3A_69 : i1 to i32
          %parallel_loop3A_71 = arith.constant 0 : i32
          %parallel_loop3A_72 = arith.cmpi slt, %parallel_loop3A_59, %parallel_loop3A_71 : i32
          %parallel_loop3A_73 = arith.extui %parallel_loop3A_72 : i1 to i32
          %parallel_loop3A_74 = arith.subi %parallel_loop3A_70, %parallel_loop3A_73 : i32
          %parallel_loop3A_75 = arith.constant 0 : i32
          %parallel_loop3A_76 = arith.cmpi sgt, %parallel_loop3A_66, %parallel_loop3A_75 : i32
          %parallel_loop3A_77 = arith.extui %parallel_loop3A_76 : i1 to i32
          %parallel_loop3A_78 = arith.constant 0 : i32
          %parallel_loop3A_79 = arith.cmpi slt, %parallel_loop3A_66, %parallel_loop3A_78 : i32
          %parallel_loop3A_80 = arith.extui %parallel_loop3A_79 : i1 to i32
          %parallel_loop3A_81 = arith.subi %parallel_loop3A_77, %parallel_loop3A_80 : i32
          %parallel_loop3A_82 = arith.cmpi ne, %parallel_loop3A_74, %parallel_loop3A_81 : i32
          %parallel_loop3A_83 = arith.remsi %parallel_loop3A_59, %parallel_loop3A_66 : i32
          %parallel_loop3A_84 = arith.constant 0 : i32
          %parallel_loop3A_85 = arith.cmpi ne, %parallel_loop3A_83, %parallel_loop3A_84 : i32
          %parallel_loop3A_86 = arith.andi %parallel_loop3A_82, %parallel_loop3A_85 : i1
          %parallel_loop3A_87 = arith.constant 1 : i32
          %parallel_loop3A_88 = arith.subi %parallel_loop3A_67, %parallel_loop3A_87 : i32
          %parallel_loop3A_89 = arith.select %parallel_loop3A_86, %parallel_loop3A_88, %parallel_loop3A_67 : i32
          %parallel_loop3A_90 = arith.constant 8 : i32
          %parallel_loop3A_91 = arith.muli %parallel_loop3A_90, %parallel_loop3A_89 : i32
          %parallel_loop3A_92 = vector.broadcast %parallel_loop3A_91 : i32 to vector<16xi32>
          %parallel_loop3A_93 = arith.addi %broadcast_in_dim3A_5, %parallel_loop3A_92 : vector<16xi32>
          %parallel_loop3A_94 = arith.constant 3 : i32
          %parallel_loop3A_95 = vector.broadcast %parallel_loop3A_94 : i32 to vector<16xi32>
          %parallel_loop3A_96 = arith.addi %parallel_loop3A_93, %parallel_loop3A_95 : vector<16xi32>
          %parallel_loop3A_97 = arith.constant 8 : i32
          %parallel_loop3A_98 = arith.constant 0 : i32
          %parallel_loop3A_99 = arith.cmpi eq, %parallel_loop3A_97, %parallel_loop3A_98 : i32
          %parallel_loop3A_100 = arith.constant 1 : i32
          %parallel_loop3A_101 = arith.select %parallel_loop3A_99, %parallel_loop3A_100, %parallel_loop3A_97 : i32
          %parallel_loop3A_102 = arith.remsi %parallel_loop3A_59, %parallel_loop3A_101 : i32
          %parallel_loop3A_103 = arith.constant 0 : i32
          %parallel_loop3A_104 = arith.cmpi ne, %parallel_loop3A_102, %parallel_loop3A_103 : i32
          %parallel_loop3A_105 = arith.constant 0 : i32
          %parallel_loop3A_106 = arith.cmpi slt, %parallel_loop3A_102, %parallel_loop3A_105 : i32
          %parallel_loop3A_107 = arith.constant 0 : i32
          %parallel_loop3A_108 = arith.cmpi slt, %parallel_loop3A_101, %parallel_loop3A_107 : i32
          %parallel_loop3A_109 = arith.xori %parallel_loop3A_106, %parallel_loop3A_108 : i1
          %parallel_loop3A_110 = arith.andi %parallel_loop3A_109, %parallel_loop3A_104 : i1
          %parallel_loop3A_111 = arith.addi %parallel_loop3A_102, %parallel_loop3A_101 : i32
          %parallel_loop3A_112 = arith.select %parallel_loop3A_110, %parallel_loop3A_111, %parallel_loop3A_102 : i32
          %parallel_loop3A_113 = arith.constant 16 : i32
          %parallel_loop3A_114 = arith.muli %parallel_loop3A_112, %parallel_loop3A_113 : i32
          %parallel_loop3A_115 = vector.broadcast %parallel_loop3A_114 : i32 to vector<16xi32>
          %parallel_loop3A_116 = arith.addi %iota3A, %parallel_loop3A_115 : vector<16xi32>
          tpu.vector_store_idx %arg13[%broadcast_in_dim3A_5, %parallel_loop3A_96, %parallel_loop3A_116], %parallel_loop3A_65 : memref<1x32x128xf32, #tpu.memory_space<vmem>>[vector<16xi32>, vector<16xi32>, vector<16xi32>], vector<16xf32>,
        } {sc.loop_unroll_factor = 8 : i64, sc.parallel_access}
        %parallel_loop3A_43 = arith.constant 0 : i32
        %parallel_loop3A_44 = arith.constant 32 : i32
        %parallel_loop3A_45 = arith.constant 1 : i32
        scf.for %parallel_loop3A_59 = %parallel_loop3A_43 to %parallel_loop3A_44 step %parallel_loop3A_45  : i32 {
          %parallel_loop3A_60 = arith.constant 16 : i32
          %parallel_loop3A_61 = arith.muli %parallel_loop3A_60, %parallel_loop3A_59 : i32
          %parallel_loop3A_62 = arith.constant 4 : i32
          %parallel_loop3A_63 = arith.index_cast %parallel_loop3A_62 : i32 to index
          %parallel_loop3A_64 = arith.index_cast %parallel_loop3A_61 : i32 to index
          %parallel_loop3A_65 = tpu.vector_load %arg12[%parallel_loop3A_63, %parallel_loop3A_64] {strides = array<i32>} : memref<8x512xf32, #tpu.memory_space<vmem>>, vector<16xf32>,
          %parallel_loop3A_66 = arith.constant 8 : i32
          %parallel_loop3A_67 = arith.divsi %parallel_loop3A_59, %parallel_loop3A_66 : i32
          %parallel_loop3A_68 = arith.constant 0 : i32
          %parallel_loop3A_69 = arith.cmpi sgt, %parallel_loop3A_59, %parallel_loop3A_68 : i32
          %parallel_loop3A_70 = arith.extui %parallel_loop3A_69 : i1 to i32
          %parallel_loop3A_71 = arith.constant 0 : i32
          %parallel_loop3A_72 = arith.cmpi slt, %parallel_loop3A_59, %parallel_loop3A_71 : i32
          %parallel_loop3A_73 = arith.extui %parallel_loop3A_72 : i1 to i32
          %parallel_loop3A_74 = arith.subi %parallel_loop3A_70, %parallel_loop3A_73 : i32
          %parallel_loop3A_75 = arith.constant 0 : i32
          %parallel_loop3A_76 = arith.cmpi sgt, %parallel_loop3A_66, %parallel_loop3A_75 : i32
          %parallel_loop3A_77 = arith.extui %parallel_loop3A_76 : i1 to i32
          %parallel_loop3A_78 = arith.constant 0 : i32
          %parallel_loop3A_79 = arith.cmpi slt, %parallel_loop3A_66, %parallel_loop3A_78 : i32
          %parallel_loop3A_80 = arith.extui %parallel_loop3A_79 : i1 to i32
          %parallel_loop3A_81 = arith.subi %parallel_loop3A_77, %parallel_loop3A_80 : i32
          %parallel_loop3A_82 = arith.cmpi ne, %parallel_loop3A_74, %parallel_loop3A_81 : i32
          %parallel_loop3A_83 = arith.remsi %parallel_loop3A_59, %parallel_loop3A_66 : i32
          %parallel_loop3A_84 = arith.constant 0 : i32
          %parallel_loop3A_85 = arith.cmpi ne, %parallel_loop3A_83, %parallel_loop3A_84 : i32
          %parallel_loop3A_86 = arith.andi %parallel_loop3A_82, %parallel_loop3A_85 : i1
          %parallel_loop3A_87 = arith.constant 1 : i32
          %parallel_loop3A_88 = arith.subi %parallel_loop3A_67, %parallel_loop3A_87 : i32
          %parallel_loop3A_89 = arith.select %parallel_loop3A_86, %parallel_loop3A_88, %parallel_loop3A_67 : i32
          %parallel_loop3A_90 = arith.constant 8 : i32
          %parallel_loop3A_91 = arith.muli %parallel_loop3A_90, %parallel_loop3A_89 : i32
          %parallel_loop3A_92 = vector.broadcast %parallel_loop3A_91 : i32 to vector<16xi32>
          %parallel_loop3A_93 = arith.addi %broadcast_in_dim3A_5, %parallel_loop3A_92 : vector<16xi32>
          %parallel_loop3A_94 = arith.constant 4 : i32
          %parallel_loop3A_95 = vector.broadcast %parallel_loop3A_94 : i32 to vector<16xi32>
          %parallel_loop3A_96 = arith.addi %parallel_loop3A_93, %parallel_loop3A_95 : vector<16xi32>
          %parallel_loop3A_97 = arith.constant 8 : i32
          %parallel_loop3A_98 = arith.constant 0 : i32
          %parallel_loop3A_99 = arith.cmpi eq, %parallel_loop3A_97, %parallel_loop3A_98 : i32
          %parallel_loop3A_100 = arith.constant 1 : i32
          %parallel_loop3A_101 = arith.select %parallel_loop3A_99, %parallel_loop3A_100, %parallel_loop3A_97 : i32
          %parallel_loop3A_102 = arith.remsi %parallel_loop3A_59, %parallel_loop3A_101 : i32
          %parallel_loop3A_103 = arith.constant 0 : i32
          %parallel_loop3A_104 = arith.cmpi ne, %parallel_loop3A_102, %parallel_loop3A_103 : i32
          %parallel_loop3A_105 = arith.constant 0 : i32
          %parallel_loop3A_106 = arith.cmpi slt, %parallel_loop3A_102, %parallel_loop3A_105 : i32
          %parallel_loop3A_107 = arith.constant 0 : i32
          %parallel_loop3A_108 = arith.cmpi slt, %parallel_loop3A_101, %parallel_loop3A_107 : i32
          %parallel_loop3A_109 = arith.xori %parallel_loop3A_106, %parallel_loop3A_108 : i1
          %parallel_loop3A_110 = arith.andi %parallel_loop3A_109, %parallel_loop3A_104 : i1
          %parallel_loop3A_111 = arith.addi %parallel_loop3A_102, %parallel_loop3A_101 : i32
          %parallel_loop3A_112 = arith.select %parallel_loop3A_110, %parallel_loop3A_111, %parallel_loop3A_102 : i32
          %parallel_loop3A_113 = arith.constant 16 : i32
          %parallel_loop3A_114 = arith.muli %parallel_loop3A_112, %parallel_loop3A_113 : i32
          %parallel_loop3A_115 = vector.broadcast %parallel_loop3A_114 : i32 to vector<16xi32>
          %parallel_loop3A_116 = arith.addi %iota3A, %parallel_loop3A_115 : vector<16xi32>
          tpu.vector_store_idx %arg13[%broadcast_in_dim3A_5, %parallel_loop3A_96, %parallel_loop3A_116], %parallel_loop3A_65 : memref<1x32x128xf32, #tpu.memory_space<vmem>>[vector<16xi32>, vector<16xi32>, vector<16xi32>], vector<16xf32>,
        } {sc.loop_unroll_factor = 8 : i64, sc.parallel_access}
        %parallel_loop3A_46 = arith.constant 0 : i32
        %parallel_loop3A_47 = arith.constant 32 : i32
        %parallel_loop3A_48 = arith.constant 1 : i32
        scf.for %parallel_loop3A_59 = %parallel_loop3A_46 to %parallel_loop3A_47 step %parallel_loop3A_48  : i32 {
          %parallel_loop3A_60 = arith.constant 16 : i32
          %parallel_loop3A_61 = arith.muli %parallel_loop3A_60, %parallel_loop3A_59 : i32
          %parallel_loop3A_62 = arith.constant 5 : i32
          %parallel_loop3A_63 = arith.index_cast %parallel_loop3A_62 : i32 to index
          %parallel_loop3A_64 = arith.index_cast %parallel_loop3A_61 : i32 to index
          %parallel_loop3A_65 = tpu.vector_load %arg12[%parallel_loop3A_63, %parallel_loop3A_64] {strides = array<i32>} : memref<8x512xf32, #tpu.memory_space<vmem>>, vector<16xf32>,
          %parallel_loop3A_66 = arith.constant 8 : i32
          %parallel_loop3A_67 = arith.divsi %parallel_loop3A_59, %parallel_loop3A_66 : i32
          %parallel_loop3A_68 = arith.constant 0 : i32
          %parallel_loop3A_69 = arith.cmpi sgt, %parallel_loop3A_59, %parallel_loop3A_68 : i32
          %parallel_loop3A_70 = arith.extui %parallel_loop3A_69 : i1 to i32
          %parallel_loop3A_71 = arith.constant 0 : i32
          %parallel_loop3A_72 = arith.cmpi slt, %parallel_loop3A_59, %parallel_loop3A_71 : i32
          %parallel_loop3A_73 = arith.extui %parallel_loop3A_72 : i1 to i32
          %parallel_loop3A_74 = arith.subi %parallel_loop3A_70, %parallel_loop3A_73 : i32
          %parallel_loop3A_75 = arith.constant 0 : i32
          %parallel_loop3A_76 = arith.cmpi sgt, %parallel_loop3A_66, %parallel_loop3A_75 : i32
          %parallel_loop3A_77 = arith.extui %parallel_loop3A_76 : i1 to i32
          %parallel_loop3A_78 = arith.constant 0 : i32
          %parallel_loop3A_79 = arith.cmpi slt, %parallel_loop3A_66, %parallel_loop3A_78 : i32
          %parallel_loop3A_80 = arith.extui %parallel_loop3A_79 : i1 to i32
          %parallel_loop3A_81 = arith.subi %parallel_loop3A_77, %parallel_loop3A_80 : i32
          %parallel_loop3A_82 = arith.cmpi ne, %parallel_loop3A_74, %parallel_loop3A_81 : i32
          %parallel_loop3A_83 = arith.remsi %parallel_loop3A_59, %parallel_loop3A_66 : i32
          %parallel_loop3A_84 = arith.constant 0 : i32
          %parallel_loop3A_85 = arith.cmpi ne, %parallel_loop3A_83, %parallel_loop3A_84 : i32
          %parallel_loop3A_86 = arith.andi %parallel_loop3A_82, %parallel_loop3A_85 : i1
          %parallel_loop3A_87 = arith.constant 1 : i32
          %parallel_loop3A_88 = arith.subi %parallel_loop3A_67, %parallel_loop3A_87 : i32
          %parallel_loop3A_89 = arith.select %parallel_loop3A_86, %parallel_loop3A_88, %parallel_loop3A_67 : i32
          %parallel_loop3A_90 = arith.constant 8 : i32
          %parallel_loop3A_91 = arith.muli %parallel_loop3A_90, %parallel_loop3A_89 : i32
          %parallel_loop3A_92 = vector.broadcast %parallel_loop3A_91 : i32 to vector<16xi32>
          %parallel_loop3A_93 = arith.addi %broadcast_in_dim3A_5, %parallel_loop3A_92 : vector<16xi32>
          %parallel_loop3A_94 = arith.constant 5 : i32
          %parallel_loop3A_95 = vector.broadcast %parallel_loop3A_94 : i32 to vector<16xi32>
          %parallel_loop3A_96 = arith.addi %parallel_loop3A_93, %parallel_loop3A_95 : vector<16xi32>
          %parallel_loop3A_97 = arith.constant 8 : i32
          %parallel_loop3A_98 = arith.constant 0 : i32
          %parallel_loop3A_99 = arith.cmpi eq, %parallel_loop3A_97, %parallel_loop3A_98 : i32
          %parallel_loop3A_100 = arith.constant 1 : i32
          %parallel_loop3A_101 = arith.select %parallel_loop3A_99, %parallel_loop3A_100, %parallel_loop3A_97 : i32
          %parallel_loop3A_102 = arith.remsi %parallel_loop3A_59, %parallel_loop3A_101 : i32
          %parallel_loop3A_103 = arith.constant 0 : i32
          %parallel_loop3A_104 = arith.cmpi ne, %parallel_loop3A_102, %parallel_loop3A_103 : i32
          %parallel_loop3A_105 = arith.constant 0 : i32
          %parallel_loop3A_106 = arith.cmpi slt, %parallel_loop3A_102, %parallel_loop3A_105 : i32
          %parallel_loop3A_107 = arith.constant 0 : i32
          %parallel_loop3A_108 = arith.cmpi slt, %parallel_loop3A_101, %parallel_loop3A_107 : i32
          %parallel_loop3A_109 = arith.xori %parallel_loop3A_106, %parallel_loop3A_108 : i1
          %parallel_loop3A_110 = arith.andi %parallel_loop3A_109, %parallel_loop3A_104 : i1
          %parallel_loop3A_111 = arith.addi %parallel_loop3A_102, %parallel_loop3A_101 : i32
          %parallel_loop3A_112 = arith.select %parallel_loop3A_110, %parallel_loop3A_111, %parallel_loop3A_102 : i32
          %parallel_loop3A_113 = arith.constant 16 : i32
          %parallel_loop3A_114 = arith.muli %parallel_loop3A_112, %parallel_loop3A_113 : i32
          %parallel_loop3A_115 = vector.broadcast %parallel_loop3A_114 : i32 to vector<16xi32>
          %parallel_loop3A_116 = arith.addi %iota3A, %parallel_loop3A_115 : vector<16xi32>
          tpu.vector_store_idx %arg13[%broadcast_in_dim3A_5, %parallel_loop3A_96, %parallel_loop3A_116], %parallel_loop3A_65 : memref<1x32x128xf32, #tpu.memory_space<vmem>>[vector<16xi32>, vector<16xi32>, vector<16xi32>], vector<16xf32>,
        } {sc.loop_unroll_factor = 8 : i64, sc.parallel_access}
        %parallel_loop3A_49 = arith.constant 0 : i32
        %parallel_loop3A_50 = arith.constant 32 : i32
        %parallel_loop3A_51 = arith.constant 1 : i32
        scf.for %parallel_loop3A_59 = %parallel_loop3A_49 to %parallel_loop3A_50 step %parallel_loop3A_51  : i32 {
          %parallel_loop3A_60 = arith.constant 16 : i32
          %parallel_loop3A_61 = arith.muli %parallel_loop3A_60, %parallel_loop3A_59 : i32
          %parallel_loop3A_62 = arith.constant 6 : i32
          %parallel_loop3A_63 = arith.index_cast %parallel_loop3A_62 : i32 to index
          %parallel_loop3A_64 = arith.index_cast %parallel_loop3A_61 : i32 to index
          %parallel_loop3A_65 = tpu.vector_load %arg12[%parallel_loop3A_63, %parallel_loop3A_64] {strides = array<i32>} : memref<8x512xf32, #tpu.memory_space<vmem>>, vector<16xf32>,
          %parallel_loop3A_66 = arith.constant 8 : i32
          %parallel_loop3A_67 = arith.divsi %parallel_loop3A_59, %parallel_loop3A_66 : i32
          %parallel_loop3A_68 = arith.constant 0 : i32
          %parallel_loop3A_69 = arith.cmpi sgt, %parallel_loop3A_59, %parallel_loop3A_68 : i32
          %parallel_loop3A_70 = arith.extui %parallel_loop3A_69 : i1 to i32
          %parallel_loop3A_71 = arith.constant 0 : i32
          %parallel_loop3A_72 = arith.cmpi slt, %parallel_loop3A_59, %parallel_loop3A_71 : i32
          %parallel_loop3A_73 = arith.extui %parallel_loop3A_72 : i1 to i32
          %parallel_loop3A_74 = arith.subi %parallel_loop3A_70, %parallel_loop3A_73 : i32
          %parallel_loop3A_75 = arith.constant 0 : i32
          %parallel_loop3A_76 = arith.cmpi sgt, %parallel_loop3A_66, %parallel_loop3A_75 : i32
          %parallel_loop3A_77 = arith.extui %parallel_loop3A_76 : i1 to i32
          %parallel_loop3A_78 = arith.constant 0 : i32
          %parallel_loop3A_79 = arith.cmpi slt, %parallel_loop3A_66, %parallel_loop3A_78 : i32
          %parallel_loop3A_80 = arith.extui %parallel_loop3A_79 : i1 to i32
          %parallel_loop3A_81 = arith.subi %parallel_loop3A_77, %parallel_loop3A_80 : i32
          %parallel_loop3A_82 = arith.cmpi ne, %parallel_loop3A_74, %parallel_loop3A_81 : i32
          %parallel_loop3A_83 = arith.remsi %parallel_loop3A_59, %parallel_loop3A_66 : i32
          %parallel_loop3A_84 = arith.constant 0 : i32
          %parallel_loop3A_85 = arith.cmpi ne, %parallel_loop3A_83, %parallel_loop3A_84 : i32
          %parallel_loop3A_86 = arith.andi %parallel_loop3A_82, %parallel_loop3A_85 : i1
          %parallel_loop3A_87 = arith.constant 1 : i32
          %parallel_loop3A_88 = arith.subi %parallel_loop3A_67, %parallel_loop3A_87 : i32
          %parallel_loop3A_89 = arith.select %parallel_loop3A_86, %parallel_loop3A_88, %parallel_loop3A_67 : i32
          %parallel_loop3A_90 = arith.constant 8 : i32
          %parallel_loop3A_91 = arith.muli %parallel_loop3A_90, %parallel_loop3A_89 : i32
          %parallel_loop3A_92 = vector.broadcast %parallel_loop3A_91 : i32 to vector<16xi32>
          %parallel_loop3A_93 = arith.addi %broadcast_in_dim3A_5, %parallel_loop3A_92 : vector<16xi32>
          %parallel_loop3A_94 = arith.constant 6 : i32
          %parallel_loop3A_95 = vector.broadcast %parallel_loop3A_94 : i32 to vector<16xi32>
          %parallel_loop3A_96 = arith.addi %parallel_loop3A_93, %parallel_loop3A_95 : vector<16xi32>
          %parallel_loop3A_97 = arith.constant 8 : i32
          %parallel_loop3A_98 = arith.constant 0 : i32
          %parallel_loop3A_99 = arith.cmpi eq, %parallel_loop3A_97, %parallel_loop3A_98 : i32
          %parallel_loop3A_100 = arith.constant 1 : i32
          %parallel_loop3A_101 = arith.select %parallel_loop3A_99, %parallel_loop3A_100, %parallel_loop3A_97 : i32
          %parallel_loop3A_102 = arith.remsi %parallel_loop3A_59, %parallel_loop3A_101 : i32
          %parallel_loop3A_103 = arith.constant 0 : i32
          %parallel_loop3A_104 = arith.cmpi ne, %parallel_loop3A_102, %parallel_loop3A_103 : i32
          %parallel_loop3A_105 = arith.constant 0 : i32
          %parallel_loop3A_106 = arith.cmpi slt, %parallel_loop3A_102, %parallel_loop3A_105 : i32
          %parallel_loop3A_107 = arith.constant 0 : i32
          %parallel_loop3A_108 = arith.cmpi slt, %parallel_loop3A_101, %parallel_loop3A_107 : i32
          %parallel_loop3A_109 = arith.xori %parallel_loop3A_106, %parallel_loop3A_108 : i1
          %parallel_loop3A_110 = arith.andi %parallel_loop3A_109, %parallel_loop3A_104 : i1
          %parallel_loop3A_111 = arith.addi %parallel_loop3A_102, %parallel_loop3A_101 : i32
          %parallel_loop3A_112 = arith.select %parallel_loop3A_110, %parallel_loop3A_111, %parallel_loop3A_102 : i32
          %parallel_loop3A_113 = arith.constant 16 : i32
          %parallel_loop3A_114 = arith.muli %parallel_loop3A_112, %parallel_loop3A_113 : i32
          %parallel_loop3A_115 = vector.broadcast %parallel_loop3A_114 : i32 to vector<16xi32>
          %parallel_loop3A_116 = arith.addi %iota3A, %parallel_loop3A_115 : vector<16xi32>
          tpu.vector_store_idx %arg13[%broadcast_in_dim3A_5, %parallel_loop3A_96, %parallel_loop3A_116], %parallel_loop3A_65 : memref<1x32x128xf32, #tpu.memory_space<vmem>>[vector<16xi32>, vector<16xi32>, vector<16xi32>], vector<16xf32>,
        } {sc.loop_unroll_factor = 8 : i64, sc.parallel_access}
        %parallel_loop3A_52 = arith.constant 0 : i32
        %parallel_loop3A_53 = arith.constant 32 : i32
        %parallel_loop3A_54 = arith.constant 1 : i32
        scf.for %parallel_loop3A_59 = %parallel_loop3A_52 to %parallel_loop3A_53 step %parallel_loop3A_54  : i32 {
          %parallel_loop3A_60 = arith.constant 16 : i32
          %parallel_loop3A_61 = arith.muli %parallel_loop3A_60, %parallel_loop3A_59 : i32
          %parallel_loop3A_62 = arith.constant 7 : i32
          %parallel_loop3A_63 = arith.index_cast %parallel_loop3A_62 : i32 to index
          %parallel_loop3A_64 = arith.index_cast %parallel_loop3A_61 : i32 to index
          %parallel_loop3A_65 = tpu.vector_load %arg12[%parallel_loop3A_63, %parallel_loop3A_64] {strides = array<i32>} : memref<8x512xf32, #tpu.memory_space<vmem>>, vector<16xf32>,
          %parallel_loop3A_66 = arith.constant 8 : i32
          %parallel_loop3A_67 = arith.divsi %parallel_loop3A_59, %parallel_loop3A_66 : i32
          %parallel_loop3A_68 = arith.constant 0 : i32
          %parallel_loop3A_69 = arith.cmpi sgt, %parallel_loop3A_59, %parallel_loop3A_68 : i32
          %parallel_loop3A_70 = arith.extui %parallel_loop3A_69 : i1 to i32
          %parallel_loop3A_71 = arith.constant 0 : i32
          %parallel_loop3A_72 = arith.cmpi slt, %parallel_loop3A_59, %parallel_loop3A_71 : i32
          %parallel_loop3A_73 = arith.extui %parallel_loop3A_72 : i1 to i32
          %parallel_loop3A_74 = arith.subi %parallel_loop3A_70, %parallel_loop3A_73 : i32
          %parallel_loop3A_75 = arith.constant 0 : i32
          %parallel_loop3A_76 = arith.cmpi sgt, %parallel_loop3A_66, %parallel_loop3A_75 : i32
          %parallel_loop3A_77 = arith.extui %parallel_loop3A_76 : i1 to i32
          %parallel_loop3A_78 = arith.constant 0 : i32
          %parallel_loop3A_79 = arith.cmpi slt, %parallel_loop3A_66, %parallel_loop3A_78 : i32
          %parallel_loop3A_80 = arith.extui %parallel_loop3A_79 : i1 to i32
          %parallel_loop3A_81 = arith.subi %parallel_loop3A_77, %parallel_loop3A_80 : i32
          %parallel_loop3A_82 = arith.cmpi ne, %parallel_loop3A_74, %parallel_loop3A_81 : i32
          %parallel_loop3A_83 = arith.remsi %parallel_loop3A_59, %parallel_loop3A_66 : i32
          %parallel_loop3A_84 = arith.constant 0 : i32
          %parallel_loop3A_85 = arith.cmpi ne, %parallel_loop3A_83, %parallel_loop3A_84 : i32
          %parallel_loop3A_86 = arith.andi %parallel_loop3A_82, %parallel_loop3A_85 : i1
          %parallel_loop3A_87 = arith.constant 1 : i32
          %parallel_loop3A_88 = arith.subi %parallel_loop3A_67, %parallel_loop3A_87 : i32
          %parallel_loop3A_89 = arith.select %parallel_loop3A_86, %parallel_loop3A_88, %parallel_loop3A_67 : i32
          %parallel_loop3A_90 = arith.constant 8 : i32
          %parallel_loop3A_91 = arith.muli %parallel_loop3A_90, %parallel_loop3A_89 : i32
          %parallel_loop3A_92 = vector.broadcast %parallel_loop3A_91 : i32 to vector<16xi32>
          %parallel_loop3A_93 = arith.addi %broadcast_in_dim3A_5, %parallel_loop3A_92 : vector<16xi32>
          %parallel_loop3A_94 = arith.constant 7 : i32
          %parallel_loop3A_95 = vector.broadcast %parallel_loop3A_94 : i32 to vector<16xi32>
          %parallel_loop3A_96 = arith.addi %parallel_loop3A_93, %parallel_loop3A_95 : vector<16xi32>
          %parallel_loop3A_97 = arith.constant 8 : i32
          %parallel_loop3A_98 = arith.constant 0 : i32
          %parallel_loop3A_99 = arith.cmpi eq, %parallel_loop3A_97, %parallel_loop3A_98 : i32
          %parallel_loop3A_100 = arith.constant 1 : i32
          %parallel_loop3A_101 = arith.select %parallel_loop3A_99, %parallel_loop3A_100, %parallel_loop3A_97 : i32
          %parallel_loop3A_102 = arith.remsi %parallel_loop3A_59, %parallel_loop3A_101 : i32
          %parallel_loop3A_103 = arith.constant 0 : i32
          %parallel_loop3A_104 = arith.cmpi ne, %parallel_loop3A_102, %parallel_loop3A_103 : i32
          %parallel_loop3A_105 = arith.constant 0 : i32
          %parallel_loop3A_106 = arith.cmpi slt, %parallel_loop3A_102, %parallel_loop3A_105 : i32
          %parallel_loop3A_107 = arith.constant 0 : i32
          %parallel_loop3A_108 = arith.cmpi slt, %parallel_loop3A_101, %parallel_loop3A_107 : i32
          %parallel_loop3A_109 = arith.xori %parallel_loop3A_106, %parallel_loop3A_108 : i1
          %parallel_loop3A_110 = arith.andi %parallel_loop3A_109, %parallel_loop3A_104 : i1
          %parallel_loop3A_111 = arith.addi %parallel_loop3A_102, %parallel_loop3A_101 : i32
          %parallel_loop3A_112 = arith.select %parallel_loop3A_110, %parallel_loop3A_111, %parallel_loop3A_102 : i32
          %parallel_loop3A_113 = arith.constant 16 : i32
          %parallel_loop3A_114 = arith.muli %parallel_loop3A_112, %parallel_loop3A_113 : i32
          %parallel_loop3A_115 = vector.broadcast %parallel_loop3A_114 : i32 to vector<16xi32>
          %parallel_loop3A_116 = arith.addi %iota3A, %parallel_loop3A_115 : vector<16xi32>
          tpu.vector_store_idx %arg13[%broadcast_in_dim3A_5, %parallel_loop3A_96, %parallel_loop3A_116], %parallel_loop3A_65 : memref<1x32x128xf32, #tpu.memory_space<vmem>>[vector<16xi32>, vector<16xi32>, vector<16xi32>], vector<16xf32>,
        } {sc.loop_unroll_factor = 8 : i64, sc.parallel_access}
        %add3A_55 = arith.constant 32 : i32
        %add3A_56 = arith.addi %add3A_55, %arg0 : i32
        %mul3A_57 = arith.constant 32 : i32
        %mul3A_58 = arith.muli %add3A, %mul3A_57 : i32
        %multiple_of3A = tpu.assume_multiple %mul3A_58, 8 : i32
        "tpu.region"() ({
          %run_scoped3A = tpu.sem_alloc : memref<!tpu.dma_semaphore, #tpu.memory_space<semaphore_mem>>
          %dma_start3A = arith.constant 0 : i32
          %dma_start3A_59 = tpu.memref_slice %arg6[%add3A_56, %multiple_of3A, %dma_start3A] : memref<34x20000x128xf32, #tpu.memory_space<hbm>> -> memref<1x32x128xf32, #tpu.memory_space<hbm>>
          %dma_start3A_60 = arith.constant 0 : i32
          %dma_start3A_61 = tpu.memref_slice %arg6[%add3A_56, %multiple_of3A, %dma_start3A_60] : memref<34x20000x128xf32, #tpu.memory_space<hbm>> -> memref<1x32x128xf32, #tpu.memory_space<hbm>>
          tpu.enqueue_dma source(%arg13 : memref<1x32x128xf32, #tpu.memory_space<vmem>>) target(%dma_start3A_61 : memref<1x32x128xf32, #tpu.memory_space<hbm>>) target_semaphore(%run_scoped3A : memref<!tpu.dma_semaphore, #tpu.memory_space<semaphore_mem>>)
          %dma_wait3A = arith.constant 0 : i32
          %dma_wait3A_62 = tpu.memref_slice %arg6[%add3A_56, %multiple_of3A, %dma_wait3A] : memref<34x20000x128xf32, #tpu.memory_space<hbm>> -> memref<1x32x128xf32, #tpu.memory_space<hbm>>
          %dma_wait3A_63 = arith.constant 0 : i32
          %dma_wait3A_64 = tpu.memref_slice %arg6[%add3A_56, %multiple_of3A, %dma_wait3A_63] : memref<34x20000x128xf32, #tpu.memory_space<hbm>> -> memref<1x32x128xf32, #tpu.memory_space<hbm>>
          tpu.wait_dma2 semaphore(%run_scoped3A : memref<!tpu.dma_semaphore, #tpu.memory_space<semaphore_mem>>) src(%arg13 : memref<1x32x128xf32, #tpu.memory_space<vmem>>) dst(%dma_wait3A_64 : memref<1x32x128xf32, #tpu.memory_space<hbm>>)
          tpu.yield
        }) : () -> ()
      } else {
      }
      %scan3A_27 = arith.constant 0 : i32
      scf.yield %scan3A_27 : i32
    }
    %scan3A_18 = arith.constant 40 : i32
    return
  }
}

</mosaic_0001>

<sc_bundles>
// kernel: kernel.3.cloned.1.call-start
scs
__scs_entry_jumppad:
0x0: {  	(pc) =	sbr.rel $0x88, $3  }
0x1: {  	(tag) =	ssettag $0x0;
	lr =	simm.s32 $0x1  }
0x2: {  	[smem:$0x3F9D] =	sst lr;
	_ =	strace $0xD0000000  }
0x3: {  	_ = 	snop  }
0x4: {  	_ = 	snop  }
0x5: {  	_ = 	snop  }
0x6: {  	_ = 	snop  }
0x7: {  	_ = 	snop  }
__scs_overlays_trampoline_lowered:
0x8: {  	[smem:$0x3FAC] =	sst s0  }
0x9: {  	[smem:$0x3FAD] =	sst s1  }
0xa: {  	[smem:$0x3FAE] =	sst s2  }
0xb: {  	[smem:$0x3FAF] =	sst s3  }
0xc: {  	[smem:$0x3FB0] =	sst s4  }
0xd: {  	[smem:$0x3FB1] =	sst s5  }
0xe: {  	[smem:$0x3FB2] =	sst s6  }
0xf: {  	[smem:$0x3FB3] =	sst s7  }
0x10: {  	[smem:$0x3FB4] =	sst s8  }
0x11: {  	[smem:$0x3FB5] =	sst s9;
	s0 =	simm.s32 @!p0 $0x0  }
0x12: {  	s1 =	sld [smem:$0x3F9B];
	s0 =	simm.s32 @p0 $0x1  }
0x13: {  	[smem:$0x3FB6] =	sst s0;
	s0 =	simm.s32 @!p1 $0x0  }
0x14: {  	s2 =	sld [smem:$0x3F9A];
	s0 =	simm.s32 @p1 $0x1  }
0x15: {  	[smem:$0x3FB7] =	sst s0;
	s0 =	simm.s32 @!p2 $0x0  }
0x16: {  	s3 =	sld [smem:$0x3FDB];
	s0 =	simm.s32 @p2 $0x1  }
0x17: {  	s4 =	simm.s32 $0x1BF5;
	[smem:$0x3FB9] =	sst s0  }
0x18: {  	s0 =	sld [smem:$0x3F9C];
	_ =	swait.ge [sflag:s4], $0x0  }
0x19: {  	s7 =	sld [smem:$0x3F9D]  }
0x1a: {  	s8 =	sadd.s32 $0xFFFFE003, lr  }
0x1b: {  	s9 =	sadd.s32 $0xFFFFFEF7, lr;
	s5 =	simm.s32 $0xFFFFFFFF;
	p2 =	slt.u32 s8, $0xFFFFF086  }
0x1c: {  	p1 =	slt.u32 s9, $0xF7A;
	s5 =	simm.s32 @!p2 $0x0  }
0x1d: {  	s5 =	simm.s32 @p1 $0x1;
	p0 =	seq.s32 s7, s2  }
0x1e: {  	s7 =	smul.u32 @!p0 $0xF7A, s2;
	p2 =	seq.s32 @!p0 s5, $0x0  }
0x1f: {  	s9 =	smul.u32 $0xF7A, s1;
	s8 =	simm.s32 @!p0 $0x1BF5;
	p2 =	por !p2, p0  }
0x20: {  	[sflag:s8] =	ssyncset.s32 @!p0 $0xFFFFF086;
	s6 =	sadd.s32 @!p0 s3, s7;
	s7 =	simm.s32 @!p0 $0x108  }
0x21: {  	s3 =	sadd.s32 s3, s9;
	s6 =	sadd.s32 @!p0 $0x88, s6;
	s7 =	simm.s32 @p2 $0x1082  }
0x22: {  	[simem:s7], [sflag:s8] =	dma.local @!p0 [hbm:s6], $0xF7A  }
0x23: {  	s9 =	sor.u32 $0xD0000000, s2;
	s6 =	simm.s32 $0x108;
	_ =	swait.ge @!p0 [sflag:s8], $0x0  }
0x24: {  	s3 =	sadd.s32 $0x88, s3;
	s6 =	simm.s32 @!p1 $0x1082;
	[sflag:s4] =	ssyncset.s32 $0xFFFFF086  }
0x25: {  	[simem:s6], [sflag:s4] =	dma.local [hbm:s3], $0xF7A  }
0x26: {  	[smem:$0x3F9D] =	sst s1;
	(tag) =	ssettag s2;
	_ =	strace s9  }
0x27: {  	s1 =	sld [smem:$0x3FAD]  }
0x28: {  	s2 =	sld [smem:$0x3FAE]  }
0x29: {  	s4 =	sld [smem:$0x3FB0]  }
0x2a: {  	p0 =	seq.s32 s5, $0x0;
	s5 =	sld [smem:$0x3FB1]  }
0x2b: {  	s6 =	sld [smem:$0x3FB2]  }
0x2c: {  	s7 =	sld [smem:$0x3FB3]  }
0x2d: {  	s3 =	simm.s32 $0x108;
	s8 =	sld [smem:$0x3FB4]  }
0x2e: {  	s3 =	simm.s32 @!p0 $0x1082;
	s9 =	sld [smem:$0x3FB5]  }
0x2f: {  	lr =	sadd.s32 s0, s3;
	s0 =	sld [smem:$0x3FAC]  }
0x30: {  	s3 =	sld [smem:$0x3FAF]  }
0x31: {  	[smem:$0x3FB8] =	sst s10  }
0x32: {  	s10 =	sld [smem:$0x3FB6];
	_ =	sdelay $0x3  }
0x33: {  	p0 =	seq.s32 s10, $0x1;
	s10 =	sld [smem:$0x3FB8];
	_ =	sdelay $0x3  }
0x34: {  	[smem:$0x3FB8] =	sst s10  }
0x35: {  	s10 =	sld [smem:$0x3FB7];
	_ =	sdelay $0x3  }
0x36: {  	p1 =	seq.s32 s10, $0x1;
	s10 =	sld [smem:$0x3FB8];
	_ =	sdelay $0x3  }
0x37: {  	[smem:$0x3FB8] =	sst s10  }
0x38: {  	s10 =	sld [smem:$0x3FB9]  }
0x39: {  	_ = 	snop;
	(pc) =	sbr.ind lr, $3  }
0x3a: {  	_ = 	snop  }
0x3b: {  	_ = 	snop  }
0x3c: {  	p2 =	seq.s32 s10, $0x1;
	s10 =	sld [smem:$0x3FB8]  }
0x3d: {  	_ =	shalt  }
0x3e: {  	_ =	shalt  }
0x3f: {  	_ =	shalt  }
0x40: {  	_ =	shalt  }
0x41: {  	_ =	shalt  }
0x42: {  	_ =	shalt  }
0x43: {  	_ =	shalt  }
0x44: {  	_ =	shalt  }
0x45: {  	_ =	shalt  }
0x46: {  	_ =	shalt  }
0x47: {  	_ =	shalt  }
0x48: {  	_ =	shalt  }
0x49: {  	_ =	shalt  }
0x4a: {  	_ =	shalt  }
0x4b: {  	_ =	shalt  }
0x4c: {  	_ =	shalt  }
0x4d: {  	_ =	shalt  }
0x4e: {  	_ =	shalt  }
0x4f: {  	_ =	shalt  }
0x50: {  	_ =	shalt  }
0x51: {  	_ =	shalt  }
0x52: {  	_ =	shalt  }
0x53: {  	_ =	shalt  }
0x54: {  	_ =	shalt  }
0x55: {  	_ =	shalt  }
0x56: {  	_ =	shalt  }
0x57: {  	_ =	shalt  }
0x58: {  	_ =	shalt  }
0x59: {  	_ =	shalt  }
0x5a: {  	_ =	shalt  }
0x5b: {  	_ =	shalt  }
0x5c: {  	_ =	shalt  }
0x5d: {  	_ =	shalt  }
0x5e: {  	_ =	shalt  }
0x5f: {  	_ =	shalt  }
0x60: {  	_ =	shalt  }
0x61: {  	_ =	shalt  }
0x62: {  	_ =	shalt  }
0x63: {  	_ =	shalt  }
0x64: {  	_ =	shalt  }
0x65: {  	_ =	shalt  }
0x66: {  	_ =	shalt  }
0x67: {  	_ =	shalt  }
0x68: {  	_ =	shalt  }
0x69: {  	_ =	shalt  }
0x6a: {  	_ =	shalt  }
0x6b: {  	_ =	shalt  }
0x6c: {  	_ =	shalt  }
0x6d: {  	_ =	shalt  }
0x6e: {  	_ =	shalt  }
0x6f: {  	_ =	shalt  }
0x70: {  	_ =	shalt  }
0x71: {  	_ =	shalt  }
0x72: {  	_ =	shalt  }
0x73: {  	_ =	shalt  }
0x74: {  	_ =	shalt  }
0x75: {  	_ =	shalt  }
0x76: {  	_ =	shalt  }
0x77: {  	_ =	shalt  }
0x78: {  	_ =	shalt  }
0x79: {  	_ =	shalt  }
0x7a: {  	_ =	shalt  }
0x7b: {  	_ =	shalt  }
0x7c: {  	_ =	shalt  }
0x7d: {  	_ =	shalt  }
0x7e: {  	_ =	shalt  }
0x7f: {  	_ =	shalt  }
0x80: {  	_ =	shalt  }
0x81: {  	_ =	shalt  }
0x82: {  	_ =	shalt  }
0x83: {  	_ =	shalt  }
0x84: {  	_ =	shalt  }
0x85: {  	_ =	shalt  }
0x86: {  	_ =	shalt  }
0x87: {  	_ =	shalt  }
.Lfunc_end0:
.L_simem_size_0:
called_computation_lowered:
.L_overlay_start_0:
0x88: {  	s2 =	sld [smem:$0x3FD9]  }
0x89: {  	s3 =	sld [smem:$0x3FFE];
	_ =	sdelay $0x1  }
0x8a: {  	s1 =	srdreg.scid  }
0x8b: {  	s0 =	sand.u32 $0x1, s1  }
0x8c: {  	s17 =	sshll.u32 s0, $0xA;
	s2 =	sadd.s32 s3, s2  }
0x8d: {  	s2 =	sadd.s32 s2, s17  }
0x8e: {  	[smem:$0x3FC4] =	sst s2  }
0x8f: {  	_ = 	snop  }
0x90: {  	s2 =	sld [smem:$0x3FC9]  }
0x91: {  	s18 =	sld [smem:$0x3FC7]  }
0x92: {  	s4 =	sld [smem:$0x3FC6]  }
0x93: {  	s5 =	sld [smem:$0x3FD0];
	(tm) =	ssettm $0x1  }
0x94: {  	s6 =	sld [smem:$0x3FFB];
	_ =	sdelay $0x3  }
0x95: {  	_ =	strace s6  }
0x96: {  	s6 =	sld [smem:$0x3FFC];
	_ =	sdelay $0x3  }
0x97: {  	_ =	strace s6  }
0x98: {  	s6 =	sld [smem:$0x3FFD];
	_ =	sdelay $0x3  }
0x99: {  	_ =	strace s6  }
0x9a: {  	_ =	strace $0x8FFFFFFF  }
0x9b: {  	s19 =	sld [smem:$0x3FDB];
	_ =	sdelay $0x1  }
0x9c: {  	s7 =	simm.s32 $_scs_section_size  }
0x9d: {  	s8 =	simm.s32 $_size__tile_overlayer_lowered;
	s9 =	simm.s32 $_tile_overlayer_lowered  }
0x9e: {  	s22 =	simm.s32 $0x1BFF;
	s21 =	sshll.u32 s9, $0x1;
	s6 =	sadd.s32 s7, s19  }
0x9f: {  	s10 =	simm.s32 $0x0;
	s20 =	sshll.u32 s8, $0x1;
	s8 =	sadd.s32 s21, s6  }
0xa0: {  	[timem:s10], [sflag:s22] =	dma.local [hbm:s8], s20  }
0xa1: {  	_ =	swait.ge [sflag:s22], s20  }
0xa2: {  	s7 =	ssub.s32 $0x0, s20;
	[sflag:s22] =	ssyncset.done $0x0  }
0xa3: {  	[sflag:s22] =	ssyncadd.s32 s7;
	_ =	sdelay $0x1  }
0xa4: {  	s23 =	simm.s32 $0x1B8B  }
0xa5: {  	_ =	swait.ge [sflag:s23], $0x1  }
0xa6: {  	[sflag:s23] =	ssyncset.done $0x0  }
0xa7: {  	s25 =	simm.s32 $0x1B8E;
	s24 =	sld [smem:$0x3FFE];
	[sflag:s23] =	ssyncadd.s32 $0xFFFFFFFF  }
0xa8: {  	s26 =	simm.s32 $execute0_lowered;
	[smem:$0x3FD2] =	sst s25  }
0xa9: {  	s8 =	sshll.u32 s26, $0x1;
	_ =	strace $0x80000046;
	[dreg:$0x1] =	wrdreg $0xFFFFFFFF  }
0xaa: {  	s28 =	simm.s32 $_size_execute0_lowered;
	s6 =	sadd.s32 s6, s8;
	[dreg:$0x0] =	wrdreg $0x0  }
0xab: {  	s8 =	sshll.u32 s28, $0x1;
	[dreg:$0x2] =	wrdreg s6  }
0xac: {  	[dreg:$0x3] =	wrdreg s8  }
0xad: {  	[dreg:$0x4] =	wrdreg $0xC0  }
0xae: {  	_ =	task [dreg:s10], $0x5FFFF  }
0xaf: {  	[dreg:$0x1] =	wrdreg $0xFFFFFFFF  }
0xb0: {  	[dreg:$0x0] =	wrdreg $0x60  }
0xb1: {  	[dreg:$0x2] =	wrdreg s2  }
0xb2: {  	[dreg:$0x3] =	wrdreg s24  }
0xb3: {  	[dreg:$0x4] =	wrdreg s18  }
0xb4: {  	[dreg:$0x5] =	wrdreg s4  }
0xb5: {  	[dreg:$0x6] =	wrdreg s5  }
0xb6: {  	[dreg:$0x7] =	wrdreg $0x9  }
0xb7: {  	_ =	task.clear_ibuf [dreg:s10], $0x8FFFF;
	_ =	strace $0x90000046  }
0xb8: {  	s29 =	simm.s32 $0x9;
	_ =	strace $0x80000048  }
0xb9: {  	_ =	swait.ge [sflag:s29], $0x1  }
0xba: {  	[sflag:s29] =	ssyncadd.s32 $0xFFFFFFFF  }
0xbb: {  	_ =	strace $0x90000048  }
0xbc: {  	_ =	sfence  }
0xbd: {  	s30 =	sld [smem:$0x0];
	_ =	sdelay $0x2  }
0xbe: {  	s31 =	sshll.u32 s1, $0xD;
	s1 =	sshrl.u32 s1, $0x2  }
0xbf: {  	s3 =	sand.u32 $0x4000, s31;
	s1 =	sadd.s32 s1, s30  }
0xc0: {  	s0 =	sor.u32 s3, s0;
	s1 =	sshll.u32 s1, $0x11  }
0xc1: {  	s0 =	sor.u32 s1, s0  }
0xc2: {  	s0 =	sadd.s32 $0x8F2B, s0  }
0xc3: {  	[sflag:s0] =	ssyncadd.remote.s32 $0x1  }
0xc4: {  	_ =	sfence.sel $0xFFFF  }
0xc5: {  	[dreg:$0x0] =	wrdreg $0xFFFFFFFF;
	(pc) =	sbr.abs _section_cstart, $3  }
0xc6: {  	[dreg:$0x1] =	wrdreg $0xFFFFFFFF  }
0xc7: {  	_ =	task.clear_ibuf [dreg:s10], $0x2FFFF;
	_ =	strace $0x9FFFFFFF  }
0xc8: {  	(tm) =	ssettm $0x7FFFFFFF  }
0xc9: {  	_ =	shalt  }
tec
execute0_lowered:
.L_overlay_start_1:
0x0: {  	(tag) =	ssettag $0x1  }
0x1: {  	s0 =	rddreg [dreg:$0x0]  }
0x2: {  	s3 =	rddreg [dreg:$0x1]  }
0x3: {  	vm0 =	vcmask $0x300;
	v0 =	vimm.s32 $0x3B9;
	s4 =	rddreg [dreg:$0x2]  }
0x4: {  	vm1 =	vcmask $0x704;
	s5 =	rddreg [dreg:$0x3];
	v0 =	vsel vm0, $0x0, v0  }
0x5: {  	vm15 =	vcmask $0xB08;
	s1 =	rddreg [dreg:$0x4];
	s6 =	srdreg.scid;
	v0 =	vsel vm1, $0x88, v0  }
0x6: {  	vm4 =	vcmask $0xF0C;
	vm5 =	vcmask $0x1310;
	s2 =	simm.s32 $0x0;
	s9 =	stileid.u32;
	s14 =	simm.s32 $0x80;
	v0 =	vsel vm15, $0x110, v0  }
0x7: {  	vm6 =	vcmask $0x1714;
	vm7 =	vcmask $0x1B18;
	s15 =	simm.s32 $0x5;
	s16 =	simm.s32 $0x13880;
	s17 =	simm.s32 $0x1;
	v0 =	vsel vm4, $0x198, v0  }
0x8: {  	vm8 =	vcmask $0x1F1C;
	vm9 =	vcmask $0x2320;
	s18 =	simm.s32 $0x14C80;
	s19 =	simm.s32 $0x16080;
	s20 =	simm.s32 $0x2;
	v0 =	vsel vm5, $0x220, v0  }
0x9: {  	v1 =	vimm.s32 $0x0;
	vm10 =	vcmask $0x2724;
	s21 =	simm.s32 $0x175C0;
	[smem:$0x7FF] =	sst s2;
	s0 =	sadd.s32 s0, s9;
	v0 =	vsel vm6, $0x2A8, v0  }
0xa: {  	vm11 =	vcmask $0x2B28;
	vm12 =	vcmask $0x2F2C;
	s25 =	sadd.s32 s4, s9;
	_ =	strace $0x80000047;
	[dreg:$0x9] =	wrdreg s0;
	v0 =	vsel vm7, $0x330, v0  }
0xb: {  	vm13 =	vcmask $0x3330;
	vm14 =	vcmask $0x3734;
	s6 =	sand.u32 $0x1, s6;
	s26 =	sadd.s32 s5, s9;
	[dreg:$0xa] =	wrdreg s25;
	v0 =	vsel vm8, $0x3B8, v0  }
0xc: {  	s10 =	smul.u32 $0x271000, s9;
	s11 =	sadd.s32 $0x400, s3;
	[dreg:$0xb] =	wrdreg s26;
	v2 =	vsel vm9, $0x1, v0;
	v0 =	vsel vm0, $0x3, v1;
	v1 =	vlaneseq.u32  }
0xd: {  	s7 =	ssub.s32 $0x2, s6;
	s13 =	smul.u32 $0x271000, s6;
	[dreg:$0x7] =	wrdreg s11;
	vm15 =	vcmask $0x3B38;
	v2 =	vsel vm10, $0x89, v2;
	v7 =	vor.u32 $0x10, v1  }
.Ltmp0:
0xe: {  	[dreg:$0x6] =	wrdreg s10;
	s28 =	sadd.s32 $0x2710000, s10;
	v8 =	vor.u32 $0x20, v1;
	v9 =	vor.u32 $0x30, v1;
	v3 =	vsel vm11, $0x111, v2;
	(pc) =	sbr.rel .LBB2_1-.Ltmp0, $4  }
0xf: {  	s29 =	simm.s32 $0x19B00;
	s8 =	sshrl.u32 s7, $0x1;
	[dreg:$0xc] =	wrdreg s28;
	v10 =	vor.u32 $0x40, v1;
	v11 =	vor.u32 $0x50, v1;
	v4 =	vsel vm12, $0x199, v3  }
0x10: {  	s24 =	ssub.s32 s7, s8;
	s30 =	sadd.s32 $0x4E20000, s13;
	[dreg:$0x8] =	wrdreg s13;
	v12 =	vor.u32 $0x60, v1;
	v13 =	vor.u32 $0x70, v1;
	v5 =	vsel vm13, $0x221, v4  }
0x11: {  	s3 =	simm.s32 $0x0;
	s31 =	smax.u32 s24, $0x1;
	[dreg:$0xd] =	wrdreg s30;
	v2 =	vshrl.u32 v1, $0x3;
	v4 =	vand.u32 $0x7, v1;
	v5 =	vsel vm14, $0x2A9, v5  }
0x12: {  	p0 =	seq.s32 s6, $0x1;
	s10 =	simm.s32 $0x8;
	[dreg:$0xe] =	wrdreg s31;
	v3 =	vmul.u32 $0x8, v2;
	v6 =	vmul.u32 $0x88, v4;
	v5 =	vsel vm15, $0x331, v5  }
.LBB2_42:
0x13: {  	s3 =	rddreg [dreg:$0xf]  }
0x14: {  	s0 =	rddreg [dreg:$0xe];
	s3 =	sadd.s32 $0x1, s3  }
0x15: {  	p1 =	sne.s32 s3, s0  }
.Ltmp1:
0x16: {  	_ = 	snop;
	(pc) =	sbr.rel @!p1 .LBB2_43-.Ltmp1, $1  }
0x17: {  	_ =	sdelay $0x3  }
.LBB2_1:
0x18: {  	[dreg:$0xf] =	wrdreg s3  }
.Ltmp2:
0x19: {  	s0 =	rddreg [dreg:$0x9];
	(pc) =	sbr.rel @!p0 .LBB2_2-.Ltmp2, $4  }
0x1a: {  	[tilespmem:s2], [sflag:$0x5] =	stream.strided.gather [hbm4b:s0+s10], $0x13880, s14, s10, $0x38;
	[tilespmem:$0x1AB00] =	vst v63  }
0x1b: {  	_ =	swait.ge [sflag:s15], $0x13880  }
0x1c: {  	[sflag:s15] =	ssyncset.done $0x0  }
0x1d: {  	[sflag:s15] =	ssyncadd.s32 $0xFFFEC780  }
0x1e: {  	s0 =	rddreg [dreg:$0xb];
	s31 =	simm.s32 $0x0  }
0x1f: {  	[tilespmem:s16], [sflag:$0x1] =	stream.strided.gather [hbm4b:s0+s10], $0x1400, s14, s10, $0x38;
	[tilespmem:$0x1AB00] =	vst v63  }
.LBB2_13:
0x20: {  	s4 =	simm.s32 $0x1E;
	s5 =	simm.s32 $0x0  }
0x21: {  	s6 =	simm.s32 $0x8;
	s7 =	simm.s32 $0x18;
	s13 =	simm.s32 $0x2;
	v14 =	vor.u32 s4, v2;
	v15 =	vmov s5  }
0x22: {  	s15 =	simm.s32 $0x6;
	s24 =	simm.s32 $0xE;
	s25 =	simm.s32 $0x12;
	v16 =	vmov s6;
	v17 =	vmov s7;
	v25 =	vor.u32 s13, v2  }
0x23: {  	s8 =	simm.s32 $0x14;
	s28 =	simm.s32 $0x1A;
	s30 =	simm.s32 $0x1C;
	v24 =	vor.u32 s15, v2;
	v20 =	vor.u32 s24, v2;
	v21 =	vor.u32 s25, v2  }
0x24: {  	s12 =	simm.s32 $0x10;
	s9 =	simm.s32 $0x4;
	v22 =	vor.u32 s8, v2;
	v18 =	vor.u32 s28, v2;
	v19 =	vor.u32 s30, v2  }
0x25: {  	s23 =	simm.s32 $0xC;
	v45 =	vmov s9;
	v26 =	vshll.u32 v15, $0x3;
	v15 =	vmov s12  }
0x26: {  	v17 =	vshll.u32 v17, $0x3;
	v27 =	vshll.u32 v16, $0x3;
	v16 =	vor.u32 s23, v2  }
0x27: {  	v30 =	vshll.u32 v25, $0x3;
	v32 =	vshll.u32 v24, $0x3;
	v35 =	vshll.u32 v20, $0x3  }
0x28: {  	s6 =	simm.s32 $0x0;
	v36 =	vshll.u32 v21, $0x3;
	v37 =	vshll.u32 v22, $0x3;
	v39 =	vshll.u32 v18, $0x3  }
0x29: {  	s7 =	simm.s32 $0x18;
	s8 =	simm.s32 $0x2;
	s13 =	simm.s32 $0xE;
	v40 =	vshll.u32 v19, $0x3;
	v41 =	vshll.u32 v14, $0x3;
	v42 =	vmov s6  }
0x2a: {  	s15 =	simm.s32 $0x14;
	s24 =	simm.s32 $0x1C;
	s25 =	simm.s32 $0x1E;
	v43 =	vmov s7;
	v44 =	vmov s8;
	v49 =	vmov s13  }
0x2b: {  	s28 =	simm.s32 $0x8;
	s30 =	simm.s32 $0x10;
	v51 =	vmov s15;
	v54 =	vmov s24;
	v55 =	vmov s25  }
0x2c: {  	v45 =	vshrl.u32 v45, $0x3;
	v57 =	vmov s28;
	v58 =	vmov s30  }
0x2d: {  	v25 =	vand.u32 $0x3, v25;
	v24 =	vand.u32 $0x7, v24;
	v20 =	vand.u32 $0x7, v20  }
0x2e: {  	v21 =	vand.u32 $0x3, v21;
	v22 =	vand.u32 $0x5, v22;
	v18 =	vand.u32 $0x3, v18  }
0x2f: {  	s26 =	simm.s32 $0x16;
	v19 =	vand.u32 $0x5, v19;
	v14 =	vand.u32 $0x7, v14;
	v28 =	vshll.u32 v15, $0x3  }
0x30: {  	v15 =	vor.u32 v3, v17;
	v17 =	vor.u32 s26, v2;
	v26 =	vor.u32 v3, v26  }
0x31: {  	v27 =	vor.u32 v3, v27;
	v34 =	vshll.u32 v16, $0x3;
	v30 =	vor.u32 v4, v30  }
0x32: {  	v32 =	vor.u32 v4, v32;
	v42 =	vmul.u32 $0x88, v42;
	v43 =	vshrl.u32 v43, $0x3  }
0x33: {  	s12 =	simm.s32 $0xC;
	v35 =	vor.u32 v4, v35;
	v36 =	vor.u32 v4, v36;
	v37 =	vor.u32 v4, v37  }
0x34: {  	s23 =	simm.s32 $0x1A;
	v39 =	vor.u32 v4, v39;
	v40 =	vor.u32 v4, v40;
	v48 =	vmov s12  }
0x35: {  	v53 =	vmov s23;
	v44 =	vshrl.u32 v44, $0x3;
	v49 =	vshrl.u32 v49, $0x3  }
0x36: {  	v51 =	vshrl.u32 v51, $0x3;
	v54 =	vshrl.u32 v54, $0x3;
	v55 =	vshrl.u32 v55, $0x3  }
0x37: {  	s0 =	sshllo.u32 s31, $0x1;
	v45 =	vshll.u32 v45, v0;
	v57 =	vshrl.u32 v57, $0x3;
	v58 =	vshrl.u32 v58, $0x3  }
0x38: {  	_ =	swait.ge [sflag:s17], $0x1400;
	s22 =	simm.s32 $0xA;
	s3 =	smul.u32 $0x2800, s0;
	v41 =	vor.u32 v4, v41;
	v16 =	vand.u32 $0x5, v16;
	v29 =	vor.u32 v4, v15  }
0x39: {  	s11 =	rddreg [dreg:$0xb];
	v15 =	vor.u32 s22, v2;
	v28 =	vor.u32 v3, v28;
	v38 =	vshll.u32 v17, $0x3  }
0x3a: {  	s3 =	sadd.s32 s3, s11;
	s11 =	simm.s32 $0xA;
	v26 =	vor.u32 v4, v26;
	v27 =	vor.u32 v4, v27;
	v34 =	vor.u32 v4, v34  }
0x3b: {  	[sflag:s17] =	ssyncset.done $0x0;
	s26 =	simm.s32 $0x0;
	v43 =	vshll.u32 v43, v0;
	v47 =	vmov s11;
	v48 =	vshrl.u32 v48, $0x3  }
0x3c: {  	[sflag:s17] =	ssyncadd.s32 $0xFFFFEC00;
	v53 =	vshrl.u32 v53, $0x3;
	v56 =	vmov s26;
	v44 =	vshll.u32 v44, v0  }
0x3d: {  	[tilespmem:s18], [sflag:$0x2] =	stream.strided.gather [hbm4b:s3+s10], $0x1400, s14, s10, $0x38;
	v49 =	vshll.u32 v49, v0;
	v51 =	vshll.u32 v51, v0;
	v54 =	vshll.u32 v54, v0;
	[tilespmem:$0x1AB00] =	vst v63  }
0x3e: {  	s14 =	simm.s32 $0x4;
	v55 =	vshll.u32 v55, v0;
	v57 =	vshll.u32 v57, v0;
	v58 =	vshll.u32 v58, v0  }
0x3f: {  	v17 =	vand.u32 $0x7, v17;
	v23 =	vor.u32 s14, v2;
	v33 =	vshll.u32 v15, $0x3  }
0x40: {  	s10 =	simm.s32 $0x6;
	s22 =	simm.s32 $0x16;
	v28 =	vor.u32 v4, v28;
	v43 =	vadd.s32 v42, v43;
	v38 =	vor.u32 v4, v38  }
0x41: {  	p1 =	seq.s32 s31, $0x0;
	v46 =	vmov s10;
	v52 =	vmov s22;
	v47 =	vshrl.u32 v47, $0x3  }
0x42: {  	s3 =	simm.s32 @!p1 $0x3;
	v48 =	vshll.u32 v48, v0;
	v53 =	vshll.u32 v53, v0;
	v56 =	vshrl.u32 v56, $0x3  }
0x43: {  	_ =	swait.ge @!p1 [sflag:s3], $0x1400;
	v44 =	vadd.s32 v42, v44;
	v45 =	vadd.s32 v42, v45;
	v49 =	vadd.s32 v42, v49  }
0x44: {  	v51 =	vadd.s32 v42, v51;
	v54 =	vadd.s32 v42, v54;
	v55 =	vadd.s32 v42, v55;
	[sflag:s3] =	ssyncset.done @!p1 $0x0  }
0x45: {  	s14 =	simm.s32 $0x12;
	v57 =	vadd.s32 v42, v57;
	v31 =	vshll.u32 v23, $0x3;
	v33 =	vor.u32 v4, v33;
	[sflag:s3] =	ssyncadd.s32 @!p1 $0xFFFFEC00  }
0x46: {  	v43 =	vbroadcast v43, $0x0;
	v50 =	vmov s14;
	v46 =	vshrl.u32 v46, $0x3;
	v30 =	vld.idx.msk [tilespmem:v30+s16+$0x0], $0xffff  }
0x47: {  	v52 =	vshrl.u32 v52, $0x3;
	v47 =	vshll.u32 v47, v0;
	v48 =	vadd.s32 v42, v48;
	v32 =	vld.idx.msk [tilespmem:v32+s16+$0x0], $0xffff  }
0x48: {  	v53 =	vadd.s32 v42, v53;
	v44 =	vbroadcast v44, $0x0;
	v45 =	vbroadcast v45, $0x0;
	v35 =	vld.idx.msk [tilespmem:v35+s16+$0x0], $0xffff  }
0x49: {  	v56 =	vshll.u32 v56, v0;
	v49 =	vbroadcast v49, $0x0;
	v51 =	vbroadcast v51, $0x0;
	v36 =	vld.idx.msk [tilespmem:v36+s16+$0x0], $0xffff  }
0x4a: {  	v23 =	vand.u32 $0x5, v23;
	v54 =	vbroadcast v54, $0x0;
	v55 =	vbroadcast v55, $0x0;
	v37 =	vld.idx.msk [tilespmem:v37+s16+$0x0], $0xffff  }
0x4b: {  	v57 =	vbroadcast v57, $0x0;
	v31 =	vor.u32 v4, v31;
	v50 =	vshrl.u32 v50, $0x3;
	v39 =	vld.idx.msk [tilespmem:v39+s16+$0x0], $0xffff  }
0x4c: {  	v46 =	vshll.u32 v46, v0;
	v52 =	vshll.u32 v52, v0;
	v47 =	vadd.s32 v42, v47;
	v40 =	vld.idx.msk [tilespmem:v40+s16+$0x0], $0xffff  }
0x4d: {  	v56 =	vadd.s32 v42, v56;
	v48 =	vbroadcast v48, $0x0;
	v53 =	vbroadcast v53, $0x0;
	v41 =	vld.idx.msk [tilespmem:v41+s16+$0x0], $0xffff  }
0x4e: {  	v50 =	vshll.u32 v50, v0;
	v46 =	vadd.s32 v42, v46;
	v52 =	vadd.s32 v42, v52;
	v29 =	vld.idx.msk [tilespmem:v29+s16+$0x0], $0xffff  }
0x4f: {  	v43 =	vadd.s32 v5, v43;
	v47 =	vbroadcast v47, $0x0;
	v56 =	vbroadcast v56, $0x0;
	v26 =	vld.idx.msk [tilespmem:v26+s16+$0x0], $0xffff  }
0x50: {  	v25 =	vor.u32 v25, v44;
	v23 =	vor.u32 v23, v45;
	v27 =	vld.idx.msk [tilespmem:v27+s16+$0x0], $0xffff;
	v30 =	vshll.u32 v30, $0x3  }
0x51: {  	v20 =	vor.u32 v20, v49;
	v34 =	vld.idx.msk [tilespmem:v34+s16+$0x0], $0xffff;
	v32 =	vshll.u32 v32, $0x3;
	v30 =	vor.u32 v4, v30  }
0x52: {  	v22 =	vor.u32 v22, v51;
	v28 =	vld.idx.msk [tilespmem:v28+s16+$0x0], $0xffff;
	v35 =	vshll.u32 v35, $0x3;
	v32 =	vor.u32 v4, v32  }
0x53: {  	v19 =	vor.u32 v19, v54;
	v33 =	vld.idx.msk [tilespmem:v33+s16+$0x0], $0xffff;
	v37 =	vshll.u32 v37, $0x3;
	v35 =	vor.u32 v4, v35  }
0x54: {  	v14 =	vor.u32 v14, v55;
	v38 =	vld.idx.msk [tilespmem:v38+s16+$0x0], $0xffff;
	v29 =	vshll.u32 v29, $0x3;
	v37 =	vor.u32 v4, v37  }
0x55: {  	v31 =	vld.idx.msk [tilespmem:v31+s16+$0x0], $0xffff;
	v39 =	vshll.u32 v39, $0x3;
	v26 =	vshll.u32 v26, $0x3;
	v29 =	vor.u32 v4, v29  }
0x56: {  	v60 =	vshll.u32 v40, $0x3;
	v27 =	vshll.u32 v27, $0x3;
	v26 =	vor.u32 v4, v26;
	v40 =	vld.idx.msk [tilespmem:v30+s2+$0x0], $0xffff  }
0x57: {  	v59 =	vor.u32 v4, v39;
	v28 =	vshll.u32 v28, $0x3;
	v27 =	vor.u32 v4, v27;
	v39 =	vld.idx.msk [tilespmem:v32+s2+$0x0], $0xffff  }
0x58: {  	v50 =	vadd.s32 v42, v50;
	v33 =	vshll.u32 v33, $0x3;
	v28 =	vor.u32 v4, v28;
	v32 =	vld.idx.msk [tilespmem:v35+s2+$0x0], $0xffff  }
0x59: {  	v42 =	vadd.s32 v42, v58;
	v34 =	vshll.u32 v34, $0x3;
	v33 =	vor.u32 v4, v33;
	v35 =	vld.idx.msk [tilespmem:v37+s2+$0x0], $0xffff  }
0x5a: {  	v46 =	vbroadcast v46, $0x0;
	v36 =	vshll.u32 v36, $0x3;
	v34 =	vor.u32 v4, v34;
	v29 =	vld.idx.msk [tilespmem:v29+s2+$0x0], $0xffff  }
0x5b: {  	v52 =	vbroadcast v52, $0x0;
	v36 =	vor.u32 v4, v36;
	v38 =	vshll.u32 v38, $0x3;
	v26 =	vld.idx.msk [tilespmem:v26+s2+$0x0], $0xffff  }
0x5c: {  	v63 =	vor.u32 v18, v53;
	v58 =	vor.u32 v4, v38;
	v31 =	vshll.u32 v31, $0x3;
	v27 =	vld.idx.msk [tilespmem:v27+s2+$0x0], $0xffff  }
0x5d: {  	v18 =	vadd.s32 v6, v23;
	v45 =	vadd.s32 v6, v22;
	v31 =	vor.u32 v4, v31;
	v28 =	vld.idx.msk [tilespmem:v28+s2+$0x0], $0xffff  }
0x5e: {  	v50 =	vbroadcast v50, $0x0;
	v24 =	vor.u32 v24, v46;
	v61 =	vshll.u32 v41, $0x3;
	v41 =	vld.idx.msk [tilespmem:v33+s2+$0x0], $0xffff  }
0x5f: {  	v62 =	vor.u32 v17, v52;
	v17 =	vadd.s32 v6, v24;
	v60 =	vor.u32 v4, v60;
	v33 =	vld.idx.msk [tilespmem:v34+s2+$0x0], $0xffff  }
0x60: {  	v44 =	vadd.s32 v6, v62;
	v61 =	vor.u32 v4, v61;
	v30 =	vand.u32 $0x3, v15;
	v34 =	vld.idx.msk [tilespmem:v36+s2+$0x0], $0xffff  }
0x61: {  	v15 =	vbroadcast v42, $0x0;
	v42 =	vor.u32 v21, v50;
	v21 =	vadd.s32 v6, v25;
	v36 =	vld.idx.msk [tilespmem:v58+s2+$0x0], $0xffff  }
0x62: {  	v37 =	vadd.s32 v6, v19;
	v19 =	vadd.s32 v5, v57;
	v46 =	vadd.s32 v6, v42;
	v38 =	vld.idx.msk [tilespmem:v31+s2+$0x0], $0xffff  }
0x63: {  	v31 =	vld.idx.msk [tilespmem:v59+s2+$0x0], $0xffff;
	[tilespmem:v43+s19+$0x0] =	vst.idx.msk $0xffff, v29;
	v29 =	vor.u32 v30, v47;
	v30 =	vor.u32 v16, v48  }
0x64: {  	v42 =	vadd.s32 v6, v14;
	v16 =	vadd.s32 v6, v29;
	v48 =	vadd.s32 v6, v30;
	v30 =	vld.idx.msk [tilespmem:v60+s2+$0x0], $0xffff  }
0x65: {  	s7 =	simm.s32 $0x0;
	s12 =	simm.s32 $0x3E;
	v47 =	vadd.s32 v6, v20;
	v43 =	vadd.s32 v6, v63;
	v20 =	vadd.s32 v5, v56;
	v29 =	vld.idx.msk [tilespmem:v61+s2+$0x0], $0xffff  }
.LBB2_14:
0x66: {  	s30 =	sadd.s32 $0xFFFFFFE2, s12;
	s23 =	sadd.s32 $0xFFFFFFEA, s12;
	s25 =	sadd.s32 $0xFFFFFFFA, s12;
	v14 =	vor.u32 s12, v2;
	[tilespmem:v21+s19+$0x0] =	vst.idx.msk $0xffff, v40;
	v21 =	vadd.s32 v5, v15  }
0x67: {  	s4 =	sadd.s32 $0xFFFFFFE4, s12;
	s3 =	sadd.s32 $0xFFFFFFE6, s12;
	s24 =	sadd.s32 $0xFFFFFFF2, s12;
	v15 =	vmov s30;
	v22 =	vmov s23;
	v23 =	vmov s25;
	[tilespmem:v18+s19+$0x0] =	vst.idx.msk $0xffff, v38  }
0x68: {  	s15 =	sadd.s32 $0xFFFFFFE8, s12;
	s22 =	sadd.s32 $0xFFFFFFEC, s12;
	s6 =	sadd.s32 $0xFFFFFFEE, s12;
	v38 =	vshll.u32 v15, $0x3;
	v15 =	vmov s24;
	v18 =	vshll.u32 v23, $0x3;
	[tilespmem:v17+s19+$0x0] =	vst.idx.msk $0xffff, v39  }
0x69: {  	s11 =	sadd.s32 $0xFFFFFFF0, s12;
	s28 =	sadd.s32 $0xFFFFFFF4, s12;
	s5 =	sadd.s32 $0xFFFFFFF6, s12;
	v39 =	vshll.u32 v22, $0x3;
	v40 =	vshll.u32 v15, $0x3;
	v17 =	vor.u32 v3, v18;
	[tilespmem:v16+s19+$0x0] =	vst.idx.msk $0xffff, v41  }
0x6a: {  	s13 =	sadd.s32 $0xFFFFFFF8, s12;
	s14 =	sadd.s32 $0xFFFFFFFC, s12;
	s26 =	sadd.s32 $0xFFFFFFFE, s12;
	v25 =	vor.u32 s4, v2;
	v15 =	vor.u32 s3, v2;
	v41 =	vor.u32 v4, v17;
	[tilespmem:v20+s19+$0x0] =	vst.idx.msk $0xffff, v26  }
0x6b: {  	v24 =	vor.u32 s15, v2;
	v16 =	vor.u32 s22, v2;
	v17 =	vor.u32 s6, v2;
	[tilespmem:v19+s19+$0x0] =	vst.idx.msk $0xffff, v27  }
0x6c: {  	v18 =	vor.u32 s11, v2;
	v20 =	vor.u32 s5, v2;
	v19 =	vor.u32 s28, v2;
	[tilespmem:v21+s19+$0x0] =	vst.idx.msk $0xffff, v28  }
0x6d: {  	v22 =	vor.u32 s14, v2;
	v23 =	vor.u32 s26, v2;
	v21 =	vor.u32 s13, v2;
	[tilespmem:v48+s19+$0x0] =	vst.idx.msk $0xffff, v33  }
0x6e: {  	v26 =	vor.u32 v3, v38;
	v27 =	vor.u32 v3, v39;
	v28 =	vor.u32 v3, v40  }
0x6f: {  	v38 =	vshll.u32 v15, $0x3;
	v39 =	vshll.u32 v24, $0x3;
	v33 =	vshll.u32 v25, $0x3;
	v40 =	vld.idx.msk [tilespmem:v41+s16+$0x0], $0xffff;
	[tilespmem:v47+s19+$0x0] =	vst.idx.msk $0xffff, v32  }
0x70: {  	v32 =	vshll.u32 v16, $0x3;
	v41 =	vshll.u32 v17, $0x3;
	v47 =	vshll.u32 v18, $0x3;
	[tilespmem:v46+s19+$0x0] =	vst.idx.msk $0xffff, v34  }
0x71: {  	v48 =	vshll.u32 v21, $0x3;
	v34 =	vshll.u32 v19, $0x3;
	v46 =	vshll.u32 v20, $0x3;
	[tilespmem:v45+s19+$0x0] =	vst.idx.msk $0xffff, v35  }
0x72: {  	s7 =	sadd.s32 $0x10, s7;
	v49 =	vshll.u32 v14, $0x3;
	v35 =	vshll.u32 v22, $0x3;
	v45 =	vshll.u32 v23, $0x3;
	[tilespmem:v44+s19+$0x0] =	vst.idx.msk $0xffff, v36  }
0x73: {  	s8 =	sshrl.u32 s7, $0x6;
	p1 =	slt.u32 s7, $0x130;
	v26 =	vor.u32 v4, v26;
	v27 =	vor.u32 v4, v27;
	v28 =	vor.u32 v4, v28  }
0x74: {  	s9 =	sshll.u32 s8, $0x7;
	v33 =	vor.u32 v4, v33;
	v36 =	vor.u32 v4, v38;
	v38 =	vor.u32 v4, v39  }
0x75: {  	s8 =	sshll.u32 s8, $0x3;
	s10 =	ssub.s32 s4, s9;
	s4 =	ssub.s32 s25, s9;
	v32 =	vor.u32 v4, v32;
	v39 =	vor.u32 v4, v41;
	v40 =	vshll.u32 v40, $0x3;
	[tilespmem:v43+s19+$0x0] =	vst.idx.msk $0xffff, v31  }
0x76: {  	s15 =	ssub.s32 s15, s9;
	s22 =	ssub.s32 s22, s9;
	v41 =	vmov s4;
	v31 =	vmov s8;
	s8 =	ssub.s32 s3, s9;
	v40 =	vor.u32 v4, v40;
	[tilespmem:v37+s19+$0x0] =	vst.idx.msk $0xffff, v30  }
0x77: {  	s11 =	ssub.s32 s11, s9;
	s25 =	ssub.s32 s28, s9;
	s6 =	ssub.s32 s6, s9;
	v37 =	vmul.u32 $0x88, v31;
	v30 =	vor.u32 v4, v47;
	v31 =	vshrl.u32 v41, $0x3;
	[tilespmem:v42+s19+$0x0] =	vst.idx.msk $0xffff, v29  }
0x78: {  	s14 =	ssub.s32 s14, s9;
	s28 =	ssub.s32 s5, s9;
	s13 =	ssub.s32 s13, s9;
	v29 =	vor.u32 v4, v34;
	v34 =	vor.u32 v4, v46;
	v31 =	vshll.u32 v31, v0;
	v26 =	vld.idx.msk [tilespmem:v26+s16+$0x0], $0xffff  }
0x79: {  	s26 =	ssub.s32 s26, s9;
	v35 =	vor.u32 v4, v35;
	s3 =	ssub.s32 s30, s9;
	s30 =	ssub.s32 s12, s9;
	v41 =	vor.u32 v4, v48;
	v31 =	vadd.s32 v37, v31;
	v27 =	vld.idx.msk [tilespmem:v27+s16+$0x0], $0xffff  }
0x7a: {  	s5 =	ssub.s32 s24, s9;
	s4 =	ssub.s32 s23, s9;
	v43 =	vor.u32 v4, v49;
	v42 =	vor.u32 v4, v45;
	v31 =	vbroadcast v31, $0x0;
	v28 =	vld.idx.msk [tilespmem:v28+s16+$0x0], $0xffff  }
0x7b: {  	v44 =	vmov s10;
	v45 =	vmov s8;
	v46 =	vmov s15;
	v40 =	vld.idx.msk [tilespmem:v40+s2+$0x0], $0xffff  }
0x7c: {  	v47 =	vmov s22;
	v48 =	vmov s6;
	v31 =	vadd.s32 v5, v31;
	v33 =	vld.idx.msk [tilespmem:v33+s16+$0x0], $0xffff  }
0x7d: {  	v50 =	vmov s25;
	v51 =	vmov s28;
	v49 =	vmov s11;
	v36 =	vld.idx.msk [tilespmem:v36+s16+$0x0], $0xffff  }
0x7e: {  	v53 =	vmov s14;
	v54 =	vmov s26;
	v52 =	vmov s13;
	v38 =	vld.idx.msk [tilespmem:v38+s16+$0x0], $0xffff  }
0x7f: {  	v55 =	vmov s30;
	v26 =	vshll.u32 v26, $0x3;
	v27 =	vshll.u32 v27, $0x3;
	v32 =	vld.idx.msk [tilespmem:v32+s16+$0x0], $0xffff  }
0x80: {  	v44 =	vshrl.u32 v44, $0x3;
	v45 =	vshrl.u32 v45, $0x3;
	v28 =	vshll.u32 v28, $0x3;
	v39 =	vld.idx.msk [tilespmem:v39+s16+$0x0], $0xffff  }
0x81: {  	v47 =	vshrl.u32 v47, $0x3;
	v48 =	vshrl.u32 v48, $0x3;
	v46 =	vshrl.u32 v46, $0x3;
	v30 =	vld.idx.msk [tilespmem:v30+s16+$0x0], $0xffff;
	[tilespmem:v31+s19+$0x0] =	vst.idx.msk $0xffff, v40  }
0x82: {  	v31 =	vshll.u32 v33, $0x3;
	v33 =	vshrl.u32 v49, $0x3;
	v49 =	vshrl.u32 v50, $0x3;
	v29 =	vld.idx.msk [tilespmem:v29+s16+$0x0], $0xffff  }
0x83: {  	v50 =	vshrl.u32 v51, $0x3;
	v51 =	vshrl.u32 v52, $0x3;
	v36 =	vshll.u32 v36, $0x3;
	v34 =	vld.idx.msk [tilespmem:v34+s16+$0x0], $0xffff  }
0x84: {  	v52 =	vshrl.u32 v54, $0x3;
	v38 =	vshll.u32 v38, $0x3;
	v40 =	vld.idx.msk [tilespmem:v41+s16+$0x0], $0xffff;
	v41 =	vshrl.u32 v53, $0x3  }
0x85: {  	v54 =	vshrl.u32 v55, $0x3;
	v53 =	vmov s3;
	v32 =	vshll.u32 v32, $0x3;
	v35 =	vld.idx.msk [tilespmem:v35+s16+$0x0], $0xffff  }
0x86: {  	v56 =	vmov s5;
	v55 =	vmov s4;
	v39 =	vshll.u32 v39, $0x3;
	v42 =	vld.idx.msk [tilespmem:v42+s16+$0x0], $0xffff  }
0x87: {  	v26 =	vor.u32 v4, v26;
	v27 =	vor.u32 v4, v27;
	v30 =	vshll.u32 v30, $0x3;
	v43 =	vld.idx.msk [tilespmem:v43+s16+$0x0], $0xffff  }
0x88: {  	v28 =	vor.u32 v4, v28;
	v31 =	vor.u32 v4, v31;
	v29 =	vshll.u32 v29, $0x3  }
0x89: {  	v36 =	vor.u32 v4, v36;
	v57 =	vor.u32 v4, v38;
	v34 =	vshll.u32 v34, $0x3  }
0x8a: {  	v32 =	vor.u32 v4, v32;
	v58 =	vor.u32 v4, v39;
	v38 =	vshll.u32 v40, $0x3  }
0x8b: {  	v30 =	vor.u32 v4, v30;
	v29 =	vor.u32 v4, v29;
	v35 =	vshll.u32 v35, $0x3  }
0x8c: {  	v59 =	vor.u32 v4, v34;
	v60 =	vor.u32 v4, v38;
	v34 =	vshll.u32 v42, $0x3;
	v26 =	vld.idx.msk [tilespmem:v26+s2+$0x0], $0xffff  }
0x8d: {  	v42 =	vor.u32 v4, v35;
	v61 =	vor.u32 v4, v34;
	v34 =	vshll.u32 v43, $0x3;
	v27 =	vld.idx.msk [tilespmem:v27+s2+$0x0], $0xffff  }
0x8e: {  	v35 =	vshll.u32 v44, v0;
	v43 =	vshll.u32 v45, v0;
	v44 =	vor.u32 v4, v34;
	v28 =	vld.idx.msk [tilespmem:v28+s2+$0x0], $0xffff  }
0x8f: {  	v45 =	vshll.u32 v48, v0;
	v34 =	vshll.u32 v47, v0;
	v40 =	vld.idx.msk [tilespmem:v31+s2+$0x0], $0xffff;
	v31 =	vshll.u32 v46, v0  }
0x90: {  	v47 =	vshll.u32 v50, v0;
	v46 =	vshll.u32 v49, v0;
	v38 =	vld.idx.msk [tilespmem:v36+s2+$0x0], $0xffff;
	v36 =	vshll.u32 v33, v0  }
0x91: {  	v48 =	vshll.u32 v51, v0;
	v50 =	vshll.u32 v52, v0;
	v49 =	vshll.u32 v41, v0;
	v39 =	vld.idx.msk [tilespmem:v57+s2+$0x0], $0xffff  }
0x92: {  	v51 =	vshrl.u32 v53, $0x3;
	v53 =	vshll.u32 v54, v0;
	v52 =	vshrl.u32 v55, $0x3;
	v41 =	vld.idx.msk [tilespmem:v32+s2+$0x0], $0xffff  }
0x93: {  	v54 =	vadd.s32 v37, v35;
	v43 =	vadd.s32 v37, v43;
	v55 =	vshrl.u32 v56, $0x3;
	v33 =	vld.idx.msk [tilespmem:v58+s2+$0x0], $0xffff  }
0x94: {  	v45 =	vadd.s32 v37, v45;
	v56 =	vadd.s32 v37, v31;
	v57 =	vadd.s32 v37, v34;
	v32 =	vld.idx.msk [tilespmem:v30+s2+$0x0], $0xffff  }
0x95: {  	v47 =	vadd.s32 v37, v47;
	v46 =	vadd.s32 v37, v46;
	v58 =	vadd.s32 v37, v36;
	v34 =	vld.idx.msk [tilespmem:v29+s2+$0x0], $0xffff  }
0x96: {  	v48 =	vadd.s32 v37, v48;
	v50 =	vadd.s32 v37, v50;
	v49 =	vadd.s32 v37, v49;
	v35 =	vld.idx.msk [tilespmem:v59+s2+$0x0], $0xffff  }
0x97: {  	v29 =	vshll.u32 v51, v0;
	v51 =	vshll.u32 v52, v0;
	v52 =	vadd.s32 v37, v53;
	v36 =	vld.idx.msk [tilespmem:v60+s2+$0x0], $0xffff  }
0x98: {  	v43 =	vbroadcast v43, $0x0;
	v53 =	vbroadcast v54, $0x0;
	v54 =	vshll.u32 v55, v0;
	v31 =	vld.idx.msk [tilespmem:v42+s2+$0x0], $0xffff  }
0x99: {  	v55 =	vbroadcast v56, $0x0;
	v56 =	vbroadcast v57, $0x0;
	v42 =	vadd.s32 v37, v29;
	v30 =	vld.idx.msk [tilespmem:v61+s2+$0x0], $0xffff  }
0x9a: {  	v45 =	vbroadcast v45, $0x0;
	v57 =	vbroadcast v58, $0x0;
	v51 =	vadd.s32 v37, v51;
	v29 =	vld.idx.msk [tilespmem:v44+s2+$0x0], $0xffff  }
0x9b: {  	v37 =	vadd.s32 v37, v54;
	v44 =	vbroadcast v46, $0x0;
	v46 =	vbroadcast v47, $0x0  }
0x9c: {  	v25 =	vand.u32 $0x3, v25;
	v47 =	vbroadcast v48, $0x0;
	v48 =	vbroadcast v49, $0x0  }
0x9d: {  	v50 =	vbroadcast v50, $0x0;
	v52 =	vbroadcast v52, $0x0;
	v49 =	vand.u32 $0x5, v15  }
0x9e: {  	v24 =	vand.u32 $0x7, v24;
	v51 =	vbroadcast v51, $0x0;
	v42 =	vbroadcast v42, $0x0  }
0x9f: {  	v16 =	vand.u32 $0x3, v16;
	v17 =	vand.u32 $0x5, v17;
	v15 =	vbroadcast v37, $0x0  }
0xa0: {  	v18 =	vand.u32 $0x7, v18;
	v19 =	vand.u32 $0x3, v19;
	v20 =	vand.u32 $0x5, v20  }
0xa1: {  	v21 =	vand.u32 $0x7, v21;
	v22 =	vand.u32 $0x3, v22;
	v23 =	vand.u32 $0x5, v23  }
0xa2: {  	v14 =	vand.u32 $0x7, v14;
	v25 =	vor.u32 v25, v53;
	v37 =	vor.u32 v49, v43  }
0xa3: {  	v24 =	vor.u32 v24, v55;
	v16 =	vor.u32 v16, v56;
	v43 =	vor.u32 v17, v45  }
0xa4: {  	v45 =	vor.u32 v18, v57;
	v19 =	vor.u32 v19, v44;
	v20 =	vor.u32 v20, v46  }
0xa5: {  	v23 =	vor.u32 v23, v50;
	v44 =	vor.u32 v21, v47;
	v22 =	vor.u32 v22, v48  }
.Ltmp3:
0xa6: {  	v14 =	vor.u32 v14, v52;
	v21 =	vadd.s32 v6, v25;
	v18 =	vadd.s32 v6, v37;
	(pc) =	sbr.rel @p1 .LBB2_14-.Ltmp3, $4  }
0xa7: {  	v16 =	vadd.s32 v6, v16;
	v17 =	vadd.s32 v6, v24;
	v48 =	vadd.s32 v6, v43  }
0xa8: {  	v47 =	vadd.s32 v6, v45;
	v46 =	vadd.s32 v6, v19;
	v45 =	vadd.s32 v6, v20  }
0xa9: {  	v37 =	vadd.s32 v6, v23;
	v44 =	vadd.s32 v6, v44;
	v43 =	vadd.s32 v6, v22  }
0xaa: {  	s12 =	sadd.s32 $0x20, s12;
	v20 =	vadd.s32 v5, v42;
	v19 =	vadd.s32 v5, v51;
	v42 =	vadd.s32 v6, v14  }
0xab: {  	_ =	sdelay $0x3  }
0xac: {  	[tilespmem:v21+s19+$0x0] =	vst.idx.msk $0xffff, v40  }
0xad: {  	[tilespmem:v18+s19+$0x0] =	vst.idx.msk $0xffff, v38  }
0xae: {  	[tilespmem:v17+s19+$0x0] =	vst.idx.msk $0xffff, v39  }
0xaf: {  	[tilespmem:v16+s19+$0x0] =	vst.idx.msk $0xffff, v41  }
0xb0: {  	[tilespmem:v20+s19+$0x0] =	vst.idx.msk $0xffff, v26  }
0xb1: {  	[tilespmem:v19+s19+$0x0] =	vst.idx.msk $0xffff, v27  }
0xb2: {  	v14 =	vadd.s32 v5, v15;
	[tilespmem:v48+s19+$0x0] =	vst.idx.msk $0xffff, v33  }
0xb3: {  	[tilespmem:v47+s19+$0x0] =	vst.idx.msk $0xffff, v32  }
0xb4: {  	[tilespmem:v46+s19+$0x0] =	vst.idx.msk $0xffff, v34  }
0xb5: {  	[tilespmem:v45+s19+$0x0] =	vst.idx.msk $0xffff, v35  }
0xb6: {  	[tilespmem:v44+s19+$0x0] =	vst.idx.msk $0xffff, v36  }
0xb7: {  	s3 =	smul.u32 $0x2800, s31;
	[tilespmem:v14+s19+$0x0] =	vst.idx.msk $0xffff, v28  }
0xb8: {  	s4 =	rddreg [dreg:$0xc]  }
0xb9: {  	s3 =	sadd.s32 s4, s3  }
0xba: {  	[tilespmem:v43+s19+$0x0] =	vst.idx.msk $0xffff, v31;
	s3 =	sshrl.u32 s3, $0x3  }
0xbb: {  	s5 =	simm.s32 $0x10;
	[tilespmem:v37+s19+$0x0] =	vst.idx.msk $0xffff, v30;
	s4 =	sadd.s32 s1, s3  }
0xbc: {  	s6 =	simm.s32 $0x16108;
	[tilespmem:v42+s19+$0x0] =	vst.idx.msk $0xffff, v29;
	s3 =	simm.s32 $0x16080;
	s7 =	sadd.s32 $0x0, s4  }
.LBB2_16:
0xbd: {  	[hbm4b:s7+s2] =	stream.linear.scatter [tilespmem:s3], [sflag:$0x3], $0x80, $0x38;
	[tilespmem:$0x1AB00] =	vst v63  }
0xbe: {  	s7 =	smov.u32 s5;
	s3 =	smov.u32 s6;
	p1 =	sne.s32 s5, $0x270  }
.Ltmp4:
0xbf: {  	s5 =	sadd.s32 $0x10, s5;
	(pc) =	sbr.rel @p1 .LBB2_16-.Ltmp4, $2  }
0xc0: {  	_ =	sdelay $0x2  }
0xc1: {  	s6 =	sadd.s32 $0x88, s6;
	s7 =	sadd.s32 s7, s4  }
0xc2: {  	[hbm4b:s7+s2] =	stream.linear.scatter [tilespmem:s3], [sflag:$0x3], $0x80, $0x38;
	[tilespmem:$0x1AB00] =	vst v63  }
0xc3: {  	s8 =	simm.s32 $0x1E;
	s9 =	simm.s32 $0x0  }
0xc4: {  	s10 =	simm.s32 $0x8;
	s11 =	simm.s32 $0x18;
	s13 =	simm.s32 $0x2;
	v14 =	vor.u32 s8, v2;
	v15 =	vmov s9  }
0xc5: {  	s14 =	simm.s32 $0x4;
	s15 =	simm.s32 $0x6;
	s22 =	simm.s32 $0xA;
	v16 =	vmov s10;
	v17 =	vmov s11;
	v25 =	vor.u32 s13, v2  }
0xc6: {  	s23 =	simm.s32 $0xC;
	s24 =	simm.s32 $0xE;
	s25 =	simm.s32 $0x12;
	v23 =	vor.u32 s14, v2;
	v24 =	vor.u32 s15, v2;
	v18 =	vor.u32 s22, v2  }
0xc7: {  	s12 =	simm.s32 $0x10;
	s7 =	simm.s32 $0x18;
	v19 =	vor.u32 s23, v2;
	v20 =	vor.u32 s24, v2;
	v21 =	vor.u32 s25, v2  }
0xc8: {  	s8 =	simm.s32 $0x14;
	v43 =	vmov s7;
	v26 =	vshll.u32 v15, $0x3;
	v15 =	vmov s12  }
0xc9: {  	s28 =	simm.s32 $0x1A;
	v17 =	vshll.u32 v17, $0x3;
	v27 =	vshll.u32 v16, $0x3;
	v22 =	vor.u32 s8, v2  }
0xca: {  	v16 =	vor.u32 s28, v2;
	v30 =	vshll.u32 v25, $0x3;
	v31 =	vshll.u32 v23, $0x3  }
0xcb: {  	v32 =	vshll.u32 v24, $0x3;
	v33 =	vshll.u32 v18, $0x3;
	v34 =	vshll.u32 v19, $0x3  }
0xcc: {  	s9 =	simm.s32 $0x4;
	s10 =	simm.s32 $0x6;
	v35 =	vshll.u32 v20, $0x3;
	v36 =	vshll.u32 v21, $0x3;
	v41 =	vshll.u32 v14, $0x3  }
0xcd: {  	s11 =	simm.s32 $0xA;
	s13 =	simm.s32 $0xE;
	s14 =	simm.s32 $0x12;
	v43 =	vshrl.u32 v43, $0x3;
	v45 =	vmov s9;
	v46 =	vmov s10  }
0xce: {  	s15 =	simm.s32 $0x14;
	s22 =	simm.s32 $0x16;
	s23 =	simm.s32 $0x1A;
	v47 =	vmov s11;
	v49 =	vmov s13;
	v50 =	vmov s14  }
0xcf: {  	s24 =	simm.s32 $0x1C;
	s25 =	simm.s32 $0x1E;
	v51 =	vmov s15;
	v52 =	vmov s22;
	v53 =	vmov s23  }
0xd0: {  	v54 =	vmov s24;
	v55 =	vmov s25;
	v25 =	vand.u32 $0x3, v25  }
0xd1: {  	v23 =	vand.u32 $0x5, v23;
	v62 =	vand.u32 $0x7, v24;
	v18 =	vand.u32 $0x3, v18  }
0xd2: {  	v19 =	vand.u32 $0x5, v19;
	v20 =	vand.u32 $0x7, v20;
	v21 =	vand.u32 $0x3, v21  }
0xd3: {  	s30 =	simm.s32 $0x1C;
	v14 =	vand.u32 $0x7, v14;
	v28 =	vshll.u32 v15, $0x3;
	v15 =	vor.u32 v3, v17  }
0xd4: {  	v17 =	vor.u32 s30, v2;
	v26 =	vor.u32 v3, v26;
	v27 =	vor.u32 v3, v27  }
0xd5: {  	v37 =	vshll.u32 v22, $0x3;
	v39 =	vshll.u32 v16, $0x3;
	v30 =	vor.u32 v4, v30  }
0xd6: {  	v31 =	vor.u32 v4, v31;
	v32 =	vor.u32 v4, v32;
	v33 =	vor.u32 v4, v33  }
0xd7: {  	s8 =	simm.s32 $0x2;
	s12 =	simm.s32 $0xC;
	v34 =	vor.u32 v4, v34;
	v35 =	vor.u32 v4, v35;
	v43 =	vshll.u32 v43, v0  }
0xd8: {  	v36 =	vor.u32 v4, v36;
	v44 =	vmov s8;
	v48 =	vmov s12  }
0xd9: {  	v45 =	vshrl.u32 v45, $0x3;
	v46 =	vshrl.u32 v46, $0x3;
	v47 =	vshrl.u32 v47, $0x3  }
0xda: {  	v49 =	vshrl.u32 v49, $0x3;
	v50 =	vshrl.u32 v50, $0x3;
	v51 =	vshrl.u32 v51, $0x3  }
0xdb: {  	s28 =	simm.s32 $0x8;
	v52 =	vshrl.u32 v52, $0x3;
	v53 =	vshrl.u32 v53, $0x3;
	v54 =	vshrl.u32 v54, $0x3  }
0xdc: {  	v55 =	vshrl.u32 v55, $0x3;
	v57 =	vmov s28;
	v41 =	vor.u32 v4, v41  }
0xdd: {  	p1 =	seq.s32 s31, $0xF9;
	s26 =	simm.s32 $0x16;
	v22 =	vand.u32 $0x5, v22;
	v16 =	vand.u32 $0x3, v16;
	v29 =	vor.u32 v4, v15  }
0xde: {  	s4 =	smul.u32 @!p1 $0x28000, s31;
	v15 =	vor.u32 s26, v2;
	v28 =	vor.u32 v3, v28;
	v40 =	vshll.u32 v17, $0x3  }
0xdf: {  	_ =	swait.ge [sflag:s20], $0x1400;
	p2 =	seq.s32 @!p1 s31, $0x0;
	s5 =	simm.s32 @!p1 $0x80;
	v26 =	vor.u32 v4, v26;
	v27 =	vor.u32 v4, v27;
	v37 =	vor.u32 v4, v37  }
0xe0: {  	s3 =	sshrl.u32 @!p1 s4, $0x3;
	s4 =	rddreg [dreg:$0xb];
	s30 =	simm.s32 $0x10;
	v39 =	vor.u32 v4, v39;
	v44 =	vshrl.u32 v44, $0x3;
	v48 =	vshrl.u32 v48, $0x3  }
0xe1: {  	s6 =	simm.s32 @!p1 $0x13880;
	[sflag:s20] =	ssyncset.done $0x0;
	s3 =	sadd.s32 @!p1 s4, s3;
	v58 =	vmov s30;
	v45 =	vshll.u32 v45, v0;
	v46 =	vshll.u32 v46, v0  }
0xe2: {  	[sflag:s20] =	ssyncadd.s32 $0xFFFFEC00;
	s4 =	simm.s32 @!p1 $0x8;
	v47 =	vshll.u32 v47, v0;
	v49 =	vshll.u32 v49, v0;
	v50 =	vshll.u32 v50, v0;
	s3 =	sadd.s32 @!p1 $0x5000, s3  }
0xe3: {  	v51 =	vshll.u32 v51, v0;
	v52 =	vshll.u32 v52, v0;
	v53 =	vshll.u32 v53, v0;
	[tilespmem:s6], [sflag:$0x1] =	stream.strided.gather @!p1 [hbm4b:s3+s4], $0x1400, s5, s4, $0x38;
	[tilespmem:$0x1AB00] =	vst v63  }
0xe4: {  	v54 =	vshll.u32 v54, v0;
	v57 =	vshrl.u32 v57, $0x3;
	v55 =	vshll.u32 v55, v0;
	p1 =	por p1, !p2  }
0xe5: {  	s26 =	simm.s32 $0x0;
	v17 =	vand.u32 $0x5, v17;
	v38 =	vshll.u32 v15, $0x3;
	v28 =	vor.u32 v4, v28;
	s3 =	simm.s32 @p1 $0x4  }
0xe6: {  	v40 =	vor.u32 v4, v40;
	v56 =	vmov s26;
	v44 =	vshll.u32 v44, v0;
	s6 =	simm.s32 $0x0;
	_ =	swait.ge @p1 [sflag:s3], $0x1400  }
0xe7: {  	v48 =	vshll.u32 v48, v0;
	v58 =	vshrl.u32 v58, $0x3;
	v42 =	vmov s6;
	[sflag:s3] =	ssyncset.done @p1 $0x0  }
0xe8: {  	v57 =	vshll.u32 v57, v0;
	v15 =	vand.u32 $0x7, v15;
	v42 =	vmul.u32 $0x88, v42;
	[sflag:s3] =	ssyncadd.s32 @p1 $0xFFFFEC00  }
0xe9: {  	v38 =	vor.u32 v4, v38;
	v56 =	vshrl.u32 v56, $0x3;
	v58 =	vshll.u32 v58, v0;
	v29 =	vld.idx.msk [tilespmem:v29+s18+$0x0], $0xffff  }
0xea: {  	v56 =	vshll.u32 v56, v0;
	v43 =	vadd.s32 v42, v43;
	v44 =	vadd.s32 v42, v44;
	v26 =	vld.idx.msk [tilespmem:v26+s18+$0x0], $0xffff  }
0xeb: {  	v45 =	vadd.s32 v42, v45;
	v46 =	vadd.s32 v42, v46;
	v47 =	vadd.s32 v42, v47;
	v27 =	vld.idx.msk [tilespmem:v27+s18+$0x0], $0xffff  }
0xec: {  	v48 =	vadd.s32 v42, v48;
	v49 =	vadd.s32 v42, v49;
	v50 =	vadd.s32 v42, v50;
	v28 =	vld.idx.msk [tilespmem:v28+s18+$0x0], $0xffff  }
0xed: {  	v51 =	vadd.s32 v42, v51;
	v52 =	vadd.s32 v42, v52;
	v53 =	vadd.s32 v42, v53;
	v30 =	vld.idx.msk [tilespmem:v30+s18+$0x0], $0xffff  }
0xee: {  	v54 =	vadd.s32 v42, v54;
	v43 =	vbroadcast v43, $0x0;
	v31 =	vld.idx.msk [tilespmem:v31+s18+$0x0], $0xffff;
	v44 =	vbroadcast v44, $0x0  }
0xef: {  	v55 =	vadd.s32 v42, v55;
	v32 =	vld.idx.msk [tilespmem:v32+s18+$0x0], $0xffff;
	v45 =	vbroadcast v45, $0x0;
	v46 =	vbroadcast v46, $0x0  }
0xf0: {  	v56 =	vadd.s32 v42, v56;
	v33 =	vld.idx.msk [tilespmem:v33+s18+$0x0], $0xffff;
	v47 =	vbroadcast v47, $0x0;
	v48 =	vbroadcast v48, $0x0  }
0xf1: {  	v57 =	vadd.s32 v42, v57;
	v34 =	vld.idx.msk [tilespmem:v34+s18+$0x0], $0xffff;
	v49 =	vbroadcast v49, $0x0;
	v50 =	vbroadcast v50, $0x0  }
0xf2: {  	v42 =	vadd.s32 v42, v58;
	v35 =	vld.idx.msk [tilespmem:v35+s18+$0x0], $0xffff;
	v51 =	vbroadcast v51, $0x0;
	v52 =	vbroadcast v52, $0x0  }
0xf3: {  	v36 =	vld.idx.msk [tilespmem:v36+s18+$0x0], $0xffff;
	v53 =	vbroadcast v53, $0x0;
	v54 =	vbroadcast v54, $0x0;
	v29 =	vshll.u32 v29, $0x3  }
0xf4: {  	v37 =	vld.idx.msk [tilespmem:v37+s18+$0x0], $0xffff;
	v55 =	vbroadcast v55, $0x0;
	v26 =	vshll.u32 v26, $0x3;
	v29 =	vor.u32 v4, v29  }
0xf5: {  	v38 =	vld.idx.msk [tilespmem:v38+s18+$0x0], $0xffff;
	v56 =	vbroadcast v56, $0x0;
	v27 =	vshll.u32 v27, $0x3;
	v26 =	vor.u32 v4, v26  }
0xf6: {  	v39 =	vld.idx.msk [tilespmem:v39+s18+$0x0], $0xffff;
	v57 =	vbroadcast v57, $0x0;
	v28 =	vshll.u32 v28, $0x3;
	v27 =	vor.u32 v4, v27  }
0xf7: {  	v40 =	vld.idx.msk [tilespmem:v40+s18+$0x0], $0xffff;
	v24 =	vbroadcast v42, $0x0;
	v30 =	vshll.u32 v30, $0x3;
	v28 =	vor.u32 v4, v28  }
0xf8: {  	v41 =	vld.idx.msk [tilespmem:v41+s18+$0x0], $0xffff;
	v43 =	vadd.s32 v5, v43;
	v31 =	vshll.u32 v31, $0x3;
	v30 =	vor.u32 v4, v30  }
0xf9: {  	v25 =	vor.u32 v25, v44;
	v32 =	vshll.u32 v32, $0x3;
	v31 =	vor.u32 v4, v31;
	v29 =	vld.idx.msk [tilespmem:v29+s2+$0x0], $0xffff  }
0xfa: {  	v33 =	vshll.u32 v33, $0x3;
	v34 =	vshll.u32 v34, $0x3;
	v32 =	vor.u32 v4, v32;
	v26 =	vld.idx.msk [tilespmem:v26+s2+$0x0], $0xffff  }
0xfb: {  	v35 =	vshll.u32 v35, $0x3;
	v36 =	vshll.u32 v36, $0x3;
	v33 =	vor.u32 v4, v33;
	v27 =	vld.idx.msk [tilespmem:v27+s2+$0x0], $0xffff  }
0xfc: {  	v37 =	vshll.u32 v37, $0x3;
	v40 =	vshll.u32 v40, $0x3;
	v34 =	vor.u32 v4, v34;
	v28 =	vld.idx.msk [tilespmem:v28+s2+$0x0], $0xffff  }
0xfd: {  	v38 =	vshll.u32 v38, $0x3;
	v35 =	vor.u32 v4, v35;
	v60 =	vor.u32 v4, v40;
	v40 =	vld.idx.msk [tilespmem:v30+s2+$0x0], $0xffff  }
0xfe: {  	v39 =	vshll.u32 v39, $0x3;
	v36 =	vor.u32 v4, v36;
	v58 =	vor.u32 v4, v38;
	v38 =	vld.idx.msk [tilespmem:v31+s2+$0x0], $0xffff  }
0xff: {  	v41 =	vshll.u32 v41, $0x3;
	v37 =	vor.u32 v4, v37;
	v59 =	vor.u32 v4, v39;
	v39 =	vld.idx.msk [tilespmem:v32+s2+$0x0], $0xffff  }
0x100: {  	v23 =	vor.u32 v23, v45;
	v18 =	vor.u32 v18, v47;
	v61 =	vor.u32 v4, v41;
	v41 =	vld.idx.msk [tilespmem:v33+s2+$0x0], $0xffff  }
0x101: {  	v19 =	vor.u32 v19, v48;
	v21 =	vor.u32 v21, v50;
	v22 =	vor.u32 v22, v51;
	v33 =	vld.idx.msk [tilespmem:v34+s2+$0x0], $0xffff  }
0x102: {  	v52 =	vor.u32 v15, v52;
	v63 =	vor.u32 v17, v54;
	v14 =	vor.u32 v14, v55;
	v32 =	vld.idx.msk [tilespmem:v35+s2+$0x0], $0xffff  }
0x103: {  	v17 =	vadd.s32 v6, v23;
	v15 =	vadd.s32 v6, v18;
	v48 =	vadd.s32 v6, v19;
	v34 =	vld.idx.msk [tilespmem:v36+s2+$0x0], $0xffff  }
0x104: {  	v45 =	vadd.s32 v6, v22;
	v30 =	vor.u32 v20, v49;
	v35 =	vld.idx.msk [tilespmem:v37+s2+$0x0], $0xffff;
	v20 =	vadd.s32 v6, v25  }
0x105: {  	v44 =	vadd.s32 v6, v52;
	v36 =	vld.idx.msk [tilespmem:v58+s2+$0x0], $0xffff;
	[tilespmem:v43+s21+$0x0] =	vst.idx.msk $0xffff, v29;
	v29 =	vor.u32 v62, v46  }
0x106: {  	v19 =	vadd.s32 v5, v56;
	v31 =	vld.idx.msk [tilespmem:v59+s2+$0x0], $0xffff;
	v62 =	vor.u32 v16, v53;
	v16 =	vadd.s32 v6, v29  }
0x107: {  	v18 =	vadd.s32 v5, v57;
	v42 =	vadd.s32 v6, v14;
	v47 =	vadd.s32 v6, v30;
	v30 =	vld.idx.msk [tilespmem:v60+s2+$0x0], $0xffff  }
0x108: {  	s7 =	simm.s32 $0x0;
	s12 =	simm.s32 $0x3E;
	v37 =	vadd.s32 v6, v63;
	v46 =	vadd.s32 v6, v21;
	v43 =	vadd.s32 v6, v62;
	v29 =	vld.idx.msk [tilespmem:v61+s2+$0x0], $0xffff  }
.LBB2_18:
0x109: {  	s30 =	sadd.s32 $0xFFFFFFE2, s12;
	s23 =	sadd.s32 $0xFFFFFFEA, s12;
	s25 =	sadd.s32 $0xFFFFFFFA, s12;
	v14 =	vor.u32 s12, v2;
	[tilespmem:v20+s21+$0x0] =	vst.idx.msk $0xffff, v40;
	v21 =	vadd.s32 v5, v24  }
0x10a: {  	s4 =	sadd.s32 $0xFFFFFFE4, s12;
	s3 =	sadd.s32 $0xFFFFFFE6, s12;
	s24 =	sadd.s32 $0xFFFFFFF2, s12;
	v20 =	vmov s30;
	v22 =	vmov s23;
	v23 =	vmov s25;
	[tilespmem:v17+s21+$0x0] =	vst.idx.msk $0xffff, v38  }
0x10b: {  	s15 =	sadd.s32 $0xFFFFFFE8, s12;
	s22 =	sadd.s32 $0xFFFFFFEC, s12;
	s6 =	sadd.s32 $0xFFFFFFEE, s12;
	v17 =	vmov s24;
	v38 =	vshll.u32 v20, $0x3;
	v20 =	vshll.u32 v23, $0x3;
	[tilespmem:v16+s21+$0x0] =	vst.idx.msk $0xffff, v39  }
0x10c: {  	s11 =	sadd.s32 $0xFFFFFFF0, s12;
	s28 =	sadd.s32 $0xFFFFFFF4, s12;
	s5 =	sadd.s32 $0xFFFFFFF6, s12;
	v39 =	vshll.u32 v22, $0x3;
	v40 =	vshll.u32 v17, $0x3;
	v16 =	vor.u32 v3, v20;
	[tilespmem:v15+s21+$0x0] =	vst.idx.msk $0xffff, v41  }
0x10d: {  	s13 =	sadd.s32 $0xFFFFFFF8, s12;
	s14 =	sadd.s32 $0xFFFFFFFC, s12;
	s26 =	sadd.s32 $0xFFFFFFFE, s12;
	v25 =	vor.u32 s4, v2;
	v15 =	vor.u32 s3, v2;
	v41 =	vor.u32 v4, v16;
	[tilespmem:v19+s21+$0x0] =	vst.idx.msk $0xffff, v26  }
0x10e: {  	v24 =	vor.u32 s15, v2;
	v17 =	vor.u32 s6, v2;
	v16 =	vor.u32 s22, v2;
	[tilespmem:v18+s21+$0x0] =	vst.idx.msk $0xffff, v27  }
0x10f: {  	v20 =	vor.u32 s5, v2;
	v19 =	vor.u32 s28, v2;
	v18 =	vor.u32 s11, v2;
	[tilespmem:v21+s21+$0x0] =	vst.idx.msk $0xffff, v28  }
0x110: {  	v22 =	vor.u32 s14, v2;
	v23 =	vor.u32 s26, v2;
	v21 =	vor.u32 s13, v2;
	[tilespmem:v48+s21+$0x0] =	vst.idx.msk $0xffff, v33  }
0x111: {  	v26 =	vor.u32 v3, v38;
	v27 =	vor.u32 v3, v39;
	v28 =	vor.u32 v3, v40  }
0x112: {  	v38 =	vshll.u32 v15, $0x3;
	v39 =	vshll.u32 v24, $0x3;
	v33 =	vshll.u32 v25, $0x3;
	v40 =	vld.idx.msk [tilespmem:v41+s18+$0x0], $0xffff;
	[tilespmem:v47+s21+$0x0] =	vst.idx.msk $0xffff, v32  }
0x113: {  	v32 =	vshll.u32 v16, $0x3;
	v41 =	vshll.u32 v17, $0x3;
	v47 =	vshll.u32 v18, $0x3;
	[tilespmem:v46+s21+$0x0] =	vst.idx.msk $0xffff, v34  }
0x114: {  	v48 =	vshll.u32 v21, $0x3;
	v34 =	vshll.u32 v19, $0x3;
	v46 =	vshll.u32 v20, $0x3;
	[tilespmem:v45+s21+$0x0] =	vst.idx.msk $0xffff, v35  }
0x115: {  	s7 =	sadd.s32 $0x10, s7;
	v49 =	vshll.u32 v14, $0x3;
	v35 =	vshll.u32 v22, $0x3;
	v45 =	vshll.u32 v23, $0x3;
	[tilespmem:v44+s21+$0x0] =	vst.idx.msk $0xffff, v36  }
0x116: {  	s8 =	sshrl.u32 s7, $0x6;
	p1 =	slt.u32 s7, $0x130;
	v26 =	vor.u32 v4, v26;
	v27 =	vor.u32 v4, v27;
	v28 =	vor.u32 v4, v28  }
0x117: {  	s9 =	sshll.u32 s8, $0x7;
	v33 =	vor.u32 v4, v33;
	v36 =	vor.u32 v4, v38;
	v38 =	vor.u32 v4, v39  }
0x118: {  	s8 =	sshll.u32 s8, $0x3;
	s10 =	ssub.s32 s4, s9;
	s4 =	ssub.s32 s25, s9;
	v32 =	vor.u32 v4, v32;
	v39 =	vor.u32 v4, v41;
	v40 =	vshll.u32 v40, $0x3;
	[tilespmem:v43+s21+$0x0] =	vst.idx.msk $0xffff, v31  }
0x119: {  	s15 =	ssub.s32 s15, s9;
	s22 =	ssub.s32 s22, s9;
	v41 =	vmov s4;
	v31 =	vmov s8;
	s8 =	ssub.s32 s3, s9;
	v40 =	vor.u32 v4, v40;
	[tilespmem:v37+s21+$0x0] =	vst.idx.msk $0xffff, v30  }
0x11a: {  	s6 =	ssub.s32 s6, s9;
	s25 =	ssub.s32 s28, s9;
	s11 =	ssub.s32 s11, s9;
	v37 =	vmul.u32 $0x88, v31;
	v30 =	vor.u32 v4, v47;
	v31 =	vshrl.u32 v41, $0x3;
	[tilespmem:v42+s21+$0x0] =	vst.idx.msk $0xffff, v29  }
0x11b: {  	s14 =	ssub.s32 s14, s9;
	s28 =	ssub.s32 s5, s9;
	s13 =	ssub.s32 s13, s9;
	v29 =	vor.u32 v4, v34;
	v34 =	vor.u32 v4, v46;
	v31 =	vshll.u32 v31, v0;
	v26 =	vld.idx.msk [tilespmem:v26+s18+$0x0], $0xffff  }
0x11c: {  	s26 =	ssub.s32 s26, s9;
	v35 =	vor.u32 v4, v35;
	s3 =	ssub.s32 s30, s9;
	s30 =	ssub.s32 s12, s9;
	v41 =	vor.u32 v4, v48;
	v31 =	vadd.s32 v37, v31;
	v27 =	vld.idx.msk [tilespmem:v27+s18+$0x0], $0xffff  }
0x11d: {  	s5 =	ssub.s32 s24, s9;
	s4 =	ssub.s32 s23, s9;
	v43 =	vor.u32 v4, v49;
	v42 =	vor.u32 v4, v45;
	v31 =	vbroadcast v31, $0x0;
	v28 =	vld.idx.msk [tilespmem:v28+s18+$0x0], $0xffff  }
0x11e: {  	v44 =	vmov s10;
	v45 =	vmov s8;
	v46 =	vmov s15;
	v40 =	vld.idx.msk [tilespmem:v40+s2+$0x0], $0xffff  }
0x11f: {  	v47 =	vmov s22;
	v48 =	vmov s6;
	v31 =	vadd.s32 v5, v31;
	v33 =	vld.idx.msk [tilespmem:v33+s18+$0x0], $0xffff  }
0x120: {  	v50 =	vmov s25;
	v51 =	vmov s28;
	v49 =	vmov s11;
	v36 =	vld.idx.msk [tilespmem:v36+s18+$0x0], $0xffff  }
0x121: {  	v53 =	vmov s14;
	v54 =	vmov s26;
	v52 =	vmov s13;
	v38 =	vld.idx.msk [tilespmem:v38+s18+$0x0], $0xffff  }
0x122: {  	v55 =	vmov s30;
	v26 =	vshll.u32 v26, $0x3;
	v27 =	vshll.u32 v27, $0x3;
	v32 =	vld.idx.msk [tilespmem:v32+s18+$0x0], $0xffff  }
0x123: {  	v44 =	vshrl.u32 v44, $0x3;
	v45 =	vshrl.u32 v45, $0x3;
	v28 =	vshll.u32 v28, $0x3;
	v39 =	vld.idx.msk [tilespmem:v39+s18+$0x0], $0xffff  }
0x124: {  	v47 =	vshrl.u32 v47, $0x3;
	v48 =	vshrl.u32 v48, $0x3;
	v46 =	vshrl.u32 v46, $0x3;
	v30 =	vld.idx.msk [tilespmem:v30+s18+$0x0], $0xffff;
	[tilespmem:v31+s21+$0x0] =	vst.idx.msk $0xffff, v40  }
0x125: {  	v31 =	vshll.u32 v33, $0x3;
	v33 =	vshrl.u32 v49, $0x3;
	v49 =	vshrl.u32 v50, $0x3;
	v29 =	vld.idx.msk [tilespmem:v29+s18+$0x0], $0xffff  }
0x126: {  	v50 =	vshrl.u32 v51, $0x3;
	v51 =	vshrl.u32 v52, $0x3;
	v36 =	vshll.u32 v36, $0x3;
	v34 =	vld.idx.msk [tilespmem:v34+s18+$0x0], $0xffff  }
0x127: {  	v52 =	vshrl.u32 v54, $0x3;
	v38 =	vshll.u32 v38, $0x3;
	v40 =	vld.idx.msk [tilespmem:v41+s18+$0x0], $0xffff;
	v41 =	vshrl.u32 v53, $0x3  }
0x128: {  	v54 =	vshrl.u32 v55, $0x3;
	v53 =	vmov s3;
	v32 =	vshll.u32 v32, $0x3;
	v35 =	vld.idx.msk [tilespmem:v35+s18+$0x0], $0xffff  }
0x129: {  	v56 =	vmov s5;
	v55 =	vmov s4;
	v39 =	vshll.u32 v39, $0x3;
	v42 =	vld.idx.msk [tilespmem:v42+s18+$0x0], $0xffff  }
0x12a: {  	v26 =	vor.u32 v4, v26;
	v27 =	vor.u32 v4, v27;
	v30 =	vshll.u32 v30, $0x3;
	v43 =	vld.idx.msk [tilespmem:v43+s18+$0x0], $0xffff  }
0x12b: {  	v28 =	vor.u32 v4, v28;
	v31 =	vor.u32 v4, v31;
	v29 =	vshll.u32 v29, $0x3  }
0x12c: {  	v36 =	vor.u32 v4, v36;
	v57 =	vor.u32 v4, v38;
	v34 =	vshll.u32 v34, $0x3  }
0x12d: {  	v32 =	vor.u32 v4, v32;
	v58 =	vor.u32 v4, v39;
	v38 =	vshll.u32 v40, $0x3  }
0x12e: {  	v30 =	vor.u32 v4, v30;
	v29 =	vor.u32 v4, v29;
	v35 =	vshll.u32 v35, $0x3  }
0x12f: {  	v59 =	vor.u32 v4, v34;
	v60 =	vor.u32 v4, v38;
	v34 =	vshll.u32 v42, $0x3;
	v26 =	vld.idx.msk [tilespmem:v26+s2+$0x0], $0xffff  }
0x130: {  	v42 =	vor.u32 v4, v35;
	v61 =	vor.u32 v4, v34;
	v34 =	vshll.u32 v43, $0x3;
	v27 =	vld.idx.msk [tilespmem:v27+s2+$0x0], $0xffff  }
0x131: {  	v35 =	vshll.u32 v44, v0;
	v43 =	vshll.u32 v45, v0;
	v44 =	vor.u32 v4, v34;
	v28 =	vld.idx.msk [tilespmem:v28+s2+$0x0], $0xffff  }
0x132: {  	v45 =	vshll.u32 v48, v0;
	v34 =	vshll.u32 v47, v0;
	v40 =	vld.idx.msk [tilespmem:v31+s2+$0x0], $0xffff;
	v31 =	vshll.u32 v46, v0  }
0x133: {  	v47 =	vshll.u32 v50, v0;
	v46 =	vshll.u32 v49, v0;
	v38 =	vld.idx.msk [tilespmem:v36+s2+$0x0], $0xffff;
	v36 =	vshll.u32 v33, v0  }
0x134: {  	v48 =	vshll.u32 v51, v0;
	v50 =	vshll.u32 v52, v0;
	v49 =	vshll.u32 v41, v0;
	v39 =	vld.idx.msk [tilespmem:v57+s2+$0x0], $0xffff  }
0x135: {  	v51 =	vshrl.u32 v53, $0x3;
	v53 =	vshll.u32 v54, v0;
	v52 =	vshrl.u32 v55, $0x3;
	v41 =	vld.idx.msk [tilespmem:v32+s2+$0x0], $0xffff  }
0x136: {  	v54 =	vadd.s32 v37, v35;
	v43 =	vadd.s32 v37, v43;
	v55 =	vshrl.u32 v56, $0x3;
	v33 =	vld.idx.msk [tilespmem:v58+s2+$0x0], $0xffff  }
0x137: {  	v45 =	vadd.s32 v37, v45;
	v56 =	vadd.s32 v37, v31;
	v57 =	vadd.s32 v37, v34;
	v32 =	vld.idx.msk [tilespmem:v30+s2+$0x0], $0xffff  }
0x138: {  	v47 =	vadd.s32 v37, v47;
	v46 =	vadd.s32 v37, v46;
	v58 =	vadd.s32 v37, v36;
	v34 =	vld.idx.msk [tilespmem:v29+s2+$0x0], $0xffff  }
0x139: {  	v48 =	vadd.s32 v37, v48;
	v50 =	vadd.s32 v37, v50;
	v49 =	vadd.s32 v37, v49;
	v35 =	vld.idx.msk [tilespmem:v59+s2+$0x0], $0xffff  }
0x13a: {  	v29 =	vshll.u32 v51, v0;
	v51 =	vshll.u32 v52, v0;
	v52 =	vadd.s32 v37, v53;
	v36 =	vld.idx.msk [tilespmem:v60+s2+$0x0], $0xffff  }
0x13b: {  	v43 =	vbroadcast v43, $0x0;
	v53 =	vbroadcast v54, $0x0;
	v54 =	vshll.u32 v55, v0;
	v31 =	vld.idx.msk [tilespmem:v42+s2+$0x0], $0xffff  }
0x13c: {  	v55 =	vbroadcast v56, $0x0;
	v56 =	vbroadcast v57, $0x0;
	v42 =	vadd.s32 v37, v29;
	v30 =	vld.idx.msk [tilespmem:v61+s2+$0x0], $0xffff  }
0x13d: {  	v45 =	vbroadcast v45, $0x0;
	v57 =	vbroadcast v58, $0x0;
	v51 =	vadd.s32 v37, v51;
	v29 =	vld.idx.msk [tilespmem:v44+s2+$0x0], $0xffff  }
0x13e: {  	v37 =	vadd.s32 v37, v54;
	v44 =	vbroadcast v46, $0x0;
	v46 =	vbroadcast v47, $0x0  }
0x13f: {  	v25 =	vand.u32 $0x3, v25;
	v47 =	vbroadcast v48, $0x0;
	v48 =	vbroadcast v49, $0x0  }
0x140: {  	v15 =	vand.u32 $0x5, v15;
	v49 =	vbroadcast v50, $0x0;
	v50 =	vbroadcast v52, $0x0  }
0x141: {  	v51 =	vbroadcast v51, $0x0;
	v42 =	vbroadcast v42, $0x0;
	v52 =	vand.u32 $0x7, v24  }
0x142: {  	v16 =	vand.u32 $0x3, v16;
	v17 =	vand.u32 $0x5, v17;
	v24 =	vbroadcast v37, $0x0  }
0x143: {  	v18 =	vand.u32 $0x7, v18;
	v19 =	vand.u32 $0x3, v19;
	v20 =	vand.u32 $0x5, v20  }
0x144: {  	v21 =	vand.u32 $0x7, v21;
	v22 =	vand.u32 $0x3, v22;
	v23 =	vand.u32 $0x5, v23  }
0x145: {  	v14 =	vand.u32 $0x7, v14;
	v15 =	vor.u32 v15, v43;
	v25 =	vor.u32 v25, v53  }
0x146: {  	v45 =	vor.u32 v17, v45;
	v43 =	vor.u32 v16, v56;
	v37 =	vor.u32 v52, v55  }
0x147: {  	v18 =	vor.u32 v18, v57;
	v19 =	vor.u32 v19, v44;
	v44 =	vor.u32 v20, v46  }
0x148: {  	v21 =	vor.u32 v21, v47;
	v22 =	vor.u32 v22, v48;
	v23 =	vor.u32 v23, v49  }
.Ltmp5:
0x149: {  	v17 =	vadd.s32 v6, v15;
	v20 =	vadd.s32 v6, v25;
	v14 =	vor.u32 v14, v50;
	(pc) =	sbr.rel @p1 .LBB2_18-.Ltmp5, $4  }
0x14a: {  	v15 =	vadd.s32 v6, v43;
	v16 =	vadd.s32 v6, v37;
	v48 =	vadd.s32 v6, v45  }
0x14b: {  	v47 =	vadd.s32 v6, v18;
	v46 =	vadd.s32 v6, v19;
	v45 =	vadd.s32 v6, v44  }
0x14c: {  	v44 =	vadd.s32 v6, v21;
	v43 =	vadd.s32 v6, v22;
	v37 =	vadd.s32 v6, v23  }
0x14d: {  	s12 =	sadd.s32 $0x20, s12;
	v18 =	vadd.s32 v5, v51;
	v19 =	vadd.s32 v5, v42;
	v42 =	vadd.s32 v6, v14  }
0x14e: {  	_ =	sdelay $0x3  }
0x14f: {  	[tilespmem:v20+s21+$0x0] =	vst.idx.msk $0xffff, v40  }
0x150: {  	[tilespmem:v17+s21+$0x0] =	vst.idx.msk $0xffff, v38  }
0x151: {  	[tilespmem:v16+s21+$0x0] =	vst.idx.msk $0xffff, v39  }
0x152: {  	[tilespmem:v15+s21+$0x0] =	vst.idx.msk $0xffff, v41  }
0x153: {  	[tilespmem:v19+s21+$0x0] =	vst.idx.msk $0xffff, v26  }
0x154: {  	[tilespmem:v18+s21+$0x0] =	vst.idx.msk $0xffff, v27  }
0x155: {  	v14 =	vadd.s32 v5, v24;
	[tilespmem:v48+s21+$0x0] =	vst.idx.msk $0xffff, v33  }
0x156: {  	[tilespmem:v47+s21+$0x0] =	vst.idx.msk $0xffff, v32  }
0x157: {  	[tilespmem:v46+s21+$0x0] =	vst.idx.msk $0xffff, v34  }
0x158: {  	[tilespmem:v45+s21+$0x0] =	vst.idx.msk $0xffff, v35  }
0x159: {  	[tilespmem:v44+s21+$0x0] =	vst.idx.msk $0xffff, v36  }
0x15a: {  	s0 =	smul.u32 $0x1400, s0;
	[tilespmem:v14+s21+$0x0] =	vst.idx.msk $0xffff, v28  }
0x15b: {  	s3 =	rddreg [dreg:$0xc]  }
0x15c: {  	s0 =	sadd.s32 s3, s0  }
0x15d: {  	[tilespmem:v43+s21+$0x0] =	vst.idx.msk $0xffff, v31;
	s0 =	sshrl.u32 s0, $0x3  }
0x15e: {  	s4 =	simm.s32 $0x10;
	[tilespmem:v37+s21+$0x0] =	vst.idx.msk $0xffff, v30;
	s0 =	sadd.s32 s1, s0  }
0x15f: {  	s5 =	simm.s32 $0x17648;
	[tilespmem:v42+s21+$0x0] =	vst.idx.msk $0xffff, v29;
	s3 =	simm.s32 $0x175C0;
	s6 =	sadd.s32 $0x0, s0  }
.LBB2_20:
0x160: {  	[hbm4b:s6+s2] =	stream.linear.scatter [tilespmem:s3], [sflag:$0x4], $0x80, $0x38;
	[tilespmem:$0x1AB00] =	vst v63  }
0x161: {  	s6 =	smov.u32 s4;
	s3 =	smov.u32 s5;
	p1 =	sne.s32 s4, $0x270  }
.Ltmp6:
0x162: {  	s4 =	sadd.s32 $0x10, s4;
	(pc) =	sbr.rel @p1 .LBB2_20-.Ltmp6, $2  }
0x163: {  	_ =	sdelay $0x2  }
0x164: {  	s5 =	sadd.s32 $0x88, s5;
	s6 =	sadd.s32 s6, s0  }
0x165: {  	s31 =	sadd.s32 $0x1, s31  }
0x166: {  	p1 =	sne.s32 s31, $0xFA  }
.Ltmp7:
0x167: {  	_ = 	snop;
	(pc) =	sbr.rel @p1 .LBB2_13-.Ltmp7, $4  }
.Ltmp8:
0x168: {  	_ = 	snop;
	(pc) =	sbr.rel @!p1 .LBB2_22-.Ltmp8, $4  }
0x169: {  	_ = 	snop  }
0x16a: {  	[hbm4b:s6+s2] =	stream.linear.scatter [tilespmem:s3], [sflag:$0x4], $0x80, $0x38;
	[tilespmem:$0x1AB00] =	vst v63  }
0x16b: {  	s10 =	simm.s32 $0x8;
	s14 =	simm.s32 $0x80  }
0x16c: {  	_ = 	snop  }
.LBB2_2:
0x16d: {  	s0 =	rddreg [dreg:$0xa];
	s31 =	simm.s32 $0x0  }
0x16e: {  	[tilespmem:s16], [sflag:$0x1] =	stream.strided.gather [hbm4b:s0+s10], $0x1400, s14, s10, $0x38;
	[tilespmem:$0x1AB00] =	vst v63  }
.LBB2_3:
0x16f: {  	s4 =	simm.s32 $0x1E;
	s5 =	simm.s32 $0x0  }
0x170: {  	s6 =	simm.s32 $0x8;
	s7 =	simm.s32 $0x18;
	s13 =	simm.s32 $0x2;
	v14 =	vor.u32 s4, v2;
	v15 =	vmov s5  }
0x171: {  	s15 =	simm.s32 $0x6;
	s24 =	simm.s32 $0xE;
	s25 =	simm.s32 $0x12;
	v16 =	vmov s6;
	v17 =	vmov s7;
	v25 =	vor.u32 s13, v2  }
0x172: {  	s28 =	simm.s32 $0x1A;
	s30 =	simm.s32 $0x1C;
	s8 =	simm.s32 $0x2;
	v24 =	vor.u32 s15, v2;
	v20 =	vor.u32 s24, v2;
	v21 =	vor.u32 s25, v2  }
0x173: {  	s12 =	simm.s32 $0x10;
	s9 =	simm.s32 $0x4;
	v18 =	vor.u32 s28, v2;
	v19 =	vor.u32 s30, v2;
	v44 =	vmov s8  }
0x174: {  	s23 =	simm.s32 $0xC;
	v45 =	vmov s9;
	v26 =	vshll.u32 v15, $0x3;
	v15 =	vmov s12  }
0x175: {  	v17 =	vshll.u32 v17, $0x3;
	v27 =	vshll.u32 v16, $0x3;
	v16 =	vor.u32 s23, v2  }
0x176: {  	v30 =	vshll.u32 v25, $0x3;
	v32 =	vshll.u32 v24, $0x3;
	v35 =	vshll.u32 v20, $0x3  }
0x177: {  	s6 =	simm.s32 $0x0;
	s7 =	simm.s32 $0x18;
	v36 =	vshll.u32 v21, $0x3;
	v39 =	vshll.u32 v18, $0x3;
	v40 =	vshll.u32 v19, $0x3  }
0x178: {  	s13 =	simm.s32 $0xE;
	s15 =	simm.s32 $0x14;
	s24 =	simm.s32 $0x1C;
	v41 =	vshll.u32 v14, $0x3;
	v42 =	vmov s6;
	v43 =	vmov s7  }
0x179: {  	s25 =	simm.s32 $0x1E;
	v49 =	vmov s13;
	v51 =	vmov s15;
	v54 =	vmov s24  }
0x17a: {  	s28 =	simm.s32 $0x8;
	s30 =	simm.s32 $0x10;
	v55 =	vmov s25;
	v44 =	vshrl.u32 v44, $0x3;
	v45 =	vshrl.u32 v45, $0x3  }
0x17b: {  	v57 =	vmov s28;
	v58 =	vmov s30;
	v25 =	vand.u32 $0x3, v25  }
0x17c: {  	v24 =	vand.u32 $0x7, v24;
	v20 =	vand.u32 $0x7, v20;
	v21 =	vand.u32 $0x3, v21  }
0x17d: {  	s26 =	simm.s32 $0x16;
	v18 =	vand.u32 $0x3, v18;
	v19 =	vand.u32 $0x5, v19;
	v14 =	vand.u32 $0x7, v14  }
0x17e: {  	v28 =	vshll.u32 v15, $0x3;
	v15 =	vor.u32 v3, v17;
	v17 =	vor.u32 s26, v2  }
0x17f: {  	v26 =	vor.u32 v3, v26;
	v27 =	vor.u32 v3, v27;
	v34 =	vshll.u32 v16, $0x3  }
0x180: {  	v30 =	vor.u32 v4, v30;
	v32 =	vor.u32 v4, v32;
	v42 =	vmul.u32 $0x88, v42  }
0x181: {  	s12 =	simm.s32 $0xC;
	v43 =	vshrl.u32 v43, $0x3;
	v35 =	vor.u32 v4, v35;
	v36 =	vor.u32 v4, v36  }
0x182: {  	s23 =	simm.s32 $0x1A;
	v39 =	vor.u32 v4, v39;
	v40 =	vor.u32 v4, v40;
	v48 =	vmov s12  }
0x183: {  	s0 =	sshllo.u32 s31, $0x1;
	v53 =	vmov s23;
	v49 =	vshrl.u32 v49, $0x3;
	v51 =	vshrl.u32 v51, $0x3  }
0x184: {  	_ =	swait.ge [sflag:s17], $0x1400;
	s3 =	smul.u32 $0x2800, s0;
	v54 =	vshrl.u32 v54, $0x3;
	v55 =	vshrl.u32 v55, $0x3;
	v44 =	vshll.u32 v44, v0  }
0x185: {  	s11 =	rddreg [dreg:$0xa];
	v45 =	vshll.u32 v45, v0;
	v57 =	vshrl.u32 v57, $0x3;
	v58 =	vshrl.u32 v58, $0x3  }
0x186: {  	s22 =	simm.s32 $0xA;
	s3 =	sadd.s32 s3, s11;
	s11 =	simm.s32 $0x14;
	v41 =	vor.u32 v4, v41;
	v16 =	vand.u32 $0x5, v16;
	v29 =	vor.u32 v4, v15  }
0x187: {  	v15 =	vor.u32 s22, v2;
	v22 =	vor.u32 s11, v2;
	v28 =	vor.u32 v3, v28  }
0x188: {  	v38 =	vshll.u32 v17, $0x3;
	v26 =	vor.u32 v4, v26;
	v27 =	vor.u32 v4, v27  }
0x189: {  	[sflag:s17] =	ssyncset.done $0x0;
	s26 =	simm.s32 $0x0;
	v34 =	vor.u32 v4, v34;
	v43 =	vshll.u32 v43, v0;
	v48 =	vshrl.u32 v48, $0x3  }
0x18a: {  	[sflag:s17] =	ssyncadd.s32 $0xFFFFEC00;
	v53 =	vshrl.u32 v53, $0x3;
	v56 =	vmov s26;
	v49 =	vshll.u32 v49, v0  }
0x18b: {  	[tilespmem:s18], [sflag:$0x2] =	stream.strided.gather [hbm4b:s3+s10], $0x1400, s14, s10, $0x38;
	v51 =	vshll.u32 v51, v0;
	v54 =	vshll.u32 v54, v0;
	v55 =	vshll.u32 v55, v0;
	[tilespmem:$0x1AB00] =	vst v63  }
0x18c: {  	s14 =	simm.s32 $0x4;
	v57 =	vshll.u32 v57, v0;
	v58 =	vshll.u32 v58, v0;
	v17 =	vand.u32 $0x7, v17  }
0x18d: {  	v23 =	vor.u32 s14, v2;
	v33 =	vshll.u32 v15, $0x3;
	v37 =	vshll.u32 v22, $0x3  }
0x18e: {  	s10 =	simm.s32 $0x6;
	s11 =	simm.s32 $0xA;
	s22 =	simm.s32 $0x16;
	v28 =	vor.u32 v4, v28;
	v43 =	vadd.s32 v42, v43;
	v38 =	vor.u32 v4, v38  }
0x18f: {  	v46 =	vmov s10;
	v47 =	vmov s11;
	v52 =	vmov s22  }
0x190: {  	p1 =	seq.s32 s31, $0x0;
	v48 =	vshll.u32 v48, v0;
	v53 =	vshll.u32 v53, v0;
	v56 =	vshrl.u32 v56, $0x3  }
0x191: {  	s3 =	simm.s32 @!p1 $0x3;
	v44 =	vadd.s32 v42, v44;
	v45 =	vadd.s32 v42, v45;
	v49 =	vadd.s32 v42, v49  }
0x192: {  	_ =	swait.ge @!p1 [sflag:s3], $0x1400;
	v51 =	vadd.s32 v42, v51;
	v54 =	vadd.s32 v42, v54;
	v55 =	vadd.s32 v42, v55  }
0x193: {  	v57 =	vadd.s32 v42, v57;
	v22 =	vand.u32 $0x5, v22;
	v31 =	vshll.u32 v23, $0x3;
	[sflag:s3] =	ssyncset.done @!p1 $0x0  }
0x194: {  	s14 =	simm.s32 $0x12;
	v33 =	vor.u32 v4, v33;
	v37 =	vor.u32 v4, v37;
	v43 =	vbroadcast v43, $0x0;
	[sflag:s3] =	ssyncadd.s32 @!p1 $0xFFFFEC00  }
0x195: {  	v50 =	vmov s14;
	v46 =	vshrl.u32 v46, $0x3;
	v47 =	vshrl.u32 v47, $0x3;
	v30 =	vld.idx.msk [tilespmem:v30+s16+$0x0], $0xffff  }
0x196: {  	v52 =	vshrl.u32 v52, $0x3;
	v48 =	vadd.s32 v42, v48;
	v44 =	vbroadcast v44, $0x0;
	v32 =	vld.idx.msk [tilespmem:v32+s16+$0x0], $0xffff  }
0x197: {  	v53 =	vadd.s32 v42, v53;
	v45 =	vbroadcast v45, $0x0;
	v49 =	vbroadcast v49, $0x0;
	v35 =	vld.idx.msk [tilespmem:v35+s16+$0x0], $0xffff  }
0x198: {  	v56 =	vshll.u32 v56, v0;
	v51 =	vbroadcast v51, $0x0;
	v54 =	vbroadcast v54, $0x0;
	v36 =	vld.idx.msk [tilespmem:v36+s16+$0x0], $0xffff  }
0x199: {  	v23 =	vand.u32 $0x5, v23;
	v55 =	vbroadcast v55, $0x0;
	v57 =	vbroadcast v57, $0x0;
	v39 =	vld.idx.msk [tilespmem:v39+s16+$0x0], $0xffff  }
0x19a: {  	v31 =	vor.u32 v4, v31;
	v50 =	vshrl.u32 v50, $0x3;
	v46 =	vshll.u32 v46, v0;
	v40 =	vld.idx.msk [tilespmem:v40+s16+$0x0], $0xffff  }
0x19b: {  	v47 =	vshll.u32 v47, v0;
	v52 =	vshll.u32 v52, v0;
	v56 =	vadd.s32 v42, v56;
	v41 =	vld.idx.msk [tilespmem:v41+s16+$0x0], $0xffff  }
0x19c: {  	v48 =	vbroadcast v48, $0x0;
	v53 =	vbroadcast v53, $0x0;
	v50 =	vshll.u32 v50, v0;
	v29 =	vld.idx.msk [tilespmem:v29+s16+$0x0], $0xffff  }
0x19d: {  	v46 =	vadd.s32 v42, v46;
	v47 =	vadd.s32 v42, v47;
	v52 =	vadd.s32 v42, v52;
	v26 =	vld.idx.msk [tilespmem:v26+s16+$0x0], $0xffff  }
0x19e: {  	v43 =	vadd.s32 v5, v43;
	v56 =	vbroadcast v56, $0x0;
	v25 =	vor.u32 v25, v44;
	v27 =	vld.idx.msk [tilespmem:v27+s16+$0x0], $0xffff  }
0x19f: {  	v23 =	vor.u32 v23, v45;
	v20 =	vor.u32 v20, v49;
	v34 =	vld.idx.msk [tilespmem:v34+s16+$0x0], $0xffff;
	v30 =	vshll.u32 v30, $0x3  }
0x1a0: {  	v22 =	vor.u32 v22, v51;
	v28 =	vld.idx.msk [tilespmem:v28+s16+$0x0], $0xffff;
	v32 =	vshll.u32 v32, $0x3;
	v30 =	vor.u32 v4, v30  }
0x1a1: {  	v19 =	vor.u32 v19, v54;
	v33 =	vld.idx.msk [tilespmem:v33+s16+$0x0], $0xffff;
	v35 =	vshll.u32 v35, $0x3;
	v32 =	vor.u32 v4, v32  }
0x1a2: {  	v14 =	vor.u32 v14, v55;
	v38 =	vld.idx.msk [tilespmem:v38+s16+$0x0], $0xffff;
	v29 =	vshll.u32 v29, $0x3;
	v35 =	vor.u32 v4, v35  }
0x1a3: {  	v50 =	vadd.s32 v42, v50;
	v37 =	vld.idx.msk [tilespmem:v37+s16+$0x0], $0xffff;
	v26 =	vshll.u32 v26, $0x3;
	v29 =	vor.u32 v4, v29  }
0x1a4: {  	v31 =	vld.idx.msk [tilespmem:v31+s16+$0x0], $0xffff;
	v39 =	vshll.u32 v39, $0x3;
	v27 =	vshll.u32 v27, $0x3;
	v26 =	vor.u32 v4, v26  }
0x1a5: {  	v60 =	vshll.u32 v40, $0x3;
	v28 =	vshll.u32 v28, $0x3;
	v27 =	vor.u32 v4, v27;
	v40 =	vld.idx.msk [tilespmem:v30+s2+$0x0], $0xffff  }
0x1a6: {  	v59 =	vor.u32 v4, v39;
	v33 =	vshll.u32 v33, $0x3;
	v28 =	vor.u32 v4, v28;
	v39 =	vld.idx.msk [tilespmem:v32+s2+$0x0], $0xffff  }
0x1a7: {  	v42 =	vadd.s32 v42, v58;
	v34 =	vshll.u32 v34, $0x3;
	v33 =	vor.u32 v4, v33;
	v32 =	vld.idx.msk [tilespmem:v35+s2+$0x0], $0xffff  }
0x1a8: {  	v46 =	vbroadcast v46, $0x0;
	v36 =	vshll.u32 v36, $0x3;
	v34 =	vor.u32 v4, v34;
	v29 =	vld.idx.msk [tilespmem:v29+s2+$0x0], $0xffff  }
0x1a9: {  	v47 =	vbroadcast v47, $0x0;
	v36 =	vor.u32 v4, v36;
	v37 =	vshll.u32 v37, $0x3;
	v26 =	vld.idx.msk [tilespmem:v26+s2+$0x0], $0xffff  }
0x1aa: {  	v52 =	vbroadcast v52, $0x0;
	v38 =	vshll.u32 v38, $0x3;
	v37 =	vor.u32 v4, v37;
	v27 =	vld.idx.msk [tilespmem:v27+s2+$0x0], $0xffff  }
0x1ab: {  	v63 =	vor.u32 v18, v53;
	v58 =	vor.u32 v4, v38;
	v31 =	vshll.u32 v31, $0x3;
	v28 =	vld.idx.msk [tilespmem:v28+s2+$0x0], $0xffff  }
0x1ac: {  	v18 =	vadd.s32 v6, v23;
	v61 =	vshll.u32 v41, $0x3;
	v31 =	vor.u32 v4, v31;
	v41 =	vld.idx.msk [tilespmem:v33+s2+$0x0], $0xffff  }
0x1ad: {  	v45 =	vadd.s32 v6, v22;
	v50 =	vbroadcast v50, $0x0;
	v24 =	vor.u32 v24, v46;
	v33 =	vld.idx.msk [tilespmem:v34+s2+$0x0], $0xffff  }
0x1ae: {  	v62 =	vor.u32 v17, v52;
	v17 =	vadd.s32 v6, v24;
	v60 =	vor.u32 v4, v60;
	v34 =	vld.idx.msk [tilespmem:v36+s2+$0x0], $0xffff  }
0x1af: {  	v44 =	vadd.s32 v6, v62;
	v61 =	vor.u32 v4, v61;
	v30 =	vand.u32 $0x3, v15;
	v35 =	vld.idx.msk [tilespmem:v37+s2+$0x0], $0xffff  }
0x1b0: {  	v15 =	vbroadcast v42, $0x0;
	v42 =	vor.u32 v21, v50;
	v21 =	vadd.s32 v6, v25;
	v36 =	vld.idx.msk [tilespmem:v58+s2+$0x0], $0xffff  }
0x1b1: {  	v46 =	vadd.s32 v6, v42;
	v42 =	vadd.s32 v6, v14;
	v37 =	vadd.s32 v6, v19;
	v38 =	vld.idx.msk [tilespmem:v31+s2+$0x0], $0xffff  }
0x1b2: {  	v31 =	vld.idx.msk [tilespmem:v59+s2+$0x0], $0xffff;
	[tilespmem:v43+s19+$0x0] =	vst.idx.msk $0xffff, v29;
	v29 =	vor.u32 v30, v47;
	v30 =	vor.u32 v16, v48  }
0x1b3: {  	v19 =	vadd.s32 v5, v57;
	v16 =	vadd.s32 v6, v29;
	v48 =	vadd.s32 v6, v30;
	v30 =	vld.idx.msk [tilespmem:v60+s2+$0x0], $0xffff  }
0x1b4: {  	s7 =	simm.s32 $0x0;
	s12 =	simm.s32 $0x3E;
	v47 =	vadd.s32 v6, v20;
	v43 =	vadd.s32 v6, v63;
	v20 =	vadd.s32 v5, v56;
	v29 =	vld.idx.msk [tilespmem:v61+s2+$0x0], $0xffff  }
.LBB2_4:
0x1b5: {  	s30 =	sadd.s32 $0xFFFFFFE2, s12;
	s23 =	sadd.s32 $0xFFFFFFEA, s12;
	s25 =	sadd.s32 $0xFFFFFFFA, s12;
	v14 =	vor.u32 s12, v2;
	[tilespmem:v21+s19+$0x0] =	vst.idx.msk $0xffff, v40;
	v21 =	vadd.s32 v5, v15  }
0x1b6: {  	s4 =	sadd.s32 $0xFFFFFFE4, s12;
	s5 =	sadd.s32 $0xFFFFFFE6, s12;
	s24 =	sadd.s32 $0xFFFFFFF2, s12;
	v15 =	vmov s30;
	v22 =	vmov s23;
	v23 =	vmov s25;
	[tilespmem:v18+s19+$0x0] =	vst.idx.msk $0xffff, v38  }
0x1b7: {  	s28 =	sadd.s32 $0xFFFFFFE8, s12;
	s15 =	sadd.s32 $0xFFFFFFEC, s12;
	s6 =	sadd.s32 $0xFFFFFFEE, s12;
	v38 =	vshll.u32 v15, $0x3;
	v15 =	vmov s24;
	v18 =	vshll.u32 v23, $0x3;
	[tilespmem:v17+s19+$0x0] =	vst.idx.msk $0xffff, v39  }
0x1b8: {  	s11 =	sadd.s32 $0xFFFFFFF0, s12;
	s22 =	sadd.s32 $0xFFFFFFF4, s12;
	s3 =	sadd.s32 $0xFFFFFFF6, s12;
	v39 =	vshll.u32 v22, $0x3;
	v40 =	vshll.u32 v15, $0x3;
	v17 =	vor.u32 v3, v18;
	[tilespmem:v16+s19+$0x0] =	vst.idx.msk $0xffff, v41  }
0x1b9: {  	s13 =	sadd.s32 $0xFFFFFFF8, s12;
	s14 =	sadd.s32 $0xFFFFFFFC, s12;
	s26 =	sadd.s32 $0xFFFFFFFE, s12;
	v25 =	vor.u32 s4, v2;
	v15 =	vor.u32 s5, v2;
	v41 =	vor.u32 v4, v17;
	[tilespmem:v20+s19+$0x0] =	vst.idx.msk $0xffff, v26  }
0x1ba: {  	v24 =	vor.u32 s28, v2;
	v16 =	vor.u32 s15, v2;
	v17 =	vor.u32 s6, v2;
	[tilespmem:v19+s19+$0x0] =	vst.idx.msk $0xffff, v27  }
0x1bb: {  	v18 =	vor.u32 s11, v2;
	v20 =	vor.u32 s3, v2;
	v19 =	vor.u32 s22, v2;
	[tilespmem:v21+s19+$0x0] =	vst.idx.msk $0xffff, v28  }
0x1bc: {  	v22 =	vor.u32 s14, v2;
	v23 =	vor.u32 s26, v2;
	v21 =	vor.u32 s13, v2;
	[tilespmem:v48+s19+$0x0] =	vst.idx.msk $0xffff, v33  }
0x1bd: {  	v26 =	vor.u32 v3, v38;
	v27 =	vor.u32 v3, v39;
	v28 =	vor.u32 v3, v40  }
0x1be: {  	v38 =	vshll.u32 v15, $0x3;
	v39 =	vshll.u32 v24, $0x3;
	v33 =	vshll.u32 v25, $0x3;
	v40 =	vld.idx.msk [tilespmem:v41+s16+$0x0], $0xffff;
	[tilespmem:v47+s19+$0x0] =	vst.idx.msk $0xffff, v32  }
0x1bf: {  	v32 =	vshll.u32 v16, $0x3;
	v41 =	vshll.u32 v17, $0x3;
	v47 =	vshll.u32 v18, $0x3;
	[tilespmem:v46+s19+$0x0] =	vst.idx.msk $0xffff, v34  }
0x1c0: {  	v48 =	vshll.u32 v21, $0x3;
	v34 =	vshll.u32 v19, $0x3;
	v46 =	vshll.u32 v20, $0x3;
	[tilespmem:v45+s19+$0x0] =	vst.idx.msk $0xffff, v35  }
0x1c1: {  	s7 =	sadd.s32 $0x10, s7;
	v49 =	vshll.u32 v14, $0x3;
	v35 =	vshll.u32 v22, $0x3;
	v45 =	vshll.u32 v23, $0x3;
	[tilespmem:v44+s19+$0x0] =	vst.idx.msk $0xffff, v36  }
0x1c2: {  	s10 =	sshrl.u32 s7, $0x6;
	p1 =	slt.u32 s7, $0x130;
	v26 =	vor.u32 v4, v26;
	v27 =	vor.u32 v4, v27;
	v28 =	vor.u32 v4, v28  }
0x1c3: {  	s8 =	sshll.u32 s10, $0x7;
	v33 =	vor.u32 v4, v33;
	v36 =	vor.u32 v4, v38;
	v38 =	vor.u32 v4, v39  }
0x1c4: {  	s10 =	sshll.u32 s10, $0x3;
	s9 =	ssub.s32 s4, s8;
	s4 =	ssub.s32 s25, s8;
	v32 =	vor.u32 v4, v32;
	v39 =	vor.u32 v4, v41;
	v40 =	vshll.u32 v40, $0x3;
	[tilespmem:v43+s19+$0x0] =	vst.idx.msk $0xffff, v31  }
0x1c5: {  	s25 =	ssub.s32 s28, s8;
	s15 =	ssub.s32 s15, s8;
	v41 =	vmov s4;
	v31 =	vmov s10;
	s10 =	ssub.s32 s5, s8;
	v40 =	vor.u32 v4, v40;
	[tilespmem:v37+s19+$0x0] =	vst.idx.msk $0xffff, v30  }
0x1c6: {  	s11 =	ssub.s32 s11, s8;
	s6 =	ssub.s32 s6, s8;
	s22 =	ssub.s32 s22, s8;
	v37 =	vmul.u32 $0x88, v31;
	v30 =	vor.u32 v4, v47;
	v31 =	vshrl.u32 v41, $0x3;
	[tilespmem:v42+s19+$0x0] =	vst.idx.msk $0xffff, v29  }
0x1c7: {  	s28 =	ssub.s32 s3, s8;
	s14 =	ssub.s32 s14, s8;
	s13 =	ssub.s32 s13, s8;
	v29 =	vor.u32 v4, v34;
	v34 =	vor.u32 v4, v46;
	v31 =	vshll.u32 v31, v0;
	v26 =	vld.idx.msk [tilespmem:v26+s16+$0x0], $0xffff  }
0x1c8: {  	s26 =	ssub.s32 s26, s8;
	s3 =	ssub.s32 s30, s8;
	s30 =	ssub.s32 s12, s8;
	v35 =	vor.u32 v4, v35;
	v41 =	vor.u32 v4, v48;
	v31 =	vadd.s32 v37, v31;
	v27 =	vld.idx.msk [tilespmem:v27+s16+$0x0], $0xffff  }
0x1c9: {  	s4 =	ssub.s32 s23, s8;
	s5 =	ssub.s32 s24, s8;
	v43 =	vor.u32 v4, v49;
	v42 =	vor.u32 v4, v45;
	v31 =	vbroadcast v31, $0x0;
	v28 =	vld.idx.msk [tilespmem:v28+s16+$0x0], $0xffff  }
0x1ca: {  	v44 =	vmov s9;
	v45 =	vmov s10;
	v46 =	vmov s25;
	v40 =	vld.idx.msk [tilespmem:v40+s2+$0x0], $0xffff  }
0x1cb: {  	v47 =	vmov s15;
	v48 =	vmov s6;
	v31 =	vadd.s32 v5, v31;
	v33 =	vld.idx.msk [tilespmem:v33+s16+$0x0], $0xffff  }
0x1cc: {  	v51 =	vmov s28;
	v50 =	vmov s22;
	v49 =	vmov s11;
	v36 =	vld.idx.msk [tilespmem:v36+s16+$0x0], $0xffff  }
0x1cd: {  	v53 =	vmov s14;
	v54 =	vmov s26;
	v52 =	vmov s13;
	v38 =	vld.idx.msk [tilespmem:v38+s16+$0x0], $0xffff  }
0x1ce: {  	v55 =	vmov s30;
	v26 =	vshll.u32 v26, $0x3;
	v27 =	vshll.u32 v27, $0x3;
	v32 =	vld.idx.msk [tilespmem:v32+s16+$0x0], $0xffff  }
0x1cf: {  	v44 =	vshrl.u32 v44, $0x3;
	v45 =	vshrl.u32 v45, $0x3;
	v28 =	vshll.u32 v28, $0x3;
	v39 =	vld.idx.msk [tilespmem:v39+s16+$0x0], $0xffff  }
0x1d0: {  	v47 =	vshrl.u32 v47, $0x3;
	v48 =	vshrl.u32 v48, $0x3;
	v46 =	vshrl.u32 v46, $0x3;
	v30 =	vld.idx.msk [tilespmem:v30+s16+$0x0], $0xffff;
	[tilespmem:v31+s19+$0x0] =	vst.idx.msk $0xffff, v40  }
0x1d1: {  	v31 =	vshll.u32 v33, $0x3;
	v33 =	vshrl.u32 v49, $0x3;
	v49 =	vshrl.u32 v50, $0x3;
	v29 =	vld.idx.msk [tilespmem:v29+s16+$0x0], $0xffff  }
0x1d2: {  	v50 =	vshrl.u32 v51, $0x3;
	v51 =	vshrl.u32 v52, $0x3;
	v36 =	vshll.u32 v36, $0x3;
	v34 =	vld.idx.msk [tilespmem:v34+s16+$0x0], $0xffff  }
0x1d3: {  	v52 =	vshrl.u32 v54, $0x3;
	v38 =	vshll.u32 v38, $0x3;
	v40 =	vld.idx.msk [tilespmem:v41+s16+$0x0], $0xffff;
	v41 =	vshrl.u32 v53, $0x3  }
0x1d4: {  	v54 =	vshrl.u32 v55, $0x3;
	v53 =	vmov s3;
	v32 =	vshll.u32 v32, $0x3;
	v35 =	vld.idx.msk [tilespmem:v35+s16+$0x0], $0xffff  }
0x1d5: {  	v56 =	vmov s5;
	v55 =	vmov s4;
	v39 =	vshll.u32 v39, $0x3;
	v42 =	vld.idx.msk [tilespmem:v42+s16+$0x0], $0xffff  }
0x1d6: {  	v26 =	vor.u32 v4, v26;
	v27 =	vor.u32 v4, v27;
	v30 =	vshll.u32 v30, $0x3;
	v43 =	vld.idx.msk [tilespmem:v43+s16+$0x0], $0xffff  }
0x1d7: {  	v28 =	vor.u32 v4, v28;
	v31 =	vor.u32 v4, v31;
	v29 =	vshll.u32 v29, $0x3  }
0x1d8: {  	v36 =	vor.u32 v4, v36;
	v57 =	vor.u32 v4, v38;
	v34 =	vshll.u32 v34, $0x3  }
0x1d9: {  	v32 =	vor.u32 v4, v32;
	v58 =	vor.u32 v4, v39;
	v38 =	vshll.u32 v40, $0x3  }
0x1da: {  	v30 =	vor.u32 v4, v30;
	v29 =	vor.u32 v4, v29;
	v35 =	vshll.u32 v35, $0x3  }
0x1db: {  	v59 =	vor.u32 v4, v34;
	v60 =	vor.u32 v4, v38;
	v34 =	vshll.u32 v42, $0x3;
	v26 =	vld.idx.msk [tilespmem:v26+s2+$0x0], $0xffff  }
0x1dc: {  	v42 =	vor.u32 v4, v35;
	v61 =	vor.u32 v4, v34;
	v34 =	vshll.u32 v43, $0x3;
	v27 =	vld.idx.msk [tilespmem:v27+s2+$0x0], $0xffff  }
0x1dd: {  	v35 =	vshll.u32 v44, v0;
	v43 =	vshll.u32 v45, v0;
	v44 =	vor.u32 v4, v34;
	v28 =	vld.idx.msk [tilespmem:v28+s2+$0x0], $0xffff  }
0x1de: {  	v45 =	vshll.u32 v48, v0;
	v34 =	vshll.u32 v47, v0;
	v40 =	vld.idx.msk [tilespmem:v31+s2+$0x0], $0xffff;
	v31 =	vshll.u32 v46, v0  }
0x1df: {  	v47 =	vshll.u32 v50, v0;
	v46 =	vshll.u32 v49, v0;
	v38 =	vld.idx.msk [tilespmem:v36+s2+$0x0], $0xffff;
	v36 =	vshll.u32 v33, v0  }
0x1e0: {  	v48 =	vshll.u32 v51, v0;
	v50 =	vshll.u32 v52, v0;
	v49 =	vshll.u32 v41, v0;
	v39 =	vld.idx.msk [tilespmem:v57+s2+$0x0], $0xffff  }
0x1e1: {  	v51 =	vshrl.u32 v53, $0x3;
	v53 =	vshll.u32 v54, v0;
	v52 =	vshrl.u32 v55, $0x3;
	v41 =	vld.idx.msk [tilespmem:v32+s2+$0x0], $0xffff  }
0x1e2: {  	v54 =	vadd.s32 v37, v35;
	v43 =	vadd.s32 v37, v43;
	v55 =	vshrl.u32 v56, $0x3;
	v33 =	vld.idx.msk [tilespmem:v58+s2+$0x0], $0xffff  }
0x1e3: {  	v45 =	vadd.s32 v37, v45;
	v56 =	vadd.s32 v37, v31;
	v57 =	vadd.s32 v37, v34;
	v32 =	vld.idx.msk [tilespmem:v30+s2+$0x0], $0xffff  }
0x1e4: {  	v47 =	vadd.s32 v37, v47;
	v46 =	vadd.s32 v37, v46;
	v58 =	vadd.s32 v37, v36;
	v34 =	vld.idx.msk [tilespmem:v29+s2+$0x0], $0xffff  }
0x1e5: {  	v48 =	vadd.s32 v37, v48;
	v50 =	vadd.s32 v37, v50;
	v49 =	vadd.s32 v37, v49;
	v35 =	vld.idx.msk [tilespmem:v59+s2+$0x0], $0xffff  }
0x1e6: {  	v29 =	vshll.u32 v51, v0;
	v51 =	vshll.u32 v52, v0;
	v52 =	vadd.s32 v37, v53;
	v36 =	vld.idx.msk [tilespmem:v60+s2+$0x0], $0xffff  }
0x1e7: {  	v43 =	vbroadcast v43, $0x0;
	v53 =	vbroadcast v54, $0x0;
	v54 =	vshll.u32 v55, v0;
	v31 =	vld.idx.msk [tilespmem:v42+s2+$0x0], $0xffff  }
0x1e8: {  	v55 =	vbroadcast v56, $0x0;
	v56 =	vbroadcast v57, $0x0;
	v42 =	vadd.s32 v37, v29;
	v30 =	vld.idx.msk [tilespmem:v61+s2+$0x0], $0xffff  }
0x1e9: {  	v45 =	vbroadcast v45, $0x0;
	v57 =	vbroadcast v58, $0x0;
	v51 =	vadd.s32 v37, v51;
	v29 =	vld.idx.msk [tilespmem:v44+s2+$0x0], $0xffff  }
0x1ea: {  	v37 =	vadd.s32 v37, v54;
	v44 =	vbroadcast v46, $0x0;
	v46 =	vbroadcast v47, $0x0  }
0x1eb: {  	v25 =	vand.u32 $0x3, v25;
	v47 =	vbroadcast v48, $0x0;
	v48 =	vbroadcast v49, $0x0  }
0x1ec: {  	v50 =	vbroadcast v50, $0x0;
	v52 =	vbroadcast v52, $0x0;
	v49 =	vand.u32 $0x5, v15  }
0x1ed: {  	v24 =	vand.u32 $0x7, v24;
	v51 =	vbroadcast v51, $0x0;
	v42 =	vbroadcast v42, $0x0  }
0x1ee: {  	v16 =	vand.u32 $0x3, v16;
	v17 =	vand.u32 $0x5, v17;
	v15 =	vbroadcast v37, $0x0  }
0x1ef: {  	v18 =	vand.u32 $0x7, v18;
	v19 =	vand.u32 $0x3, v19;
	v20 =	vand.u32 $0x5, v20  }
0x1f0: {  	v21 =	vand.u32 $0x7, v21;
	v22 =	vand.u32 $0x3, v22;
	v23 =	vand.u32 $0x5, v23  }
0x1f1: {  	v14 =	vand.u32 $0x7, v14;
	v25 =	vor.u32 v25, v53;
	v37 =	vor.u32 v49, v43  }
0x1f2: {  	v24 =	vor.u32 v24, v55;
	v16 =	vor.u32 v16, v56;
	v43 =	vor.u32 v17, v45  }
0x1f3: {  	v45 =	vor.u32 v18, v57;
	v19 =	vor.u32 v19, v44;
	v20 =	vor.u32 v20, v46  }
0x1f4: {  	v23 =	vor.u32 v23, v50;
	v44 =	vor.u32 v21, v47;
	v22 =	vor.u32 v22, v48  }
.Ltmp9:
0x1f5: {  	v14 =	vor.u32 v14, v52;
	v21 =	vadd.s32 v6, v25;
	v18 =	vadd.s32 v6, v37;
	(pc) =	sbr.rel @p1 .LBB2_4-.Ltmp9, $4  }
0x1f6: {  	v16 =	vadd.s32 v6, v16;
	v17 =	vadd.s32 v6, v24;
	v48 =	vadd.s32 v6, v43  }
0x1f7: {  	v47 =	vadd.s32 v6, v45;
	v46 =	vadd.s32 v6, v19;
	v45 =	vadd.s32 v6, v20  }
0x1f8: {  	v37 =	vadd.s32 v6, v23;
	v44 =	vadd.s32 v6, v44;
	v43 =	vadd.s32 v6, v22  }
0x1f9: {  	s12 =	sadd.s32 $0x20, s12;
	v20 =	vadd.s32 v5, v42;
	v19 =	vadd.s32 v5, v51;
	v42 =	vadd.s32 v6, v14  }
0x1fa: {  	_ =	sdelay $0x3  }
0x1fb: {  	[tilespmem:v21+s19+$0x0] =	vst.idx.msk $0xffff, v40  }
0x1fc: {  	[tilespmem:v18+s19+$0x0] =	vst.idx.msk $0xffff, v38  }
0x1fd: {  	[tilespmem:v17+s19+$0x0] =	vst.idx.msk $0xffff, v39  }
0x1fe: {  	[tilespmem:v16+s19+$0x0] =	vst.idx.msk $0xffff, v41  }
0x1ff: {  	[tilespmem:v20+s19+$0x0] =	vst.idx.msk $0xffff, v26  }
0x200: {  	[tilespmem:v19+s19+$0x0] =	vst.idx.msk $0xffff, v27  }
0x201: {  	v14 =	vadd.s32 v5, v15;
	[tilespmem:v48+s19+$0x0] =	vst.idx.msk $0xffff, v33  }
0x202: {  	[tilespmem:v47+s19+$0x0] =	vst.idx.msk $0xffff, v32  }
0x203: {  	[tilespmem:v46+s19+$0x0] =	vst.idx.msk $0xffff, v34  }
0x204: {  	[tilespmem:v45+s19+$0x0] =	vst.idx.msk $0xffff, v35  }
0x205: {  	[tilespmem:v44+s19+$0x0] =	vst.idx.msk $0xffff, v36  }
0x206: {  	s3 =	smul.u32 $0x2800, s31;
	[tilespmem:v14+s19+$0x0] =	vst.idx.msk $0xffff, v28  }
0x207: {  	s4 =	rddreg [dreg:$0x6]  }
0x208: {  	s3 =	sadd.s32 s4, s3  }
0x209: {  	[tilespmem:v43+s19+$0x0] =	vst.idx.msk $0xffff, v31;
	s3 =	sshrl.u32 s3, $0x3  }
0x20a: {  	s5 =	simm.s32 $0x10;
	[tilespmem:v37+s19+$0x0] =	vst.idx.msk $0xffff, v30;
	s4 =	sadd.s32 s1, s3  }
0x20b: {  	s6 =	simm.s32 $0x16108;
	[tilespmem:v42+s19+$0x0] =	vst.idx.msk $0xffff, v29;
	s3 =	simm.s32 $0x16080;
	s7 =	sadd.s32 $0x0, s4  }
.LBB2_6:
0x20c: {  	[hbm4b:s7+s2] =	stream.linear.scatter [tilespmem:s3], [sflag:$0x3], $0x80, $0x38;
	[tilespmem:$0x1AB00] =	vst v63  }
0x20d: {  	s7 =	smov.u32 s5;
	s3 =	smov.u32 s6;
	p1 =	sne.s32 s5, $0x270  }
.Ltmp10:
0x20e: {  	s5 =	sadd.s32 $0x10, s5;
	(pc) =	sbr.rel @p1 .LBB2_6-.Ltmp10, $2  }
0x20f: {  	_ =	sdelay $0x2  }
0x210: {  	s6 =	sadd.s32 $0x88, s6;
	s7 =	sadd.s32 s7, s4  }
0x211: {  	[hbm4b:s7+s2] =	stream.linear.scatter [tilespmem:s3], [sflag:$0x3], $0x80, $0x38;
	[tilespmem:$0x1AB00] =	vst v63  }
0x212: {  	s8 =	simm.s32 $0x1E;
	s9 =	simm.s32 $0x0  }
0x213: {  	s10 =	simm.s32 $0x8;
	s11 =	simm.s32 $0x18;
	s13 =	simm.s32 $0x2;
	v14 =	vor.u32 s8, v2;
	v15 =	vmov s9  }
0x214: {  	s14 =	simm.s32 $0x4;
	s15 =	simm.s32 $0x6;
	s22 =	simm.s32 $0xA;
	v16 =	vmov s10;
	v17 =	vmov s11;
	v25 =	vor.u32 s13, v2  }
0x215: {  	s23 =	simm.s32 $0xC;
	s24 =	simm.s32 $0xE;
	s25 =	simm.s32 $0x12;
	v23 =	vor.u32 s14, v2;
	v24 =	vor.u32 s15, v2;
	v18 =	vor.u32 s22, v2  }
0x216: {  	s12 =	simm.s32 $0x10;
	s7 =	simm.s32 $0x18;
	v19 =	vor.u32 s23, v2;
	v20 =	vor.u32 s24, v2;
	v21 =	vor.u32 s25, v2  }
0x217: {  	s8 =	simm.s32 $0x14;
	v43 =	vmov s7;
	v26 =	vshll.u32 v15, $0x3;
	v15 =	vmov s12  }
0x218: {  	s28 =	simm.s32 $0x1A;
	v17 =	vshll.u32 v17, $0x3;
	v27 =	vshll.u32 v16, $0x3;
	v22 =	vor.u32 s8, v2  }
0x219: {  	v16 =	vor.u32 s28, v2;
	v30 =	vshll.u32 v25, $0x3;
	v31 =	vshll.u32 v23, $0x3  }
0x21a: {  	v32 =	vshll.u32 v24, $0x3;
	v33 =	vshll.u32 v18, $0x3;
	v34 =	vshll.u32 v19, $0x3  }
0x21b: {  	s9 =	simm.s32 $0x4;
	s10 =	simm.s32 $0x6;
	v35 =	vshll.u32 v20, $0x3;
	v36 =	vshll.u32 v21, $0x3;
	v41 =	vshll.u32 v14, $0x3  }
0x21c: {  	s11 =	simm.s32 $0xA;
	s13 =	simm.s32 $0xE;
	s14 =	simm.s32 $0x12;
	v43 =	vshrl.u32 v43, $0x3;
	v45 =	vmov s9;
	v46 =	vmov s10  }
0x21d: {  	s15 =	simm.s32 $0x14;
	s22 =	simm.s32 $0x16;
	s23 =	simm.s32 $0x1A;
	v47 =	vmov s11;
	v49 =	vmov s13;
	v50 =	vmov s14  }
0x21e: {  	s24 =	simm.s32 $0x1C;
	s25 =	simm.s32 $0x1E;
	v51 =	vmov s15;
	v52 =	vmov s22;
	v53 =	vmov s23  }
0x21f: {  	v54 =	vmov s24;
	v55 =	vmov s25;
	v25 =	vand.u32 $0x3, v25  }
0x220: {  	v23 =	vand.u32 $0x5, v23;
	v62 =	vand.u32 $0x7, v24;
	v18 =	vand.u32 $0x3, v18  }
0x221: {  	v19 =	vand.u32 $0x5, v19;
	v20 =	vand.u32 $0x7, v20;
	v21 =	vand.u32 $0x3, v21  }
0x222: {  	s30 =	simm.s32 $0x1C;
	v14 =	vand.u32 $0x7, v14;
	v28 =	vshll.u32 v15, $0x3;
	v15 =	vor.u32 v3, v17  }
0x223: {  	v17 =	vor.u32 s30, v2;
	v26 =	vor.u32 v3, v26;
	v27 =	vor.u32 v3, v27  }
0x224: {  	v37 =	vshll.u32 v22, $0x3;
	v39 =	vshll.u32 v16, $0x3;
	v30 =	vor.u32 v4, v30  }
0x225: {  	v31 =	vor.u32 v4, v31;
	v32 =	vor.u32 v4, v32;
	v33 =	vor.u32 v4, v33  }
0x226: {  	s8 =	simm.s32 $0x2;
	s12 =	simm.s32 $0xC;
	v34 =	vor.u32 v4, v34;
	v35 =	vor.u32 v4, v35;
	v43 =	vshll.u32 v43, v0  }
0x227: {  	v36 =	vor.u32 v4, v36;
	v44 =	vmov s8;
	v48 =	vmov s12  }
0x228: {  	v45 =	vshrl.u32 v45, $0x3;
	v46 =	vshrl.u32 v46, $0x3;
	v47 =	vshrl.u32 v47, $0x3  }
0x229: {  	v49 =	vshrl.u32 v49, $0x3;
	v50 =	vshrl.u32 v50, $0x3;
	v51 =	vshrl.u32 v51, $0x3  }
0x22a: {  	s28 =	simm.s32 $0x8;
	v52 =	vshrl.u32 v52, $0x3;
	v53 =	vshrl.u32 v53, $0x3;
	v54 =	vshrl.u32 v54, $0x3  }
0x22b: {  	v55 =	vshrl.u32 v55, $0x3;
	v57 =	vmov s28;
	v41 =	vor.u32 v4, v41  }
0x22c: {  	p1 =	seq.s32 s31, $0xF9;
	s26 =	simm.s32 $0x16;
	v22 =	vand.u32 $0x5, v22;
	v16 =	vand.u32 $0x3, v16;
	v29 =	vor.u32 v4, v15  }
0x22d: {  	s4 =	smul.u32 @!p1 $0x28000, s31;
	v15 =	vor.u32 s26, v2;
	v28 =	vor.u32 v3, v28;
	v40 =	vshll.u32 v17, $0x3  }
0x22e: {  	_ =	swait.ge [sflag:s20], $0x1400;
	p2 =	seq.s32 @!p1 s31, $0x0;
	s5 =	simm.s32 @!p1 $0x80;
	v26 =	vor.u32 v4, v26;
	v27 =	vor.u32 v4, v27;
	v37 =	vor.u32 v4, v37  }
0x22f: {  	s3 =	sshrl.u32 @!p1 s4, $0x3;
	s4 =	rddreg [dreg:$0xa];
	s30 =	simm.s32 $0x10;
	v39 =	vor.u32 v4, v39;
	v44 =	vshrl.u32 v44, $0x3;
	v48 =	vshrl.u32 v48, $0x3  }
0x230: {  	s6 =	simm.s32 @!p1 $0x13880;
	[sflag:s20] =	ssyncset.done $0x0;
	s3 =	sadd.s32 @!p1 s4, s3;
	v58 =	vmov s30;
	v45 =	vshll.u32 v45, v0;
	v46 =	vshll.u32 v46, v0  }
0x231: {  	[sflag:s20] =	ssyncadd.s32 $0xFFFFEC00;
	s4 =	simm.s32 @!p1 $0x8;
	v47 =	vshll.u32 v47, v0;
	v49 =	vshll.u32 v49, v0;
	v50 =	vshll.u32 v50, v0;
	s3 =	sadd.s32 @!p1 $0x5000, s3  }
0x232: {  	v51 =	vshll.u32 v51, v0;
	v52 =	vshll.u32 v52, v0;
	v53 =	vshll.u32 v53, v0;
	[tilespmem:s6], [sflag:$0x1] =	stream.strided.gather @!p1 [hbm4b:s3+s4], $0x1400, s5, s4, $0x38;
	[tilespmem:$0x1AB00] =	vst v63  }
0x233: {  	v54 =	vshll.u32 v54, v0;
	v57 =	vshrl.u32 v57, $0x3;
	v55 =	vshll.u32 v55, v0;
	p1 =	por p1, !p2  }
0x234: {  	s26 =	simm.s32 $0x0;
	v17 =	vand.u32 $0x5, v17;
	v38 =	vshll.u32 v15, $0x3;
	v28 =	vor.u32 v4, v28;
	s3 =	simm.s32 @p1 $0x4  }
0x235: {  	v40 =	vor.u32 v4, v40;
	v56 =	vmov s26;
	v44 =	vshll.u32 v44, v0;
	s6 =	simm.s32 $0x0;
	_ =	swait.ge @p1 [sflag:s3], $0x1400  }
0x236: {  	v48 =	vshll.u32 v48, v0;
	v58 =	vshrl.u32 v58, $0x3;
	v42 =	vmov s6;
	[sflag:s3] =	ssyncset.done @p1 $0x0  }
0x237: {  	v57 =	vshll.u32 v57, v0;
	v15 =	vand.u32 $0x7, v15;
	v42 =	vmul.u32 $0x88, v42;
	[sflag:s3] =	ssyncadd.s32 @p1 $0xFFFFEC00  }
0x238: {  	v38 =	vor.u32 v4, v38;
	v56 =	vshrl.u32 v56, $0x3;
	v58 =	vshll.u32 v58, v0;
	v29 =	vld.idx.msk [tilespmem:v29+s18+$0x0], $0xffff  }
0x239: {  	v56 =	vshll.u32 v56, v0;
	v43 =	vadd.s32 v42, v43;
	v44 =	vadd.s32 v42, v44;
	v26 =	vld.idx.msk [tilespmem:v26+s18+$0x0], $0xffff  }
0x23a: {  	v45 =	vadd.s32 v42, v45;
	v46 =	vadd.s32 v42, v46;
	v47 =	vadd.s32 v42, v47;
	v27 =	vld.idx.msk [tilespmem:v27+s18+$0x0], $0xffff  }
0x23b: {  	v48 =	vadd.s32 v42, v48;
	v49 =	vadd.s32 v42, v49;
	v50 =	vadd.s32 v42, v50;
	v28 =	vld.idx.msk [tilespmem:v28+s18+$0x0], $0xffff  }
0x23c: {  	v51 =	vadd.s32 v42, v51;
	v52 =	vadd.s32 v42, v52;
	v53 =	vadd.s32 v42, v53;
	v30 =	vld.idx.msk [tilespmem:v30+s18+$0x0], $0xffff  }
0x23d: {  	v54 =	vadd.s32 v42, v54;
	v43 =	vbroadcast v43, $0x0;
	v31 =	vld.idx.msk [tilespmem:v31+s18+$0x0], $0xffff;
	v44 =	vbroadcast v44, $0x0  }
0x23e: {  	v55 =	vadd.s32 v42, v55;
	v32 =	vld.idx.msk [tilespmem:v32+s18+$0x0], $0xffff;
	v45 =	vbroadcast v45, $0x0;
	v46 =	vbroadcast v46, $0x0  }
0x23f: {  	v56 =	vadd.s32 v42, v56;
	v33 =	vld.idx.msk [tilespmem:v33+s18+$0x0], $0xffff;
	v47 =	vbroadcast v47, $0x0;
	v48 =	vbroadcast v48, $0x0  }
0x240: {  	v57 =	vadd.s32 v42, v57;
	v34 =	vld.idx.msk [tilespmem:v34+s18+$0x0], $0xffff;
	v49 =	vbroadcast v49, $0x0;
	v50 =	vbroadcast v50, $0x0  }
0x241: {  	v42 =	vadd.s32 v42, v58;
	v35 =	vld.idx.msk [tilespmem:v35+s18+$0x0], $0xffff;
	v51 =	vbroadcast v51, $0x0;
	v52 =	vbroadcast v52, $0x0  }
0x242: {  	v36 =	vld.idx.msk [tilespmem:v36+s18+$0x0], $0xffff;
	v53 =	vbroadcast v53, $0x0;
	v54 =	vbroadcast v54, $0x0;
	v29 =	vshll.u32 v29, $0x3  }
0x243: {  	v37 =	vld.idx.msk [tilespmem:v37+s18+$0x0], $0xffff;
	v55 =	vbroadcast v55, $0x0;
	v26 =	vshll.u32 v26, $0x3;
	v29 =	vor.u32 v4, v29  }
0x244: {  	v38 =	vld.idx.msk [tilespmem:v38+s18+$0x0], $0xffff;
	v56 =	vbroadcast v56, $0x0;
	v27 =	vshll.u32 v27, $0x3;
	v26 =	vor.u32 v4, v26  }
0x245: {  	v39 =	vld.idx.msk [tilespmem:v39+s18+$0x0], $0xffff;
	v57 =	vbroadcast v57, $0x0;
	v28 =	vshll.u32 v28, $0x3;
	v27 =	vor.u32 v4, v27  }
0x246: {  	v40 =	vld.idx.msk [tilespmem:v40+s18+$0x0], $0xffff;
	v24 =	vbroadcast v42, $0x0;
	v30 =	vshll.u32 v30, $0x3;
	v28 =	vor.u32 v4, v28  }
0x247: {  	v41 =	vld.idx.msk [tilespmem:v41+s18+$0x0], $0xffff;
	v43 =	vadd.s32 v5, v43;
	v31 =	vshll.u32 v31, $0x3;
	v30 =	vor.u32 v4, v30  }
0x248: {  	v25 =	vor.u32 v25, v44;
	v32 =	vshll.u32 v32, $0x3;
	v31 =	vor.u32 v4, v31;
	v29 =	vld.idx.msk [tilespmem:v29+s2+$0x0], $0xffff  }
0x249: {  	v33 =	vshll.u32 v33, $0x3;
	v34 =	vshll.u32 v34, $0x3;
	v32 =	vor.u32 v4, v32;
	v26 =	vld.idx.msk [tilespmem:v26+s2+$0x0], $0xffff  }
0x24a: {  	v35 =	vshll.u32 v35, $0x3;
	v36 =	vshll.u32 v36, $0x3;
	v33 =	vor.u32 v4, v33;
	v27 =	vld.idx.msk [tilespmem:v27+s2+$0x0], $0xffff  }
0x24b: {  	v37 =	vshll.u32 v37, $0x3;
	v40 =	vshll.u32 v40, $0x3;
	v34 =	vor.u32 v4, v34;
	v28 =	vld.idx.msk [tilespmem:v28+s2+$0x0], $0xffff  }
0x24c: {  	v38 =	vshll.u32 v38, $0x3;
	v35 =	vor.u32 v4, v35;
	v60 =	vor.u32 v4, v40;
	v40 =	vld.idx.msk [tilespmem:v30+s2+$0x0], $0xffff  }
0x24d: {  	v39 =	vshll.u32 v39, $0x3;
	v36 =	vor.u32 v4, v36;
	v58 =	vor.u32 v4, v38;
	v38 =	vld.idx.msk [tilespmem:v31+s2+$0x0], $0xffff  }
0x24e: {  	v41 =	vshll.u32 v41, $0x3;
	v37 =	vor.u32 v4, v37;
	v59 =	vor.u32 v4, v39;
	v39 =	vld.idx.msk [tilespmem:v32+s2+$0x0], $0xffff  }
0x24f: {  	v23 =	vor.u32 v23, v45;
	v18 =	vor.u32 v18, v47;
	v61 =	vor.u32 v4, v41;
	v41 =	vld.idx.msk [tilespmem:v33+s2+$0x0], $0xffff  }
0x250: {  	v19 =	vor.u32 v19, v48;
	v21 =	vor.u32 v21, v50;
	v22 =	vor.u32 v22, v51;
	v33 =	vld.idx.msk [tilespmem:v34+s2+$0x0], $0xffff  }
0x251: {  	v52 =	vor.u32 v15, v52;
	v63 =	vor.u32 v17, v54;
	v14 =	vor.u32 v14, v55;
	v32 =	vld.idx.msk [tilespmem:v35+s2+$0x0], $0xffff  }
0x252: {  	v17 =	vadd.s32 v6, v23;
	v15 =	vadd.s32 v6, v18;
	v48 =	vadd.s32 v6, v19;
	v34 =	vld.idx.msk [tilespmem:v36+s2+$0x0], $0xffff  }
0x253: {  	v45 =	vadd.s32 v6, v22;
	v30 =	vor.u32 v20, v49;
	v35 =	vld.idx.msk [tilespmem:v37+s2+$0x0], $0xffff;
	v20 =	vadd.s32 v6, v25  }
0x254: {  	v44 =	vadd.s32 v6, v52;
	v36 =	vld.idx.msk [tilespmem:v58+s2+$0x0], $0xffff;
	[tilespmem:v43+s21+$0x0] =	vst.idx.msk $0xffff, v29;
	v29 =	vor.u32 v62, v46  }
0x255: {  	v19 =	vadd.s32 v5, v56;
	v31 =	vld.idx.msk [tilespmem:v59+s2+$0x0], $0xffff;
	v62 =	vor.u32 v16, v53;
	v16 =	vadd.s32 v6, v29  }
0x256: {  	v18 =	vadd.s32 v5, v57;
	v42 =	vadd.s32 v6, v14;
	v47 =	vadd.s32 v6, v30;
	v30 =	vld.idx.msk [tilespmem:v60+s2+$0x0], $0xffff  }
0x257: {  	s7 =	simm.s32 $0x0;
	s12 =	simm.s32 $0x3E;
	v37 =	vadd.s32 v6, v63;
	v46 =	vadd.s32 v6, v21;
	v43 =	vadd.s32 v6, v62;
	v29 =	vld.idx.msk [tilespmem:v61+s2+$0x0], $0xffff  }
.LBB2_8:
0x258: {  	s30 =	sadd.s32 $0xFFFFFFE2, s12;
	s23 =	sadd.s32 $0xFFFFFFEA, s12;
	s25 =	sadd.s32 $0xFFFFFFFA, s12;
	v14 =	vor.u32 s12, v2;
	[tilespmem:v20+s21+$0x0] =	vst.idx.msk $0xffff, v40;
	v21 =	vadd.s32 v5, v24  }
0x259: {  	s4 =	sadd.s32 $0xFFFFFFE4, s12;
	s3 =	sadd.s32 $0xFFFFFFE6, s12;
	s24 =	sadd.s32 $0xFFFFFFF2, s12;
	v20 =	vmov s30;
	v22 =	vmov s23;
	v23 =	vmov s25;
	[tilespmem:v17+s21+$0x0] =	vst.idx.msk $0xffff, v38  }
0x25a: {  	s15 =	sadd.s32 $0xFFFFFFE8, s12;
	s22 =	sadd.s32 $0xFFFFFFEC, s12;
	s6 =	sadd.s32 $0xFFFFFFEE, s12;
	v17 =	vmov s24;
	v38 =	vshll.u32 v20, $0x3;
	v20 =	vshll.u32 v23, $0x3;
	[tilespmem:v16+s21+$0x0] =	vst.idx.msk $0xffff, v39  }
0x25b: {  	s11 =	sadd.s32 $0xFFFFFFF0, s12;
	s28 =	sadd.s32 $0xFFFFFFF4, s12;
	s5 =	sadd.s32 $0xFFFFFFF6, s12;
	v39 =	vshll.u32 v22, $0x3;
	v40 =	vshll.u32 v17, $0x3;
	v16 =	vor.u32 v3, v20;
	[tilespmem:v15+s21+$0x0] =	vst.idx.msk $0xffff, v41  }
0x25c: {  	s13 =	sadd.s32 $0xFFFFFFF8, s12;
	s14 =	sadd.s32 $0xFFFFFFFC, s12;
	s26 =	sadd.s32 $0xFFFFFFFE, s12;
	v25 =	vor.u32 s4, v2;
	v15 =	vor.u32 s3, v2;
	v41 =	vor.u32 v4, v16;
	[tilespmem:v19+s21+$0x0] =	vst.idx.msk $0xffff, v26  }
0x25d: {  	v24 =	vor.u32 s15, v2;
	v17 =	vor.u32 s6, v2;
	v16 =	vor.u32 s22, v2;
	[tilespmem:v18+s21+$0x0] =	vst.idx.msk $0xffff, v27  }
0x25e: {  	v20 =	vor.u32 s5, v2;
	v19 =	vor.u32 s28, v2;
	v18 =	vor.u32 s11, v2;
	[tilespmem:v21+s21+$0x0] =	vst.idx.msk $0xffff, v28  }
0x25f: {  	v22 =	vor.u32 s14, v2;
	v23 =	vor.u32 s26, v2;
	v21 =	vor.u32 s13, v2;
	[tilespmem:v48+s21+$0x0] =	vst.idx.msk $0xffff, v33  }
0x260: {  	v26 =	vor.u32 v3, v38;
	v27 =	vor.u32 v3, v39;
	v28 =	vor.u32 v3, v40  }
0x261: {  	v38 =	vshll.u32 v15, $0x3;
	v39 =	vshll.u32 v24, $0x3;
	v33 =	vshll.u32 v25, $0x3;
	v40 =	vld.idx.msk [tilespmem:v41+s18+$0x0], $0xffff;
	[tilespmem:v47+s21+$0x0] =	vst.idx.msk $0xffff, v32  }
0x262: {  	v32 =	vshll.u32 v16, $0x3;
	v41 =	vshll.u32 v17, $0x3;
	v47 =	vshll.u32 v18, $0x3;
	[tilespmem:v46+s21+$0x0] =	vst.idx.msk $0xffff, v34  }
0x263: {  	v48 =	vshll.u32 v21, $0x3;
	v34 =	vshll.u32 v19, $0x3;
	v46 =	vshll.u32 v20, $0x3;
	[tilespmem:v45+s21+$0x0] =	vst.idx.msk $0xffff, v35  }
0x264: {  	s7 =	sadd.s32 $0x10, s7;
	v49 =	vshll.u32 v14, $0x3;
	v35 =	vshll.u32 v22, $0x3;
	v45 =	vshll.u32 v23, $0x3;
	[tilespmem:v44+s21+$0x0] =	vst.idx.msk $0xffff, v36  }
0x265: {  	s8 =	sshrl.u32 s7, $0x6;
	p1 =	slt.u32 s7, $0x130;
	v26 =	vor.u32 v4, v26;
	v27 =	vor.u32 v4, v27;
	v28 =	vor.u32 v4, v28  }
0x266: {  	s9 =	sshll.u32 s8, $0x7;
	v33 =	vor.u32 v4, v33;
	v36 =	vor.u32 v4, v38;
	v38 =	vor.u32 v4, v39  }
0x267: {  	s8 =	sshll.u32 s8, $0x3;
	s10 =	ssub.s32 s4, s9;
	s4 =	ssub.s32 s25, s9;
	v32 =	vor.u32 v4, v32;
	v39 =	vor.u32 v4, v41;
	v40 =	vshll.u32 v40, $0x3;
	[tilespmem:v43+s21+$0x0] =	vst.idx.msk $0xffff, v31  }
0x268: {  	s15 =	ssub.s32 s15, s9;
	s22 =	ssub.s32 s22, s9;
	v41 =	vmov s4;
	v31 =	vmov s8;
	s8 =	ssub.s32 s3, s9;
	v40 =	vor.u32 v4, v40;
	[tilespmem:v37+s21+$0x0] =	vst.idx.msk $0xffff, v30  }
0x269: {  	s6 =	ssub.s32 s6, s9;
	s25 =	ssub.s32 s28, s9;
	s11 =	ssub.s32 s11, s9;
	v37 =	vmul.u32 $0x88, v31;
	v30 =	vor.u32 v4, v47;
	v31 =	vshrl.u32 v41, $0x3;
	[tilespmem:v42+s21+$0x0] =	vst.idx.msk $0xffff, v29  }
0x26a: {  	s14 =	ssub.s32 s14, s9;
	s28 =	ssub.s32 s5, s9;
	s13 =	ssub.s32 s13, s9;
	v29 =	vor.u32 v4, v34;
	v34 =	vor.u32 v4, v46;
	v31 =	vshll.u32 v31, v0;
	v26 =	vld.idx.msk [tilespmem:v26+s18+$0x0], $0xffff  }
0x26b: {  	s26 =	ssub.s32 s26, s9;
	v35 =	vor.u32 v4, v35;
	s3 =	ssub.s32 s30, s9;
	s30 =	ssub.s32 s12, s9;
	v41 =	vor.u32 v4, v48;
	v31 =	vadd.s32 v37, v31;
	v27 =	vld.idx.msk [tilespmem:v27+s18+$0x0], $0xffff  }
0x26c: {  	s5 =	ssub.s32 s24, s9;
	s4 =	ssub.s32 s23, s9;
	v43 =	vor.u32 v4, v49;
	v42 =	vor.u32 v4, v45;
	v31 =	vbroadcast v31, $0x0;
	v28 =	vld.idx.msk [tilespmem:v28+s18+$0x0], $0xffff  }
0x26d: {  	v44 =	vmov s10;
	v45 =	vmov s8;
	v46 =	vmov s15;
	v40 =	vld.idx.msk [tilespmem:v40+s2+$0x0], $0xffff  }
0x26e: {  	v47 =	vmov s22;
	v48 =	vmov s6;
	v31 =	vadd.s32 v5, v31;
	v33 =	vld.idx.msk [tilespmem:v33+s18+$0x0], $0xffff  }
0x26f: {  	v50 =	vmov s25;
	v51 =	vmov s28;
	v49 =	vmov s11;
	v36 =	vld.idx.msk [tilespmem:v36+s18+$0x0], $0xffff  }
0x270: {  	v53 =	vmov s14;
	v54 =	vmov s26;
	v52 =	vmov s13;
	v38 =	vld.idx.msk [tilespmem:v38+s18+$0x0], $0xffff  }
0x271: {  	v55 =	vmov s30;
	v26 =	vshll.u32 v26, $0x3;
	v27 =	vshll.u32 v27, $0x3;
	v32 =	vld.idx.msk [tilespmem:v32+s18+$0x0], $0xffff  }
0x272: {  	v44 =	vshrl.u32 v44, $0x3;
	v45 =	vshrl.u32 v45, $0x3;
	v28 =	vshll.u32 v28, $0x3;
	v39 =	vld.idx.msk [tilespmem:v39+s18+$0x0], $0xffff  }
0x273: {  	v47 =	vshrl.u32 v47, $0x3;
	v48 =	vshrl.u32 v48, $0x3;
	v46 =	vshrl.u32 v46, $0x3;
	v30 =	vld.idx.msk [tilespmem:v30+s18+$0x0], $0xffff;
	[tilespmem:v31+s21+$0x0] =	vst.idx.msk $0xffff, v40  }
0x274: {  	v31 =	vshll.u32 v33, $0x3;
	v33 =	vshrl.u32 v49, $0x3;
	v49 =	vshrl.u32 v50, $0x3;
	v29 =	vld.idx.msk [tilespmem:v29+s18+$0x0], $0xffff  }
0x275: {  	v50 =	vshrl.u32 v51, $0x3;
	v51 =	vshrl.u32 v52, $0x3;
	v36 =	vshll.u32 v36, $0x3;
	v34 =	vld.idx.msk [tilespmem:v34+s18+$0x0], $0xffff  }
0x276: {  	v52 =	vshrl.u32 v54, $0x3;
	v38 =	vshll.u32 v38, $0x3;
	v40 =	vld.idx.msk [tilespmem:v41+s18+$0x0], $0xffff;
	v41 =	vshrl.u32 v53, $0x3  }
0x277: {  	v54 =	vshrl.u32 v55, $0x3;
	v53 =	vmov s3;
	v32 =	vshll.u32 v32, $0x3;
	v35 =	vld.idx.msk [tilespmem:v35+s18+$0x0], $0xffff  }
0x278: {  	v56 =	vmov s5;
	v55 =	vmov s4;
	v39 =	vshll.u32 v39, $0x3;
	v42 =	vld.idx.msk [tilespmem:v42+s18+$0x0], $0xffff  }
0x279: {  	v26 =	vor.u32 v4, v26;
	v27 =	vor.u32 v4, v27;
	v30 =	vshll.u32 v30, $0x3;
	v43 =	vld.idx.msk [tilespmem:v43+s18+$0x0], $0xffff  }
0x27a: {  	v28 =	vor.u32 v4, v28;
	v31 =	vor.u32 v4, v31;
	v29 =	vshll.u32 v29, $0x3  }
0x27b: {  	v36 =	vor.u32 v4, v36;
	v57 =	vor.u32 v4, v38;
	v34 =	vshll.u32 v34, $0x3  }
0x27c: {  	v32 =	vor.u32 v4, v32;
	v58 =	vor.u32 v4, v39;
	v38 =	vshll.u32 v40, $0x3  }
0x27d: {  	v30 =	vor.u32 v4, v30;
	v29 =	vor.u32 v4, v29;
	v35 =	vshll.u32 v35, $0x3  }
0x27e: {  	v59 =	vor.u32 v4, v34;
	v60 =	vor.u32 v4, v38;
	v34 =	vshll.u32 v42, $0x3;
	v26 =	vld.idx.msk [tilespmem:v26+s2+$0x0], $0xffff  }
0x27f: {  	v42 =	vor.u32 v4, v35;
	v61 =	vor.u32 v4, v34;
	v34 =	vshll.u32 v43, $0x3;
	v27 =	vld.idx.msk [tilespmem:v27+s2+$0x0], $0xffff  }
0x280: {  	v35 =	vshll.u32 v44, v0;
	v43 =	vshll.u32 v45, v0;
	v44 =	vor.u32 v4, v34;
	v28 =	vld.idx.msk [tilespmem:v28+s2+$0x0], $0xffff  }
0x281: {  	v45 =	vshll.u32 v48, v0;
	v34 =	vshll.u32 v47, v0;
	v40 =	vld.idx.msk [tilespmem:v31+s2+$0x0], $0xffff;
	v31 =	vshll.u32 v46, v0  }
0x282: {  	v47 =	vshll.u32 v50, v0;
	v46 =	vshll.u32 v49, v0;
	v38 =	vld.idx.msk [tilespmem:v36+s2+$0x0], $0xffff;
	v36 =	vshll.u32 v33, v0  }
0x283: {  	v48 =	vshll.u32 v51, v0;
	v50 =	vshll.u32 v52, v0;
	v49 =	vshll.u32 v41, v0;
	v39 =	vld.idx.msk [tilespmem:v57+s2+$0x0], $0xffff  }
0x284: {  	v51 =	vshrl.u32 v53, $0x3;
	v53 =	vshll.u32 v54, v0;
	v52 =	vshrl.u32 v55, $0x3;
	v41 =	vld.idx.msk [tilespmem:v32+s2+$0x0], $0xffff  }
0x285: {  	v54 =	vadd.s32 v37, v35;
	v43 =	vadd.s32 v37, v43;
	v55 =	vshrl.u32 v56, $0x3;
	v33 =	vld.idx.msk [tilespmem:v58+s2+$0x0], $0xffff  }
0x286: {  	v45 =	vadd.s32 v37, v45;
	v56 =	vadd.s32 v37, v31;
	v57 =	vadd.s32 v37, v34;
	v32 =	vld.idx.msk [tilespmem:v30+s2+$0x0], $0xffff  }
0x287: {  	v47 =	vadd.s32 v37, v47;
	v46 =	vadd.s32 v37, v46;
	v58 =	vadd.s32 v37, v36;
	v34 =	vld.idx.msk [tilespmem:v29+s2+$0x0], $0xffff  }
0x288: {  	v48 =	vadd.s32 v37, v48;
	v50 =	vadd.s32 v37, v50;
	v49 =	vadd.s32 v37, v49;
	v35 =	vld.idx.msk [tilespmem:v59+s2+$0x0], $0xffff  }
0x289: {  	v29 =	vshll.u32 v51, v0;
	v51 =	vshll.u32 v52, v0;
	v52 =	vadd.s32 v37, v53;
	v36 =	vld.idx.msk [tilespmem:v60+s2+$0x0], $0xffff  }
0x28a: {  	v43 =	vbroadcast v43, $0x0;
	v53 =	vbroadcast v54, $0x0;
	v54 =	vshll.u32 v55, v0;
	v31 =	vld.idx.msk [tilespmem:v42+s2+$0x0], $0xffff  }
0x28b: {  	v55 =	vbroadcast v56, $0x0;
	v56 =	vbroadcast v57, $0x0;
	v42 =	vadd.s32 v37, v29;
	v30 =	vld.idx.msk [tilespmem:v61+s2+$0x0], $0xffff  }
0x28c: {  	v45 =	vbroadcast v45, $0x0;
	v57 =	vbroadcast v58, $0x0;
	v51 =	vadd.s32 v37, v51;
	v29 =	vld.idx.msk [tilespmem:v44+s2+$0x0], $0xffff  }
0x28d: {  	v37 =	vadd.s32 v37, v54;
	v44 =	vbroadcast v46, $0x0;
	v46 =	vbroadcast v47, $0x0  }
0x28e: {  	v25 =	vand.u32 $0x3, v25;
	v47 =	vbroadcast v48, $0x0;
	v48 =	vbroadcast v49, $0x0  }
0x28f: {  	v15 =	vand.u32 $0x5, v15;
	v49 =	vbroadcast v50, $0x0;
	v50 =	vbroadcast v52, $0x0  }
0x290: {  	v51 =	vbroadcast v51, $0x0;
	v42 =	vbroadcast v42, $0x0;
	v52 =	vand.u32 $0x7, v24  }
0x291: {  	v16 =	vand.u32 $0x3, v16;
	v17 =	vand.u32 $0x5, v17;
	v24 =	vbroadcast v37, $0x0  }
0x292: {  	v18 =	vand.u32 $0x7, v18;
	v19 =	vand.u32 $0x3, v19;
	v20 =	vand.u32 $0x5, v20  }
0x293: {  	v21 =	vand.u32 $0x7, v21;
	v22 =	vand.u32 $0x3, v22;
	v23 =	vand.u32 $0x5, v23  }
0x294: {  	v14 =	vand.u32 $0x7, v14;
	v15 =	vor.u32 v15, v43;
	v25 =	vor.u32 v25, v53  }
0x295: {  	v45 =	vor.u32 v17, v45;
	v43 =	vor.u32 v16, v56;
	v37 =	vor.u32 v52, v55  }
0x296: {  	v18 =	vor.u32 v18, v57;
	v19 =	vor.u32 v19, v44;
	v44 =	vor.u32 v20, v46  }
0x297: {  	v21 =	vor.u32 v21, v47;
	v22 =	vor.u32 v22, v48;
	v23 =	vor.u32 v23, v49  }
.Ltmp11:
0x298: {  	v17 =	vadd.s32 v6, v15;
	v20 =	vadd.s32 v6, v25;
	v14 =	vor.u32 v14, v50;
	(pc) =	sbr.rel @p1 .LBB2_8-.Ltmp11, $4  }
0x299: {  	v15 =	vadd.s32 v6, v43;
	v16 =	vadd.s32 v6, v37;
	v48 =	vadd.s32 v6, v45  }
0x29a: {  	v47 =	vadd.s32 v6, v18;
	v46 =	vadd.s32 v6, v19;
	v45 =	vadd.s32 v6, v44  }
0x29b: {  	v44 =	vadd.s32 v6, v21;
	v43 =	vadd.s32 v6, v22;
	v37 =	vadd.s32 v6, v23  }
0x29c: {  	s12 =	sadd.s32 $0x20, s12;
	v18 =	vadd.s32 v5, v51;
	v19 =	vadd.s32 v5, v42;
	v42 =	vadd.s32 v6, v14  }
0x29d: {  	_ =	sdelay $0x3  }
0x29e: {  	[tilespmem:v20+s21+$0x0] =	vst.idx.msk $0xffff, v40  }
0x29f: {  	[tilespmem:v17+s21+$0x0] =	vst.idx.msk $0xffff, v38  }
0x2a0: {  	[tilespmem:v16+s21+$0x0] =	vst.idx.msk $0xffff, v39  }
0x2a1: {  	[tilespmem:v15+s21+$0x0] =	vst.idx.msk $0xffff, v41  }
0x2a2: {  	[tilespmem:v19+s21+$0x0] =	vst.idx.msk $0xffff, v26  }
0x2a3: {  	[tilespmem:v18+s21+$0x0] =	vst.idx.msk $0xffff, v27  }
0x2a4: {  	v14 =	vadd.s32 v5, v24;
	[tilespmem:v48+s21+$0x0] =	vst.idx.msk $0xffff, v33  }
0x2a5: {  	[tilespmem:v47+s21+$0x0] =	vst.idx.msk $0xffff, v32  }
0x2a6: {  	[tilespmem:v46+s21+$0x0] =	vst.idx.msk $0xffff, v34  }
0x2a7: {  	[tilespmem:v45+s21+$0x0] =	vst.idx.msk $0xffff, v35  }
0x2a8: {  	[tilespmem:v44+s21+$0x0] =	vst.idx.msk $0xffff, v36  }
0x2a9: {  	s0 =	smul.u32 $0x1400, s0;
	[tilespmem:v14+s21+$0x0] =	vst.idx.msk $0xffff, v28  }
0x2aa: {  	s3 =	rddreg [dreg:$0x6]  }
0x2ab: {  	s0 =	sadd.s32 s3, s0  }
0x2ac: {  	[tilespmem:v43+s21+$0x0] =	vst.idx.msk $0xffff, v31;
	s0 =	sshrl.u32 s0, $0x3  }
0x2ad: {  	s4 =	simm.s32 $0x10;
	[tilespmem:v37+s21+$0x0] =	vst.idx.msk $0xffff, v30;
	s0 =	sadd.s32 s1, s0  }
0x2ae: {  	s5 =	simm.s32 $0x17648;
	[tilespmem:v42+s21+$0x0] =	vst.idx.msk $0xffff, v29;
	s3 =	simm.s32 $0x175C0;
	s6 =	sadd.s32 $0x0, s0  }
.LBB2_10:
0x2af: {  	[hbm4b:s6+s2] =	stream.linear.scatter [tilespmem:s3], [sflag:$0x4], $0x80, $0x38;
	[tilespmem:$0x1AB00] =	vst v63  }
0x2b0: {  	s6 =	smov.u32 s4;
	s3 =	smov.u32 s5;
	p1 =	sne.s32 s4, $0x270  }
.Ltmp12:
0x2b1: {  	s4 =	sadd.s32 $0x10, s4;
	(pc) =	sbr.rel @p1 .LBB2_10-.Ltmp12, $2  }
0x2b2: {  	_ =	sdelay $0x2  }
0x2b3: {  	s5 =	sadd.s32 $0x88, s5;
	s6 =	sadd.s32 s6, s0  }
0x2b4: {  	s31 =	sadd.s32 $0x1, s31  }
0x2b5: {  	p1 =	seq.s32 s31, $0xFA  }
.Ltmp13:
0x2b6: {  	_ = 	snop;
	(pc) =	sbr.rel @!p1 .LBB2_3-.Ltmp13, $3  }
0x2b7: {  	_ =	sdelay $0x1  }
0x2b8: {  	[hbm4b:s6+s2] =	stream.linear.scatter [tilespmem:s3], [sflag:$0x4], $0x80, $0x38;
	[tilespmem:$0x1AB00] =	vst v63  }
0x2b9: {  	s10 =	simm.s32 $0x8;
	s14 =	simm.s32 $0x80  }
.LBB2_22:
0x2ba: {  	s0 =	simm.s32 $0x3  }
0x2bb: {  	_ =	swait.ge [sflag:s0], $0x1400  }
0x2bc: {  	s31 =	simm.s32 $0x4;
	[sflag:s0] =	ssyncset.done $0x0  }
.Ltmp14:
0x2bd: {  	s8 =	stileid.u32;
	[sflag:s0] =	ssyncadd.s32 $0xFFFFEC00;
	(pc) =	sbr.rel .LBB2_23-.Ltmp14, $4  }
0x2be: {  	s15 =	simm.s32 $0x5;
	s22 =	simm.s32 $0x200;
	_ =	swait.ge [sflag:s31], $0x1400  }
0x2bf: {  	s24 =	simm.s32 $0x4E200;
	s25 =	simm.s32 $0x18B00;
	s11 =	rddreg [dreg:$0x7]  }
0x2c0: {  	s26 =	simm.s32 $0x6;
	[sflag:s31] =	ssyncset.done $0x0;
	s13 =	rddreg [dreg:$0x8]  }
0x2c1: {  	s0 =	simm.s32 $0x0;
	s9 =	rddreg [dreg:$0xd];
	[sflag:s31] =	ssyncadd.s32 $0xFFFFEC00  }
.LBB2_40:
0x2c2: {  	_ =	sdelay $0x3  }
0x2c3: {  	[tilespmem:v26+s29+$0x0] =	vst.idx.msk $0xffff, v32  }
0x2c4: {  	[tilespmem:v24+s29+$0x0] =	vst.idx.msk $0xffff, v31  }
0x2c5: {  	v57 =	vor.u32 v13, v25;
	[tilespmem:v20+s29+$0x0] =	vst.idx.msk $0xffff, v15  }
0x2c6: {  	v58 =	vor.u32 v10, v25;
	[tilespmem:v23+s29+$0x0] =	vst.idx.msk $0xffff, v28  }
0x2c7: {  	v15 =	vld [tilespmem:s7+$0xFFFFFF90];
	[tilespmem:v18+s29+$0x0] =	vst.idx.msk $0xffff, v17  }
0x2c8: {  	v59 =	vld [tilespmem:s7+$0xFFFFFFF0];
	[tilespmem:v16+s29+$0x0] =	vst.idx.msk $0xffff, v19  }
0x2c9: {  	v60 =	vor.u32 v11, v25;
	v61 =	vld [tilespmem:s7+$0xFFFFFFE0];
	[tilespmem:v33+s29+$0x0] =	vst.idx.msk $0xffff, v27  }
0x2ca: {  	v62 =	vor.u32 v9, v25;
	v63 =	vld [tilespmem:s7+$0xFFFFFFC0];
	[tilespmem:v57+s29+$0x0] =	vst.idx.msk $0xffff, v21  }
0x2cb: {  	[tilespmem:v58+s29+$0x0] =	vst.idx.msk $0xffff, v14;
	v14 =	vld [tilespmem:s7+$0xFFFFFFB0]  }
0x2cc: {  	[tilespmem:v30+s29+$0x0] =	vst.idx.msk $0xffff, v15  }
0x2cd: {  	s3 =	sshll.u32 s31, $0xC;
	[tilespmem:v29+s29+$0x0] =	vst.idx.msk $0xffff, v59  }
0x2ce: {  	s3 =	sadd.s32 s3, s9;
	[tilespmem:v60+s29+$0x0] =	vst.idx.msk $0xffff, v61  }
0x2cf: {  	s3 =	sshrl.u32 s3, $0x3;
	[tilespmem:v62+s29+$0x0] =	vst.idx.msk $0xffff, v63  }
0x2d0: {  	s3 =	sadd.s32 s1, s3;
	[tilespmem:v22+s29+$0x0] =	vst.idx.msk $0xffff, v14  }
0x2d1: {  	[hbm4b:s3+s2] =	stream.linear.scatter [tilespmem:s29], [sflag:$0x5], $0x1000, $0x38;
	[tilespmem:$0x1AB00] =	vst v63  }
0x2d2: {  	_ =	swait.ge [sflag:s15], $0x1000  }
0x2d3: {  	[sflag:s15] =	ssyncset.done $0x0  }
0x2d4: {  	[sflag:s15] =	ssyncadd.s32 $0xFFFFF000  }
.LBB2_41:
0x2d5: {  	s0 =	sadd.s32 $0x1, s0  }
0x2d6: {  	p1 =	sne.s32 s0, $0x28  }
.Ltmp15:
0x2d7: {  	_ = 	snop;
	(pc) =	sbr.rel @!p1 .LBB2_42-.Ltmp15, $1  }
0x2d8: {  	_ =	sdelay $0x3  }
.LBB2_23:
0x2d9: {  	s3 =	sshll.u32 s0, $0x4  }
0x2da: {  	s31 =	sor.u32 s8, s3  }
0x2db: {  	p1 =	sgt.u32 s31, $0x270  }
.Ltmp16:
0x2dc: {  	_ = 	snop;
	(pc) =	sbr.rel @p1 .LBB2_41-.Ltmp16, $1  }
0x2dd: {  	_ =	sdelay $0x3  }
0x2de: {  	s3 =	sshll.u32 s31, $0x9  }
0x2df: {  	s3 =	sadd.s32 s13, s3  }
0x2e0: {  	s3 =	sshrl.u32 s3, $0x3  }
0x2e1: {  	s3 =	sadd.s32 s11, s3  }
0x2e2: {  	[tilespmem:s25], [sflag:$0x6] =	stream.strided.gather [hbm4b:s3+s22], $0x1000, s24, s22, $0x38;
	[tilespmem:$0x1AB00] =	vst v63  }
0x2e3: {  	_ =	swait.ge [sflag:s26], $0x1000  }
0x2e4: {  	[sflag:s26] =	ssyncset.done $0x0  }
0x2e5: {  	s4 =	simm.s32 $0x0;
	s3 =	simm.s32 $0x18B40;
	[sflag:s26] =	ssyncadd.s32 $0xFFFFF000  }
0x2e6: {  	v27 =	vor.u32 s4, v13;
	v26 =	vld [tilespmem:s3+$0x30]  }
0x2e7: {  	v20 =	vor.u32 s4, v1;
	v22 =	vld [tilespmem:s3+$0xFFFFFFC0]  }
0x2e8: {  	v19 =	vor.u32 s4, v7;
	v23 =	vld [tilespmem:s3+$0xFFFFFFD0]  }
0x2e9: {  	v18 =	vor.u32 s4, v8;
	v21 =	vld [tilespmem:s3+$0xFFFFFFE0]  }
0x2ea: {  	v14 =	vor.u32 s4, v9;
	v24 =	vld [tilespmem:s3+$0xFFFFFFF0]  }
0x2eb: {  	s5 =	simm.s32 $0x0;
	v16 =	vor.u32 s4, v10;
	v17 =	vor.u32 s4, v11;
	v15 =	vor.u32 s4, v12;
	s4 =	simm.s32 $0x18D70;
	v25 =	vld [tilespmem:s3+$0x0];
	[tilespmem:v27+s29+$0x0] =	vst.idx.msk $0xffff, v26  }
.LBB2_25:
0x2ec: {  	s5 =	sadd.s32 $0x8, s5;
	[tilespmem:v20+s29+$0x0] =	vst.idx.msk $0xffff, v22;
	v26 =	vld [tilespmem:s3+$0x10]  }
0x2ed: {  	s6 =	sshll.u32 s5, $0x7;
	p1 =	slt.u32 s5, $0x18;
	[tilespmem:v19+s29+$0x0] =	vst.idx.msk $0xffff, v23;
	v27 =	vld [tilespmem:s3+$0x20];
	s3 =	sadd.s32 $0x80, s3  }
0x2ee: {  	v20 =	vor.u32 s6, v1;
	v19 =	vor.u32 s6, v7;
	v28 =	vld [tilespmem:s3+$0x30];
	v29 =	vor.u32 s6, v13;
	[tilespmem:v18+s29+$0x0] =	vst.idx.msk $0xffff, v21  }
.Ltmp17:
0x2ef: {  	v18 =	vor.u32 s6, v8;
	v21 =	vor.u32 s6, v10;
	v22 =	vld [tilespmem:s3+$0xFFFFFFC0];
	[tilespmem:v14+s29+$0x0] =	vst.idx.msk $0xffff, v24;
	v14 =	vor.u32 s6, v9;
	(pc) =	sbr.rel @p1 .LBB2_25-.Ltmp17, $4  }
0x2f0: {  	v30 =	vor.u32 s6, v12;
	v24 =	vor.u32 s6, v11;
	v23 =	vld [tilespmem:s3+$0xFFFFFFD0];
	[tilespmem:v16+s29+$0x0] =	vst.idx.msk $0xffff, v25;
	v16 =	vmov v21  }
0x2f1: {  	v21 =	vld [tilespmem:s3+$0xFFFFFFE0];
	[tilespmem:v17+s29+$0x0] =	vst.idx.msk $0xffff, v26;
	v17 =	vmov v24  }
0x2f2: {  	v24 =	vld [tilespmem:s3+$0xFFFFFFF0];
	[tilespmem:v15+s29+$0x0] =	vst.idx.msk $0xffff, v27;
	v15 =	vmov v30  }
0x2f3: {  	v25 =	vld [tilespmem:s3+$0x0];
	[tilespmem:v29+s29+$0x0] =	vst.idx.msk $0xffff, v28  }
0x2f4: {  	_ =	sdelay $0x3  }
0x2f5: {  	[tilespmem:v20+s29+$0x0] =	vst.idx.msk $0xffff, v22;
	v20 =	vld [tilespmem:s3+$0x10]  }
0x2f6: {  	[tilespmem:v19+s29+$0x0] =	vst.idx.msk $0xffff, v23;
	v19 =	vld [tilespmem:s3+$0x20]  }
0x2f7: {  	[tilespmem:v18+s29+$0x0] =	vst.idx.msk $0xffff, v21  }
0x2f8: {  	[tilespmem:v14+s29+$0x0] =	vst.idx.msk $0xffff, v24  }
0x2f9: {  	[tilespmem:v16+s29+$0x0] =	vst.idx.msk $0xffff, v25  }
0x2fa: {  	s30 =	simm.s32 $0x0;
	[tilespmem:v17+s29+$0x0] =	vst.idx.msk $0xffff, v20  }
0x2fb: {  	v14 =	vmov s30;
	[tilespmem:v15+s29+$0x0] =	vst.idx.msk $0xffff, v19  }
0x2fc: {  	v14 =	vadd.s32 $0x1, v14;
	v34 =	vld [tilespmem:s4+$0xFFFFFFD0]  }
0x2fd: {  	v14 =	vshll.u32 v14, $0x7;
	v23 =	vld [tilespmem:s4+$0x0]  }
0x2fe: {  	s12 =	simm.s32 $0x18DF0;
	v21 =	vbroadcast v14, $0x0;
	v15 =	vld [tilespmem:s4+$0xFFFFFFA0]  }
0x2ff: {  	s3 =	simm.s32 $0x8;
	v14 =	vld [tilespmem:s12+$0xFFFFFFD0]  }
0x300: {  	v16 =	vmov s3;
	v17 =	vld [tilespmem:s4+$0xFFFFFFC0];
	v26 =	vor.u32 v13, v21  }
0x301: {  	v16 =	vadd.s32 $0x1, v16;
	v19 =	vld [tilespmem:s4+$0xFFFFFFB0];
	v35 =	vor.u32 v10, v21  }
0x302: {  	v16 =	vshll.u32 v16, $0x7;
	v32 =	vld [tilespmem:s4+$0xFFFFFF90];
	v27 =	vor.u32 v1, v21  }
0x303: {  	v25 =	vbroadcast v16, $0x0;
	v31 =	vld [tilespmem:s4+$0xFFFFFFF0];
	v24 =	vor.u32 v12, v21;
	v20 =	vor.u32 v7, v21  }
0x304: {  	v28 =	vld [tilespmem:s4+$0xFFFFFFE0];
	v16 =	vor.u32 v8, v21;
	v18 =	vor.u32 v9, v21;
	v22 =	vor.u32 v11, v21  }
0x305: {  	v21 =	vld [tilespmem:s12+$0x0];
	v30 =	vor.u32 v1, v25;
	v29 =	vor.u32 v12, v25;
	[tilespmem:v26+s29+$0x0] =	vst.idx.msk $0xffff, v23  }
0x306: {  	s4 =	simm.s32 $0x18E70;
	v33 =	vor.u32 v7, v25;
	v26 =	vld [tilespmem:s12+$0xFFFFFFA0];
	v23 =	vor.u32 v8, v25;
	[tilespmem:v35+s29+$0x0] =	vst.idx.msk $0xffff, v34  }
.LBB2_27:
0x307: {  	s3 =	sadd.s32 $0x8, s3;
	v34 =	vld [tilespmem:s4+$0xFFFFFFD0];
	v35 =	vor.u32 v9, v25;
	v36 =	vor.u32 v10, v25;
	[tilespmem:v27+s29+$0x0] =	vst.idx.msk $0xffff, v32;
	s7 =	simm.s32 $0x18F70;
	v37 =	vmov v19  }
0x308: {  	v39 =	vor.u32 v11, v25;
	v40 =	vor.u32 v13, v25;
	v27 =	vmovc v30;
	v19 =	vmov s3;
	p1 =	slt.u32 s3, $0x18;
	v38 =	vld [tilespmem:s12+$0xFFFFFFC0];
	[tilespmem:v24+s29+$0x0] =	vst.idx.msk $0xffff, v31  }
0x309: {  	v24 =	vmov v29;
	v25 =	vadd.s32 $0x1, v19;
	v19 =	vld [tilespmem:s12+$0xFFFFFFB0];
	[tilespmem:v20+s29+$0x0] =	vst.idx.msk $0xffff, v15;
	v20 =	vmov v33  }
.Ltmp18:
0x30a: {  	v29 =	vshll.u32 v25, $0x7;
	v32 =	vld [tilespmem:s12+$0xFFFFFF90];
	[tilespmem:v22+s29+$0x0] =	vst.idx.msk $0xffff, v28;
	v22 =	vmov v39;
	(pc) =	sbr.rel @p1 .LBB2_27-.Ltmp18, $4  }
0x30b: {  	v25 =	vbroadcast v29, $0x0;
	v31 =	vld [tilespmem:s12+$0xFFFFFFF0];
	[tilespmem:v18+s29+$0x0] =	vst.idx.msk $0xffff, v17;
	v18 =	vmov v35;
	v15 =	vmov v26  }
0x30c: {  	v28 =	vld [tilespmem:s12+$0xFFFFFFE0];
	[tilespmem:v16+s29+$0x0] =	vst.idx.msk $0xffff, v37;
	v16 =	vmov v23;
	s12 =	smov.u32 s4  }
0x30d: {  	v30 =	vor.u32 v1, v25;
	v29 =	vor.u32 v12, v25;
	[tilespmem:v40+s29+$0x0] =	vst.idx.msk $0xffff, v21;
	v21 =	vld [tilespmem:s4+$0x0];
	v17 =	vmov v38  }
0x30e: {  	v33 =	vor.u32 v7, v25;
	v23 =	vor.u32 v8, v25;
	s4 =	sadd.s32 $0x80, s4;
	v26 =	vld [tilespmem:s12+$0xFFFFFFA0];
	[tilespmem:v36+s29+$0x0] =	vst.idx.msk $0xffff, v14;
	v14 =	vmov v34  }
0x30f: {  	_ =	sdelay $0x3  }
0x310: {  	[tilespmem:v27+s29+$0x0] =	vst.idx.msk $0xffff, v32  }
0x311: {  	[tilespmem:v20+s29+$0x0] =	vst.idx.msk $0xffff, v15  }
0x312: {  	v27 =	vor.u32 v13, v25;
	[tilespmem:v18+s29+$0x0] =	vst.idx.msk $0xffff, v17  }
0x313: {  	[tilespmem:v24+s29+$0x0] =	vst.idx.msk $0xffff, v31;
	v24 =	vor.u32 v10, v25  }
0x314: {  	v15 =	vld [tilespmem:s12+$0xFFFFFF90];
	[tilespmem:v16+s29+$0x0] =	vst.idx.msk $0xffff, v19  }
0x315: {  	v20 =	vld [tilespmem:s12+$0xFFFFFFF0];
	[tilespmem:v22+s29+$0x0] =	vst.idx.msk $0xffff, v28  }
0x316: {  	v16 =	vor.u32 v11, v25;
	v17 =	vld [tilespmem:s12+$0xFFFFFFE0];
	[tilespmem:v33+s29+$0x0] =	vst.idx.msk $0xffff, v26  }
0x317: {  	v18 =	vor.u32 v9, v25;
	v19 =	vld [tilespmem:s12+$0xFFFFFFC0];
	[tilespmem:v27+s29+$0x0] =	vst.idx.msk $0xffff, v21  }
0x318: {  	[tilespmem:v24+s29+$0x0] =	vst.idx.msk $0xffff, v14;
	v14 =	vld [tilespmem:s12+$0xFFFFFFB0]  }
0x319: {  	[tilespmem:v30+s29+$0x0] =	vst.idx.msk $0xffff, v15  }
0x31a: {  	[tilespmem:v29+s29+$0x0] =	vst.idx.msk $0xffff, v20  }
0x31b: {  	[tilespmem:v16+s29+$0x0] =	vst.idx.msk $0xffff, v17  }
0x31c: {  	s3 =	simm.s32 $0x0;
	[tilespmem:v18+s29+$0x0] =	vst.idx.msk $0xffff, v19  }
0x31d: {  	[tilespmem:v23+s29+$0x0] =	vst.idx.msk $0xffff, v14;
	v14 =	vmov s3  }
0x31e: {  	v35 =	vld [tilespmem:s7+$0xFFFFFFD0];
	v15 =	vadd.s32 $0x2, v14  }
0x31f: {  	v24 =	vld [tilespmem:s7+$0x0];
	v15 =	vshll.u32 v15, $0x7  }
0x320: {  	v16 =	vld [tilespmem:s7+$0xFFFFFFA0];
	v22 =	vbroadcast v15, $0x0  }
0x321: {  	s3 =	simm.s32 $0x8;
	v18 =	vld [tilespmem:s7+$0xFFFFFFC0]  }
0x322: {  	v17 =	vmov s3;
	v20 =	vld [tilespmem:s7+$0xFFFFFFB0];
	v27 =	vor.u32 v13, v22  }
0x323: {  	v33 =	vld [tilespmem:s7+$0xFFFFFF90];
	v17 =	vadd.s32 $0x2, v17;
	v36 =	vor.u32 v10, v22  }
0x324: {  	v32 =	vld [tilespmem:s7+$0xFFFFFFF0];
	v17 =	vshll.u32 v17, $0x7;
	v28 =	vor.u32 v1, v22  }
0x325: {  	s12 =	simm.s32 $0x18FF0;
	v29 =	vld [tilespmem:s7+$0xFFFFFFE0];
	v26 =	vbroadcast v17, $0x0;
	v25 =	vor.u32 v12, v22;
	v21 =	vor.u32 v7, v22  }
0x326: {  	v15 =	vld [tilespmem:s12+$0xFFFFFFD0];
	v17 =	vor.u32 v8, v22;
	v19 =	vor.u32 v9, v22;
	v23 =	vor.u32 v11, v22  }
0x327: {  	v22 =	vld [tilespmem:s12+$0x0];
	v31 =	vor.u32 v1, v26;
	v30 =	vor.u32 v12, v26;
	[tilespmem:v27+s29+$0x0] =	vst.idx.msk $0xffff, v24  }
0x328: {  	s4 =	simm.s32 $0x19070;
	v34 =	vor.u32 v7, v26;
	v27 =	vld [tilespmem:s12+$0xFFFFFFA0];
	v24 =	vor.u32 v8, v26;
	[tilespmem:v36+s29+$0x0] =	vst.idx.msk $0xffff, v35  }
.LBB2_29:
0x329: {  	s3 =	sadd.s32 $0x8, s3;
	v35 =	vld [tilespmem:s4+$0xFFFFFFD0];
	v36 =	vor.u32 v9, v26;
	v37 =	vor.u32 v10, v26;
	[tilespmem:v28+s29+$0x0] =	vst.idx.msk $0xffff, v33;
	s7 =	simm.s32 $0x19170;
	v38 =	vmov v20  }
0x32a: {  	v40 =	vor.u32 v11, v26;
	v41 =	vor.u32 v13, v26;
	v28 =	vmovc v31;
	v20 =	vmov s3;
	p1 =	slt.u32 s3, $0x18;
	v39 =	vld [tilespmem:s12+$0xFFFFFFC0];
	[tilespmem:v25+s29+$0x0] =	vst.idx.msk $0xffff, v32  }
0x32b: {  	v25 =	vmov v30;
	v26 =	vadd.s32 $0x2, v20;
	v20 =	vld [tilespmem:s12+$0xFFFFFFB0];
	[tilespmem:v21+s29+$0x0] =	vst.idx.msk $0xffff, v16;
	v21 =	vmov v34  }
.Ltmp19:
0x32c: {  	v30 =	vshll.u32 v26, $0x7;
	v33 =	vld [tilespmem:s12+$0xFFFFFF90];
	[tilespmem:v23+s29+$0x0] =	vst.idx.msk $0xffff, v29;
	v23 =	vmov v40;
	(pc) =	sbr.rel @p1 .LBB2_29-.Ltmp19, $4  }
0x32d: {  	v26 =	vbroadcast v30, $0x0;
	v32 =	vld [tilespmem:s12+$0xFFFFFFF0];
	[tilespmem:v19+s29+$0x0] =	vst.idx.msk $0xffff, v18;
	v19 =	vmov v36;
	v16 =	vmov v27  }
0x32e: {  	v29 =	vld [tilespmem:s12+$0xFFFFFFE0];
	[tilespmem:v17+s29+$0x0] =	vst.idx.msk $0xffff, v38;
	v17 =	vmov v24;
	s12 =	smov.u32 s4  }
0x32f: {  	v31 =	vor.u32 v1, v26;
	v30 =	vor.u32 v12, v26;
	[tilespmem:v41+s29+$0x0] =	vst.idx.msk $0xffff, v22;
	v22 =	vld [tilespmem:s4+$0x0];
	v18 =	vmov v39  }
0x330: {  	v34 =	vor.u32 v7, v26;
	v24 =	vor.u32 v8, v26;
	s4 =	sadd.s32 $0x80, s4;
	v27 =	vld [tilespmem:s12+$0xFFFFFFA0];
	[tilespmem:v37+s29+$0x0] =	vst.idx.msk $0xffff, v15;
	v15 =	vmov v35  }
0x331: {  	_ =	sdelay $0x3  }
0x332: {  	[tilespmem:v28+s29+$0x0] =	vst.idx.msk $0xffff, v33  }
0x333: {  	[tilespmem:v21+s29+$0x0] =	vst.idx.msk $0xffff, v16  }
0x334: {  	v28 =	vor.u32 v13, v26;
	[tilespmem:v19+s29+$0x0] =	vst.idx.msk $0xffff, v18  }
0x335: {  	[tilespmem:v25+s29+$0x0] =	vst.idx.msk $0xffff, v32;
	v25 =	vor.u32 v10, v26  }
0x336: {  	v16 =	vld [tilespmem:s12+$0xFFFFFF90];
	[tilespmem:v17+s29+$0x0] =	vst.idx.msk $0xffff, v20  }
0x337: {  	v21 =	vld [tilespmem:s12+$0xFFFFFFF0];
	[tilespmem:v23+s29+$0x0] =	vst.idx.msk $0xffff, v29  }
0x338: {  	v17 =	vor.u32 v11, v26;
	v18 =	vld [tilespmem:s12+$0xFFFFFFE0];
	[tilespmem:v34+s29+$0x0] =	vst.idx.msk $0xffff, v27  }
0x339: {  	v19 =	vor.u32 v9, v26;
	v20 =	vld [tilespmem:s12+$0xFFFFFFC0];
	[tilespmem:v28+s29+$0x0] =	vst.idx.msk $0xffff, v22  }
0x33a: {  	[tilespmem:v25+s29+$0x0] =	vst.idx.msk $0xffff, v15;
	v15 =	vld [tilespmem:s12+$0xFFFFFFB0]  }
0x33b: {  	[tilespmem:v31+s29+$0x0] =	vst.idx.msk $0xffff, v16  }
0x33c: {  	[tilespmem:v30+s29+$0x0] =	vst.idx.msk $0xffff, v21  }
0x33d: {  	[tilespmem:v17+s29+$0x0] =	vst.idx.msk $0xffff, v18  }
0x33e: {  	[tilespmem:v19+s29+$0x0] =	vst.idx.msk $0xffff, v20  }
0x33f: {  	[tilespmem:v24+s29+$0x0] =	vst.idx.msk $0xffff, v15  }
0x340: {  	v14 =	vadd.s32 $0x3, v14;
	v34 =	vld [tilespmem:s7+$0xFFFFFFD0]  }
0x341: {  	v14 =	vshll.u32 v14, $0x7;
	v23 =	vld [tilespmem:s7+$0x0]  }
0x342: {  	v21 =	vbroadcast v14, $0x0;
	s12 =	simm.s32 $0x191F0;
	v15 =	vld [tilespmem:s7+$0xFFFFFFA0]  }
0x343: {  	s3 =	simm.s32 $0x8;
	v14 =	vld [tilespmem:s12+$0xFFFFFFD0]  }
0x344: {  	v16 =	vmov s3;
	v26 =	vor.u32 v13, v21;
	v17 =	vld [tilespmem:s7+$0xFFFFFFC0]  }
0x345: {  	v16 =	vadd.s32 $0x3, v16;
	v35 =	vor.u32 v10, v21;
	v19 =	vld [tilespmem:s7+$0xFFFFFFB0]  }
0x346: {  	v27 =	vor.u32 v1, v21;
	v16 =	vshll.u32 v16, $0x7;
	v32 =	vld [tilespmem:s7+$0xFFFFFF90]  }
0x347: {  	v20 =	vor.u32 v7, v21;
	v25 =	vbroadcast v16, $0x0;
	v24 =	vor.u32 v12, v21;
	v31 =	vld [tilespmem:s7+$0xFFFFFFF0]  }
0x348: {  	v18 =	vor.u32 v9, v21;
	v22 =	vor.u32 v11, v21;
	v16 =	vor.u32 v8, v21;
	v28 =	vld [tilespmem:s7+$0xFFFFFFE0]  }
0x349: {  	v30 =	vor.u32 v1, v25;
	v29 =	vor.u32 v12, v25;
	v21 =	vld [tilespmem:s12+$0x0];
	[tilespmem:v26+s29+$0x0] =	vst.idx.msk $0xffff, v23  }
0x34a: {  	s4 =	simm.s32 $0x19270;
	v33 =	vor.u32 v7, v25;
	v26 =	vld [tilespmem:s12+$0xFFFFFFA0];
	v23 =	vor.u32 v8, v25;
	[tilespmem:v35+s29+$0x0] =	vst.idx.msk $0xffff, v34  }
.LBB2_31:
0x34b: {  	s3 =	sadd.s32 $0x8, s3;
	v34 =	vld [tilespmem:s4+$0xFFFFFFD0];
	v35 =	vor.u32 v9, v25;
	v36 =	vor.u32 v10, v25;
	[tilespmem:v27+s29+$0x0] =	vst.idx.msk $0xffff, v32;
	s7 =	simm.s32 $0x19370;
	v37 =	vmov v19  }
0x34c: {  	v39 =	vor.u32 v11, v25;
	v40 =	vor.u32 v13, v25;
	v27 =	vmovc v30;
	v19 =	vmov s3;
	p1 =	slt.u32 s3, $0x18;
	v38 =	vld [tilespmem:s12+$0xFFFFFFC0];
	[tilespmem:v24+s29+$0x0] =	vst.idx.msk $0xffff, v31  }
0x34d: {  	v24 =	vmov v29;
	v25 =	vadd.s32 $0x3, v19;
	v19 =	vld [tilespmem:s12+$0xFFFFFFB0];
	[tilespmem:v20+s29+$0x0] =	vst.idx.msk $0xffff, v15;
	v20 =	vmov v33  }
.Ltmp20:
0x34e: {  	v29 =	vshll.u32 v25, $0x7;
	v32 =	vld [tilespmem:s12+$0xFFFFFF90];
	[tilespmem:v22+s29+$0x0] =	vst.idx.msk $0xffff, v28;
	v22 =	vmov v39;
	(pc) =	sbr.rel @p1 .LBB2_31-.Ltmp20, $4  }
0x34f: {  	v25 =	vbroadcast v29, $0x0;
	v31 =	vld [tilespmem:s12+$0xFFFFFFF0];
	[tilespmem:v18+s29+$0x0] =	vst.idx.msk $0xffff, v17;
	v18 =	vmov v35;
	v15 =	vmov v26  }
0x350: {  	v28 =	vld [tilespmem:s12+$0xFFFFFFE0];
	[tilespmem:v16+s29+$0x0] =	vst.idx.msk $0xffff, v37;
	v16 =	vmov v23;
	s12 =	smov.u32 s4  }
0x351: {  	v30 =	vor.u32 v1, v25;
	v29 =	vor.u32 v12, v25;
	[tilespmem:v40+s29+$0x0] =	vst.idx.msk $0xffff, v21;
	v21 =	vld [tilespmem:s4+$0x0];
	v17 =	vmov v38  }
0x352: {  	v33 =	vor.u32 v7, v25;
	v23 =	vor.u32 v8, v25;
	s4 =	sadd.s32 $0x80, s4;
	v26 =	vld [tilespmem:s12+$0xFFFFFFA0];
	[tilespmem:v36+s29+$0x0] =	vst.idx.msk $0xffff, v14;
	v14 =	vmov v34  }
0x353: {  	_ =	sdelay $0x3  }
0x354: {  	[tilespmem:v27+s29+$0x0] =	vst.idx.msk $0xffff, v32  }
0x355: {  	[tilespmem:v20+s29+$0x0] =	vst.idx.msk $0xffff, v15  }
0x356: {  	v27 =	vor.u32 v13, v25;
	[tilespmem:v18+s29+$0x0] =	vst.idx.msk $0xffff, v17  }
0x357: {  	[tilespmem:v24+s29+$0x0] =	vst.idx.msk $0xffff, v31;
	v24 =	vor.u32 v10, v25  }
0x358: {  	v15 =	vld [tilespmem:s12+$0xFFFFFF90];
	[tilespmem:v16+s29+$0x0] =	vst.idx.msk $0xffff, v19  }
0x359: {  	v20 =	vld [tilespmem:s12+$0xFFFFFFF0];
	[tilespmem:v22+s29+$0x0] =	vst.idx.msk $0xffff, v28  }
0x35a: {  	v16 =	vor.u32 v11, v25;
	v17 =	vld [tilespmem:s12+$0xFFFFFFE0];
	[tilespmem:v33+s29+$0x0] =	vst.idx.msk $0xffff, v26  }
0x35b: {  	v18 =	vor.u32 v9, v25;
	v19 =	vld [tilespmem:s12+$0xFFFFFFC0];
	[tilespmem:v27+s29+$0x0] =	vst.idx.msk $0xffff, v21  }
0x35c: {  	[tilespmem:v24+s29+$0x0] =	vst.idx.msk $0xffff, v14;
	v14 =	vld [tilespmem:s12+$0xFFFFFFB0]  }
0x35d: {  	[tilespmem:v30+s29+$0x0] =	vst.idx.msk $0xffff, v15  }
0x35e: {  	[tilespmem:v29+s29+$0x0] =	vst.idx.msk $0xffff, v20  }
0x35f: {  	[tilespmem:v16+s29+$0x0] =	vst.idx.msk $0xffff, v17  }
0x360: {  	s3 =	simm.s32 $0x0;
	[tilespmem:v18+s29+$0x0] =	vst.idx.msk $0xffff, v19  }
0x361: {  	[tilespmem:v23+s29+$0x0] =	vst.idx.msk $0xffff, v14;
	v14 =	vmov s3  }
0x362: {  	v35 =	vld [tilespmem:s7+$0xFFFFFFD0];
	v15 =	vadd.s32 $0x4, v14  }
0x363: {  	v24 =	vld [tilespmem:s7+$0x0];
	v15 =	vshll.u32 v15, $0x7  }
0x364: {  	v16 =	vld [tilespmem:s7+$0xFFFFFFA0];
	v22 =	vbroadcast v15, $0x0  }
0x365: {  	s3 =	simm.s32 $0x8;
	v18 =	vld [tilespmem:s7+$0xFFFFFFC0]  }
0x366: {  	v17 =	vmov s3;
	v20 =	vld [tilespmem:s7+$0xFFFFFFB0];
	v27 =	vor.u32 v13, v22  }
0x367: {  	v33 =	vld [tilespmem:s7+$0xFFFFFF90];
	v17 =	vadd.s32 $0x4, v17;
	v36 =	vor.u32 v10, v22  }
0x368: {  	v32 =	vld [tilespmem:s7+$0xFFFFFFF0];
	v17 =	vshll.u32 v17, $0x7;
	v28 =	vor.u32 v1, v22  }
0x369: {  	s12 =	simm.s32 $0x193F0;
	v29 =	vld [tilespmem:s7+$0xFFFFFFE0];
	v26 =	vbroadcast v17, $0x0;
	v25 =	vor.u32 v12, v22;
	v21 =	vor.u32 v7, v22  }
0x36a: {  	v15 =	vld [tilespmem:s12+$0xFFFFFFD0];
	v17 =	vor.u32 v8, v22;
	v19 =	vor.u32 v9, v22;
	v23 =	vor.u32 v11, v22  }
0x36b: {  	v22 =	vld [tilespmem:s12+$0x0];
	v31 =	vor.u32 v1, v26;
	v30 =	vor.u32 v12, v26;
	[tilespmem:v27+s29+$0x0] =	vst.idx.msk $0xffff, v24  }
0x36c: {  	s4 =	simm.s32 $0x19470;
	v34 =	vor.u32 v7, v26;
	v27 =	vld [tilespmem:s12+$0xFFFFFFA0];
	v24 =	vor.u32 v8, v26;
	[tilespmem:v36+s29+$0x0] =	vst.idx.msk $0xffff, v35  }
.LBB2_33:
0x36d: {  	s3 =	sadd.s32 $0x8, s3;
	v35 =	vld [tilespmem:s4+$0xFFFFFFD0];
	v36 =	vor.u32 v9, v26;
	v37 =	vor.u32 v10, v26;
	[tilespmem:v28+s29+$0x0] =	vst.idx.msk $0xffff, v33;
	s7 =	simm.s32 $0x19570;
	v38 =	vmov v20  }
0x36e: {  	v40 =	vor.u32 v11, v26;
	v41 =	vor.u32 v13, v26;
	v28 =	vmovc v31;
	v20 =	vmov s3;
	p1 =	slt.u32 s3, $0x18;
	v39 =	vld [tilespmem:s12+$0xFFFFFFC0];
	[tilespmem:v25+s29+$0x0] =	vst.idx.msk $0xffff, v32  }
0x36f: {  	v25 =	vmov v30;
	v26 =	vadd.s32 $0x4, v20;
	v20 =	vld [tilespmem:s12+$0xFFFFFFB0];
	[tilespmem:v21+s29+$0x0] =	vst.idx.msk $0xffff, v16;
	v21 =	vmov v34  }
.Ltmp21:
0x370: {  	v30 =	vshll.u32 v26, $0x7;
	v33 =	vld [tilespmem:s12+$0xFFFFFF90];
	[tilespmem:v23+s29+$0x0] =	vst.idx.msk $0xffff, v29;
	v23 =	vmov v40;
	(pc) =	sbr.rel @p1 .LBB2_33-.Ltmp21, $4  }
0x371: {  	v26 =	vbroadcast v30, $0x0;
	v32 =	vld [tilespmem:s12+$0xFFFFFFF0];
	[tilespmem:v19+s29+$0x0] =	vst.idx.msk $0xffff, v18;
	v19 =	vmov v36;
	v16 =	vmov v27  }
0x372: {  	v29 =	vld [tilespmem:s12+$0xFFFFFFE0];
	[tilespmem:v17+s29+$0x0] =	vst.idx.msk $0xffff, v38;
	v17 =	vmov v24;
	s12 =	smov.u32 s4  }
0x373: {  	v31 =	vor.u32 v1, v26;
	v30 =	vor.u32 v12, v26;
	[tilespmem:v41+s29+$0x0] =	vst.idx.msk $0xffff, v22;
	v22 =	vld [tilespmem:s4+$0x0];
	v18 =	vmov v39  }
0x374: {  	v34 =	vor.u32 v7, v26;
	v24 =	vor.u32 v8, v26;
	s4 =	sadd.s32 $0x80, s4;
	v27 =	vld [tilespmem:s12+$0xFFFFFFA0];
	[tilespmem:v37+s29+$0x0] =	vst.idx.msk $0xffff, v15;
	v15 =	vmov v35  }
0x375: {  	_ =	sdelay $0x3  }
0x376: {  	[tilespmem:v28+s29+$0x0] =	vst.idx.msk $0xffff, v33  }
0x377: {  	[tilespmem:v21+s29+$0x0] =	vst.idx.msk $0xffff, v16  }
0x378: {  	v28 =	vor.u32 v13, v26;
	[tilespmem:v19+s29+$0x0] =	vst.idx.msk $0xffff, v18  }
0x379: {  	[tilespmem:v25+s29+$0x0] =	vst.idx.msk $0xffff, v32;
	v25 =	vor.u32 v10, v26  }
0x37a: {  	v16 =	vld [tilespmem:s12+$0xFFFFFF90];
	[tilespmem:v17+s29+$0x0] =	vst.idx.msk $0xffff, v20  }
0x37b: {  	v21 =	vld [tilespmem:s12+$0xFFFFFFF0];
	[tilespmem:v23+s29+$0x0] =	vst.idx.msk $0xffff, v29  }
0x37c: {  	v17 =	vor.u32 v11, v26;
	v18 =	vld [tilespmem:s12+$0xFFFFFFE0];
	[tilespmem:v34+s29+$0x0] =	vst.idx.msk $0xffff, v27  }
0x37d: {  	v19 =	vor.u32 v9, v26;
	v20 =	vld [tilespmem:s12+$0xFFFFFFC0];
	[tilespmem:v28+s29+$0x0] =	vst.idx.msk $0xffff, v22  }
0x37e: {  	[tilespmem:v25+s29+$0x0] =	vst.idx.msk $0xffff, v15;
	v15 =	vld [tilespmem:s12+$0xFFFFFFB0]  }
0x37f: {  	[tilespmem:v31+s29+$0x0] =	vst.idx.msk $0xffff, v16  }
0x380: {  	[tilespmem:v30+s29+$0x0] =	vst.idx.msk $0xffff, v21  }
0x381: {  	[tilespmem:v17+s29+$0x0] =	vst.idx.msk $0xffff, v18  }
0x382: {  	[tilespmem:v19+s29+$0x0] =	vst.idx.msk $0xffff, v20  }
0x383: {  	[tilespmem:v24+s29+$0x0] =	vst.idx.msk $0xffff, v15  }
0x384: {  	v14 =	vadd.s32 $0x5, v14;
	v34 =	vld [tilespmem:s7+$0xFFFFFFD0]  }
0x385: {  	v14 =	vshll.u32 v14, $0x7;
	v23 =	vld [tilespmem:s7+$0x0]  }
0x386: {  	v21 =	vbroadcast v14, $0x0;
	s12 =	simm.s32 $0x195F0;
	v15 =	vld [tilespmem:s7+$0xFFFFFFA0]  }
0x387: {  	s3 =	simm.s32 $0x8;
	v14 =	vld [tilespmem:s12+$0xFFFFFFD0]  }
0x388: {  	v16 =	vmov s3;
	v26 =	vor.u32 v13, v21;
	v17 =	vld [tilespmem:s7+$0xFFFFFFC0]  }
0x389: {  	v16 =	vadd.s32 $0x5, v16;
	v35 =	vor.u32 v10, v21;
	v19 =	vld [tilespmem:s7+$0xFFFFFFB0]  }
0x38a: {  	v27 =	vor.u32 v1, v21;
	v16 =	vshll.u32 v16, $0x7;
	v32 =	vld [tilespmem:s7+$0xFFFFFF90]  }
0x38b: {  	v20 =	vor.u32 v7, v21;
	v25 =	vbroadcast v16, $0x0;
	v24 =	vor.u32 v12, v21;
	v31 =	vld [tilespmem:s7+$0xFFFFFFF0]  }
0x38c: {  	v18 =	vor.u32 v9, v21;
	v22 =	vor.u32 v11, v21;
	v16 =	vor.u32 v8, v21;
	v28 =	vld [tilespmem:s7+$0xFFFFFFE0]  }
0x38d: {  	v30 =	vor.u32 v1, v25;
	v29 =	vor.u32 v12, v25;
	v21 =	vld [tilespmem:s12+$0x0];
	[tilespmem:v26+s29+$0x0] =	vst.idx.msk $0xffff, v23  }
0x38e: {  	s4 =	simm.s32 $0x19670;
	v33 =	vor.u32 v7, v25;
	v26 =	vld [tilespmem:s12+$0xFFFFFFA0];
	v23 =	vor.u32 v8, v25;
	[tilespmem:v35+s29+$0x0] =	vst.idx.msk $0xffff, v34  }
.LBB2_35:
0x38f: {  	s3 =	sadd.s32 $0x8, s3;
	v34 =	vld [tilespmem:s4+$0xFFFFFFD0];
	v35 =	vor.u32 v9, v25;
	v36 =	vor.u32 v10, v25;
	[tilespmem:v27+s29+$0x0] =	vst.idx.msk $0xffff, v32;
	s7 =	simm.s32 $0x19770;
	v37 =	vmov v19  }
0x390: {  	v39 =	vor.u32 v11, v25;
	v40 =	vor.u32 v13, v25;
	v27 =	vmovc v30;
	v19 =	vmov s3;
	p1 =	slt.u32 s3, $0x18;
	v38 =	vld [tilespmem:s12+$0xFFFFFFC0];
	[tilespmem:v24+s29+$0x0] =	vst.idx.msk $0xffff, v31  }
0x391: {  	v24 =	vmov v29;
	v25 =	vadd.s32 $0x5, v19;
	v19 =	vld [tilespmem:s12+$0xFFFFFFB0];
	[tilespmem:v20+s29+$0x0] =	vst.idx.msk $0xffff, v15;
	v20 =	vmov v33  }
.Ltmp22:
0x392: {  	v29 =	vshll.u32 v25, $0x7;
	v32 =	vld [tilespmem:s12+$0xFFFFFF90];
	[tilespmem:v22+s29+$0x0] =	vst.idx.msk $0xffff, v28;
	v22 =	vmov v39;
	(pc) =	sbr.rel @p1 .LBB2_35-.Ltmp22, $4  }
0x393: {  	v25 =	vbroadcast v29, $0x0;
	v31 =	vld [tilespmem:s12+$0xFFFFFFF0];
	[tilespmem:v18+s29+$0x0] =	vst.idx.msk $0xffff, v17;
	v18 =	vmov v35;
	v15 =	vmov v26  }
0x394: {  	v28 =	vld [tilespmem:s12+$0xFFFFFFE0];
	[tilespmem:v16+s29+$0x0] =	vst.idx.msk $0xffff, v37;
	v16 =	vmov v23;
	s12 =	smov.u32 s4  }
0x395: {  	v30 =	vor.u32 v1, v25;
	v29 =	vor.u32 v12, v25;
	[tilespmem:v40+s29+$0x0] =	vst.idx.msk $0xffff, v21;
	v21 =	vld [tilespmem:s4+$0x0];
	v17 =	vmov v38  }
0x396: {  	v33 =	vor.u32 v7, v25;
	v23 =	vor.u32 v8, v25;
	s4 =	sadd.s32 $0x80, s4;
	v26 =	vld [tilespmem:s12+$0xFFFFFFA0];
	[tilespmem:v36+s29+$0x0] =	vst.idx.msk $0xffff, v14;
	v14 =	vmov v34  }
0x397: {  	_ =	sdelay $0x3  }
0x398: {  	[tilespmem:v27+s29+$0x0] =	vst.idx.msk $0xffff, v32  }
0x399: {  	[tilespmem:v20+s29+$0x0] =	vst.idx.msk $0xffff, v15  }
0x39a: {  	v27 =	vor.u32 v13, v25;
	[tilespmem:v18+s29+$0x0] =	vst.idx.msk $0xffff, v17  }
0x39b: {  	[tilespmem:v24+s29+$0x0] =	vst.idx.msk $0xffff, v31;
	v24 =	vor.u32 v10, v25  }
0x39c: {  	v15 =	vld [tilespmem:s12+$0xFFFFFF90];
	[tilespmem:v16+s29+$0x0] =	vst.idx.msk $0xffff, v19  }
0x39d: {  	v20 =	vld [tilespmem:s12+$0xFFFFFFF0];
	[tilespmem:v22+s29+$0x0] =	vst.idx.msk $0xffff, v28  }
0x39e: {  	v16 =	vor.u32 v11, v25;
	v17 =	vld [tilespmem:s12+$0xFFFFFFE0];
	[tilespmem:v33+s29+$0x0] =	vst.idx.msk $0xffff, v26  }
0x39f: {  	v18 =	vor.u32 v9, v25;
	v19 =	vld [tilespmem:s12+$0xFFFFFFC0];
	[tilespmem:v27+s29+$0x0] =	vst.idx.msk $0xffff, v21  }
0x3a0: {  	[tilespmem:v24+s29+$0x0] =	vst.idx.msk $0xffff, v14;
	v14 =	vld [tilespmem:s12+$0xFFFFFFB0]  }
0x3a1: {  	[tilespmem:v30+s29+$0x0] =	vst.idx.msk $0xffff, v15  }
0x3a2: {  	[tilespmem:v29+s29+$0x0] =	vst.idx.msk $0xffff, v20  }
0x3a3: {  	[tilespmem:v16+s29+$0x0] =	vst.idx.msk $0xffff, v17  }
0x3a4: {  	s3 =	simm.s32 $0x0;
	[tilespmem:v18+s29+$0x0] =	vst.idx.msk $0xffff, v19  }
0x3a5: {  	[tilespmem:v23+s29+$0x0] =	vst.idx.msk $0xffff, v14;
	v14 =	vmov s3  }
0x3a6: {  	v35 =	vld [tilespmem:s7+$0xFFFFFFD0];
	v15 =	vadd.s32 $0x6, v14  }
0x3a7: {  	v24 =	vld [tilespmem:s7+$0x0];
	v15 =	vshll.u32 v15, $0x7  }
0x3a8: {  	v16 =	vld [tilespmem:s7+$0xFFFFFFA0];
	v22 =	vbroadcast v15, $0x0  }
0x3a9: {  	s3 =	simm.s32 $0x8;
	v18 =	vld [tilespmem:s7+$0xFFFFFFC0]  }
0x3aa: {  	v17 =	vmov s3;
	v20 =	vld [tilespmem:s7+$0xFFFFFFB0];
	v27 =	vor.u32 v13, v22  }
0x3ab: {  	v33 =	vld [tilespmem:s7+$0xFFFFFF90];
	v17 =	vadd.s32 $0x6, v17;
	v36 =	vor.u32 v10, v22  }
0x3ac: {  	v32 =	vld [tilespmem:s7+$0xFFFFFFF0];
	v17 =	vshll.u32 v17, $0x7;
	v28 =	vor.u32 v1, v22  }
0x3ad: {  	s12 =	simm.s32 $0x197F0;
	v29 =	vld [tilespmem:s7+$0xFFFFFFE0];
	v26 =	vbroadcast v17, $0x0;
	v25 =	vor.u32 v12, v22;
	v21 =	vor.u32 v7, v22  }
0x3ae: {  	v15 =	vld [tilespmem:s12+$0xFFFFFFD0];
	v17 =	vor.u32 v8, v22;
	v19 =	vor.u32 v9, v22;
	v23 =	vor.u32 v11, v22  }
0x3af: {  	v22 =	vld [tilespmem:s12+$0x0];
	v31 =	vor.u32 v1, v26;
	v30 =	vor.u32 v12, v26;
	[tilespmem:v27+s29+$0x0] =	vst.idx.msk $0xffff, v24  }
0x3b0: {  	s4 =	simm.s32 $0x19870;
	v34 =	vor.u32 v7, v26;
	v27 =	vld [tilespmem:s12+$0xFFFFFFA0];
	v24 =	vor.u32 v8, v26;
	[tilespmem:v36+s29+$0x0] =	vst.idx.msk $0xffff, v35  }
.LBB2_37:
0x3b1: {  	s3 =	sadd.s32 $0x8, s3;
	v35 =	vld [tilespmem:s4+$0xFFFFFFD0];
	v36 =	vor.u32 v9, v26;
	v37 =	vor.u32 v10, v26;
	[tilespmem:v28+s29+$0x0] =	vst.idx.msk $0xffff, v33;
	s23 =	simm.s32 $0x19970;
	v38 =	vmov v20  }
0x3b2: {  	v40 =	vor.u32 v11, v26;
	v41 =	vor.u32 v13, v26;
	v28 =	vmovc v31;
	v20 =	vmov s3;
	p1 =	slt.u32 s3, $0x18;
	v39 =	vld [tilespmem:s12+$0xFFFFFFC0];
	[tilespmem:v25+s29+$0x0] =	vst.idx.msk $0xffff, v32  }
0x3b3: {  	v25 =	vmov v30;
	v26 =	vadd.s32 $0x6, v20;
	v20 =	vld [tilespmem:s12+$0xFFFFFFB0];
	[tilespmem:v21+s29+$0x0] =	vst.idx.msk $0xffff, v16;
	v21 =	vmov v34  }
.Ltmp23:
0x3b4: {  	v30 =	vshll.u32 v26, $0x7;
	v33 =	vld [tilespmem:s12+$0xFFFFFF90];
	[tilespmem:v23+s29+$0x0] =	vst.idx.msk $0xffff, v29;
	v23 =	vmov v40;
	(pc) =	sbr.rel @p1 .LBB2_37-.Ltmp23, $4  }
0x3b5: {  	v26 =	vbroadcast v30, $0x0;
	v32 =	vld [tilespmem:s12+$0xFFFFFFF0];
	[tilespmem:v19+s29+$0x0] =	vst.idx.msk $0xffff, v18;
	v19 =	vmov v36;
	v16 =	vmov v27  }
0x3b6: {  	v29 =	vld [tilespmem:s12+$0xFFFFFFE0];
	[tilespmem:v17+s29+$0x0] =	vst.idx.msk $0xffff, v38;
	v17 =	vmov v24;
	s12 =	smov.u32 s4  }
0x3b7: {  	v31 =	vor.u32 v1, v26;
	v30 =	vor.u32 v12, v26;
	[tilespmem:v41+s29+$0x0] =	vst.idx.msk $0xffff, v22;
	v22 =	vld [tilespmem:s4+$0x0];
	v18 =	vmov v39  }
0x3b8: {  	v34 =	vor.u32 v7, v26;
	v24 =	vor.u32 v8, v26;
	s4 =	sadd.s32 $0x80, s4;
	v27 =	vld [tilespmem:s12+$0xFFFFFFA0];
	[tilespmem:v37+s29+$0x0] =	vst.idx.msk $0xffff, v15;
	v15 =	vmov v35  }
0x3b9: {  	_ =	sdelay $0x3  }
0x3ba: {  	[tilespmem:v28+s29+$0x0] =	vst.idx.msk $0xffff, v33  }
0x3bb: {  	[tilespmem:v21+s29+$0x0] =	vst.idx.msk $0xffff, v16  }
0x3bc: {  	v28 =	vor.u32 v13, v26;
	[tilespmem:v19+s29+$0x0] =	vst.idx.msk $0xffff, v18  }
0x3bd: {  	[tilespmem:v25+s29+$0x0] =	vst.idx.msk $0xffff, v32;
	v25 =	vor.u32 v10, v26  }
0x3be: {  	v16 =	vld [tilespmem:s12+$0xFFFFFF90];
	[tilespmem:v17+s29+$0x0] =	vst.idx.msk $0xffff, v20  }
0x3bf: {  	v21 =	vld [tilespmem:s12+$0xFFFFFFF0];
	[tilespmem:v23+s29+$0x0] =	vst.idx.msk $0xffff, v29  }
0x3c0: {  	v17 =	vor.u32 v11, v26;
	v18 =	vld [tilespmem:s12+$0xFFFFFFE0];
	[tilespmem:v34+s29+$0x0] =	vst.idx.msk $0xffff, v27  }
0x3c1: {  	v19 =	vor.u32 v9, v26;
	v20 =	vld [tilespmem:s12+$0xFFFFFFC0];
	[tilespmem:v28+s29+$0x0] =	vst.idx.msk $0xffff, v22  }
0x3c2: {  	[tilespmem:v25+s29+$0x0] =	vst.idx.msk $0xffff, v15;
	v15 =	vld [tilespmem:s12+$0xFFFFFFB0]  }
0x3c3: {  	[tilespmem:v31+s29+$0x0] =	vst.idx.msk $0xffff, v16  }
0x3c4: {  	[tilespmem:v30+s29+$0x0] =	vst.idx.msk $0xffff, v21  }
0x3c5: {  	[tilespmem:v17+s29+$0x0] =	vst.idx.msk $0xffff, v18  }
0x3c6: {  	[tilespmem:v19+s29+$0x0] =	vst.idx.msk $0xffff, v20  }
0x3c7: {  	[tilespmem:v24+s29+$0x0] =	vst.idx.msk $0xffff, v15  }
0x3c8: {  	v14 =	vadd.s32 $0x7, v14;
	v34 =	vld [tilespmem:s23+$0xFFFFFFD0]  }
0x3c9: {  	v14 =	vshll.u32 v14, $0x7;
	v22 =	vld [tilespmem:s23+$0x0]  }
0x3ca: {  	s7 =	simm.s32 $0x199F0;
	v21 =	vbroadcast v14, $0x0;
	v15 =	vld [tilespmem:s23+$0xFFFFFFA0]  }
0x3cb: {  	s3 =	simm.s32 $0x8;
	v14 =	vld [tilespmem:s7+$0xFFFFFFD0]  }
0x3cc: {  	v16 =	vmov s3;
	v27 =	vor.u32 v13, v21;
	v17 =	vld [tilespmem:s23+$0xFFFFFFC0]  }
0x3cd: {  	v16 =	vadd.s32 $0x7, v16;
	v35 =	vor.u32 v10, v21;
	v19 =	vld [tilespmem:s23+$0xFFFFFFB0]  }
0x3ce: {  	v26 =	vor.u32 v1, v21;
	v16 =	vshll.u32 v16, $0x7;
	v32 =	vld [tilespmem:s23+$0xFFFFFF90]  }
0x3cf: {  	v20 =	vor.u32 v7, v21;
	v25 =	vbroadcast v16, $0x0;
	v24 =	vor.u32 v12, v21;
	v31 =	vld [tilespmem:s23+$0xFFFFFFF0]  }
0x3d0: {  	v18 =	vor.u32 v9, v21;
	v23 =	vor.u32 v11, v21;
	v16 =	vor.u32 v8, v21;
	v28 =	vld [tilespmem:s23+$0xFFFFFFE0]  }
0x3d1: {  	v30 =	vor.u32 v1, v25;
	v29 =	vor.u32 v12, v25;
	v21 =	vld [tilespmem:s7+$0x0];
	[tilespmem:v27+s29+$0x0] =	vst.idx.msk $0xffff, v22  }
0x3d2: {  	s4 =	simm.s32 $0x19A70;
	v33 =	vor.u32 v7, v25;
	v27 =	vld [tilespmem:s7+$0xFFFFFFA0];
	v22 =	vor.u32 v8, v25;
	[tilespmem:v35+s29+$0x0] =	vst.idx.msk $0xffff, v34  }
.LBB2_39:
0x3d3: {  	s3 =	sadd.s32 $0x8, s3;
	v34 =	vld [tilespmem:s4+$0xFFFFFFD0];
	v35 =	vor.u32 v9, v25;
	v36 =	vor.u32 v10, v25;
	[tilespmem:v26+s29+$0x0] =	vst.idx.msk $0xffff, v32;
	v37 =	vmov v19  }
0x3d4: {  	v39 =	vor.u32 v11, v25;
	v40 =	vor.u32 v13, v25;
	v26 =	vmovc v30;
	v19 =	vmov s3;
	p1 =	slt.u32 s3, $0x18;
	v38 =	vld [tilespmem:s7+$0xFFFFFFC0];
	[tilespmem:v24+s29+$0x0] =	vst.idx.msk $0xffff, v31  }
0x3d5: {  	v24 =	vmov v29;
	v25 =	vadd.s32 $0x7, v19;
	v19 =	vld [tilespmem:s7+$0xFFFFFFB0];
	[tilespmem:v20+s29+$0x0] =	vst.idx.msk $0xffff, v15;
	v20 =	vmov v33  }
.Ltmp24:
0x3d6: {  	v29 =	vshll.u32 v25, $0x7;
	v32 =	vld [tilespmem:s7+$0xFFFFFF90];
	[tilespmem:v23+s29+$0x0] =	vst.idx.msk $0xffff, v28;
	v23 =	vmov v39;
	(pc) =	sbr.rel @p1 .LBB2_39-.Ltmp24, $4  }
0x3d7: {  	v15 =	vmov v27;
	v25 =	vbroadcast v29, $0x0;
	v31 =	vld [tilespmem:s7+$0xFFFFFFF0];
	[tilespmem:v18+s29+$0x0] =	vst.idx.msk $0xffff, v17;
	v18 =	vmov v35  }
0x3d8: {  	v28 =	vld [tilespmem:s7+$0xFFFFFFE0];
	[tilespmem:v16+s29+$0x0] =	vst.idx.msk $0xffff, v37;
	v16 =	vmov v22;
	s7 =	smov.u32 s4  }
0x3d9: {  	v30 =	vor.u32 v1, v25;
	v29 =	vor.u32 v12, v25;
	[tilespmem:v40+s29+$0x0] =	vst.idx.msk $0xffff, v21;
	v21 =	vld [tilespmem:s4+$0x0];
	v17 =	vmov v38  }
0x3da: {  	v33 =	vor.u32 v7, v25;
	v22 =	vor.u32 v8, v25;
	s4 =	sadd.s32 $0x80, s4;
	v27 =	vld [tilespmem:s7+$0xFFFFFFA0];
	[tilespmem:v36+s29+$0x0] =	vst.idx.msk $0xffff, v14;
	v14 =	vmov v34  }
.Ltmp25:
0x3db: {  	_ = 	snop;
	(pc) =	sbr.rel .LBB2_40-.Ltmp25, $1  }
0x3dc: {  	_ =	sdelay $0x3  }
.LBB2_43:
0x3dd: {  	_ =	sfence.sel $0x180000  }
0x3de: {  	[bflag:$0x0] =	sbarrier.arrive $0xFFFF  }
0x3df: {  	_ =	strace $0x90000047  }
0x3e0: {  	[bflag:$0x2] =	sbarrier.arrive $0xFFFF  }
0x3e1: {  	p0 =	sne.s32 s8, $0x0;
	s0 =	rddreg [dreg:$0x5]  }
0x3e2: {  	s0 =	sadd.s32 @!p0 $0x100000, s0  }
0x3e3: {  	[sflag:s0] =	ssyncadd.tile.s32 @!p0 $0x1;
	_ =	shalt  }
.Lfunc_end2:
_tile_overlayer_lowered:
.L_overlay_start_2:
0x3e4: {  	(tag) =	ssettag $0x2  }
0x3e5: {  	s0 =	rddreg [dreg:$0x0];
	s2 =	stileid.u32  }
0x3e6: {  	s1 =	rddreg [dreg:$0x1];
	p0 =	sne.s32 s2, $0x0  }
0x3e7: {  	s3 =	rddreg [dreg:$0x2];
	[bflag:$0x3] =	sbarrier.arrive $0xFFFF;
	s2 =	simm.s32 @!p0 $0x1C05  }
0x3e8: {  	[timem:s3], [sflag:s2] =	dma.local @!p0 [hbm:s0], s1  }
0x3e9: {  	s0 =	simm.s32 @!p0 $0x5  }
0x3ea: {  	_ =	swait.ge @!p0 [sflag:s0], s1  }
0x3eb: {  	s1 =	ssub.s32 @!p0 $0x0, s1;
	[sflag:s0] =	ssyncset.done @!p0 $0x0  }
0x3ec: {  	[sflag:s0] =	ssyncadd.s32 @!p0 s1  }
0x3ed: {  	[bflag:$0x3] =	sbarrier.arrive $0xFFFF  }
0x3ee: {  	_ =	shalt  }

</sc_bundles>
